<compile_context>
chip_gen: v7x
topology: tpu7x:2x2x1
jax: 0.10.2.dev20260603
libtpu: 0.0.44.dev20260713+nightly
codegen_flags: <defaults>
</compile_context>

<pallas_src>
import functools

import jax
import jax.numpy as jnp
from jax import lax
from jax.experimental import pallas as pl
from jax.experimental.pallas import tpu as pltpu, tpu_sc as plsc

_NP = 48
_NV = 10000
_F = 128
_STRIPE = 625
_SUB = 125
_PHASES = _STRIPE // _SUB
_PANELS_PER_CORE = _NP // 2


def _compute(xin, win, xout):
    def row(r, _):
        for l in range(_F // 16):
            sl = pl.ds(l * 16, 16)
            xout[r, sl] = xin[r, sl] + win[r, sl]
        return _
    lax.fori_loop(0, _SUB, row, None)


def _sc_body(xf_hbm, w_hbm, out_hbm, xin0, xin1, win, xo0, xo1,
             s_in0, s_in1, s_o0, s_o1):
    c = lax.axis_index("c")
    s = lax.axis_index("s")
    stripe0 = s * _STRIPE
    panel0 = c * _PANELS_PER_CORE

    for j in range(_PHASES):
        wrow0 = stripe0 + j * _SUB
        pltpu.sync_copy(w_hbm.at[pl.ds(wrow0, _SUB)], win)

        def row0(p):
            return (panel0 + p) * _NV + wrow0

        def start_in(p, buf, sem):
            pltpu.make_async_copy(xf_hbm.at[pl.ds(row0(p), _SUB)], buf, sem).start()

        def wait_in(buf, sem):
            pltpu.make_async_copy(xf_hbm.at[pl.ds(0, _SUB)], buf, sem).wait()

        def start_out(p, buf, sem):
            pltpu.make_async_copy(buf, out_hbm.at[pl.ds(row0(p), _SUB)], sem).start()

        def wait_out(buf, sem):
            pltpu.make_async_copy(buf, out_hbm.at[pl.ds(0, _SUB)], sem).wait()

        start_in(0, xin0, s_in0)

        def step(o, _):
            p0 = 2 * o
            p1 = p0 + 1
            wait_in(xin0, s_in0)
            start_in(p1, xin1, s_in1)

            @pl.when(o > 0)
            def _():
                wait_out(xo0, s_o0)

            _compute(xin0, win, xo0)
            start_out(p0, xo0, s_o0)

            @pl.when(o < _PANELS_PER_CORE // 2 - 1)
            def _():
                start_in(p0 + 2, xin0, s_in0)

            wait_in(xin1, s_in1)

            @pl.when(o > 0)
            def _():
                wait_out(xo1, s_o1)

            _compute(xin1, win, xo1)
            start_out(p1, xo1, s_o1)
            return _

        lax.fori_loop(0, _PANELS_PER_CORE // 2, step, None)
        wait_out(xo0, s_o0)
        wait_out(xo1, s_o1)


def kernel(x, W):
    batch, n, t, f = x.shape
    xt = jnp.transpose(x, (0, 2, 1, 3))
    xf = xt.reshape(batch * t * n, f)

    mesh = plsc.VectorSubcoreMesh(core_axis_name="c", subcore_axis_name="s")
    sc = functools.partial(
        pl.kernel,
        out_type=jax.ShapeDtypeStruct((batch * t * n, f), x.dtype),
        mesh=mesh,
        compiler_params=pltpu.CompilerParams(use_tc_tiling_on_sc=False),
        scratch_types=[
            pltpu.VMEM((_SUB, _F), jnp.float32),
            pltpu.VMEM((_SUB, _F), jnp.float32),
            pltpu.VMEM((_SUB, _F), jnp.float32),
            pltpu.VMEM((_SUB, _F), jnp.float32),
            pltpu.VMEM((_SUB, _F), jnp.float32),
            pltpu.SemaphoreType.DMA,
            pltpu.SemaphoreType.DMA,
            pltpu.SemaphoreType.DMA,
            pltpu.SemaphoreType.DMA,
        ],
    )(_sc_body)
    out_f = sc(xf, W)
    out_t = out_f.reshape(batch, t, n, f)
    return jnp.transpose(out_t, (0, 2, 1, 3))

# --- scband reference (transcript-rebuilt; emitter-appended) ---
"""Pipeline reference for scband-spatial-positional-encoding-34617436406021 (READ-ONLY COPY).

The authoritative reference and input builder live on the scoring server;
editing this copy changes nothing except your own understanding.
"""

import jax, jax.numpy as jnp
import numpy as np


def setup_inputs(seed: int = 0) -> dict:
    key = jax.random.key(seed)
    k1, k2 = jax.random.split(key)
    x = jax.random.normal(k1, (4, 10000, 12, 128), dtype=jnp.float32)
    # learned parameter: embedding table (num_of_vertices, d_model)
    W = jax.random.normal(k2, (10000, 128), dtype=jnp.float32) * 0.02
    return {"x": x, "W": W}


def reference(x, W):
    # x: (batch, N, T, F_in); W: (num_of_vertices, d_model)
    batch, num_of_vertices, timestamps, _ = x.shape
    x_indexs = jnp.arange(num_of_vertices)
    embed = jnp.take(W, x_indexs, axis=0)          # (N, d_model)  -- embedding gather
    embed = embed[None, :, :]                      # unsqueeze(0) -> (1, N, d_model)
    out = x + embed[:, :, None, :]                 # unsqueeze(2) -> (1, N, 1, d_model), broadcast add
    # dropout with p=0.0 is identity
    return out

if __name__ == "__main__":
    import jax
    _d = setup_inputs()
    print(jax.jit(kernel)(*tuple(_d.values())))

</pallas_src>

<mosaic_0001>
#map = affine_map<(d0, d1) -> (0, 0)>
module attributes {stable_mosaic.version = 14 : i64} {
  func.func @_sc_body(%arg0: i32, %arg1: i32, %arg2: memref<480000x128xf32, #tpu.memory_space<hbm>>, %arg3: memref<10000x128xf32, #tpu.memory_space<hbm>>, %arg4: memref<480000x128xf32, #tpu.memory_space<hbm>>, %arg5: memref<125x128xf32, #tpu.memory_space<vmem>>, %arg6: memref<125x128xf32, #tpu.memory_space<vmem>>, %arg7: memref<125x128xf32, #tpu.memory_space<vmem>>, %arg8: memref<125x128xf32, #tpu.memory_space<vmem>>, %arg9: memref<125x128xf32, #tpu.memory_space<vmem>>, %arg10: memref<!tpu.dma_semaphore, #tpu.memory_space<semaphore_mem>>, %arg11: memref<!tpu.dma_semaphore, #tpu.memory_space<semaphore_mem>>, %arg12: memref<!tpu.dma_semaphore, #tpu.memory_space<semaphore_mem>>, %arg13: memref<!tpu.dma_semaphore, #tpu.memory_space<semaphore_mem>>) attributes {dimension_semantics = [#tpu.dimension_semantics<core_parallel>, #tpu.dimension_semantics<subcore_parallel>], iteration_bounds = array<i64: 2, 16>, scalar_prefetch = 0 : i64, scratch_operands = 9 : i64, tpu.core_type = #tpu.core_type<sc_vector_subcore>, window_params = [{transform_indices = #map}, {transform_indices = #map}, {transform_indices = #map}]} {
    %mul3A = arith.constant 625 : i32
    %mul3A_0 = arith.muli %arg1, %mul3A : i32
    %mul3A_1 = arith.constant 24 : i32
    %mul3A_2 = arith.muli %arg0, %mul3A_1 : i32
    %add3A = arith.constant 0 : i32
    %add3A_3 = arith.addi %mul3A_0, %add3A : i32
    "tpu.region"() ({
      %run_scoped3A = tpu.sem_alloc : memref<!tpu.dma_semaphore, #tpu.memory_space<semaphore_mem>>
      %dma_start3A_139 = arith.constant 0 : i32
      %dma_start3A_140 = tpu.memref_slice %arg3[%add3A_3, %dma_start3A_139] : memref<10000x128xf32, #tpu.memory_space<hbm>> -> memref<125x128xf32, #tpu.memory_space<hbm>>
      %dma_start3A_141 = arith.constant 0 : i32
      %dma_start3A_142 = tpu.memref_slice %arg3[%add3A_3, %dma_start3A_141] : memref<10000x128xf32, #tpu.memory_space<hbm>> -> memref<125x128xf32, #tpu.memory_space<hbm>>
      tpu.enqueue_dma source(%dma_start3A_142 : memref<125x128xf32, #tpu.memory_space<hbm>>) target(%arg7 : memref<125x128xf32, #tpu.memory_space<vmem>>) target_semaphore(%run_scoped3A : memref<!tpu.dma_semaphore, #tpu.memory_space<semaphore_mem>>)
      %dma_wait3A_143 = arith.constant 0 : i32
      %dma_wait3A_144 = tpu.memref_slice %arg3[%add3A_3, %dma_wait3A_143] : memref<10000x128xf32, #tpu.memory_space<hbm>> -> memref<125x128xf32, #tpu.memory_space<hbm>>
      %dma_wait3A_145 = arith.constant 0 : i32
      %dma_wait3A_146 = tpu.memref_slice %arg3[%add3A_3, %dma_wait3A_145] : memref<10000x128xf32, #tpu.memory_space<hbm>> -> memref<125x128xf32, #tpu.memory_space<hbm>>
      tpu.wait_dma2 semaphore(%run_scoped3A : memref<!tpu.dma_semaphore, #tpu.memory_space<semaphore_mem>>) src(%dma_wait3A_146 : memref<125x128xf32, #tpu.memory_space<hbm>>) dst(%arg7 : memref<125x128xf32, #tpu.memory_space<vmem>>)
      tpu.yield
    }) : () -> ()
    %add3A_4 = arith.constant 0 : i32
    %add3A_5 = arith.addi %mul3A_2, %add3A_4 : i32
    %mul3A_6 = arith.constant 10000 : i32
    %mul3A_7 = arith.muli %add3A_5, %mul3A_6 : i32
    %add3A_8 = arith.addi %mul3A_7, %add3A_3 : i32
    %dma_start3A = arith.constant 0 : i32
    %dma_start3A_9 = tpu.memref_slice %arg2[%add3A_8, %dma_start3A] : memref<480000x128xf32, #tpu.memory_space<hbm>> -> memref<125x128xf32, #tpu.memory_space<hbm>>
    %dma_start3A_10 = arith.constant 0 : i32
    %dma_start3A_11 = tpu.memref_slice %arg2[%add3A_8, %dma_start3A_10] : memref<480000x128xf32, #tpu.memory_space<hbm>> -> memref<125x128xf32, #tpu.memory_space<hbm>>
    tpu.enqueue_dma source(%dma_start3A_11 : memref<125x128xf32, #tpu.memory_space<hbm>>) target(%arg5 : memref<125x128xf32, #tpu.memory_space<vmem>>) target_semaphore(%arg10 : memref<!tpu.dma_semaphore, #tpu.memory_space<semaphore_mem>>)
    %scan3A = arith.constant 0 : i32
    %scan3A_12 = arith.constant 12 : i32
    %scan3A_13 = arith.addi %scan3A, %scan3A_12 : i32
    %scan3A_14 = arith.constant 1 : i32
    scf.for %scan3A_139 = %scan3A to %scan3A_13 step %scan3A_14  : i32 {
      %mul3A_140 = arith.constant 2 : i32
      %mul3A_141 = arith.muli %mul3A_140, %scan3A_139 : i32
      %add3A_142 = arith.constant 1 : i32
      %add3A_143 = arith.addi %mul3A_141, %add3A_142 : i32
      %dma_wait3A_144 = arith.constant 0 : i32
      %dma_wait3A_145 = arith.constant 0 : i32
      %dma_wait3A_146 = tpu.memref_slice %arg2[%dma_wait3A_144, %dma_wait3A_145] : memref<480000x128xf32, #tpu.memory_space<hbm>> -> memref<125x128xf32, #tpu.memory_space<hbm>>
      %dma_wait3A_147 = arith.constant 0 : i32
      %dma_wait3A_148 = arith.constant 0 : i32
      %dma_wait3A_149 = tpu.memref_slice %arg2[%dma_wait3A_147, %dma_wait3A_148] : memref<480000x128xf32, #tpu.memory_space<hbm>> -> memref<125x128xf32, #tpu.memory_space<hbm>>
      tpu.wait_dma2 semaphore(%arg10 : memref<!tpu.dma_semaphore, #tpu.memory_space<semaphore_mem>>) src(%dma_wait3A_149 : memref<125x128xf32, #tpu.memory_space<hbm>>) dst(%arg5 : memref<125x128xf32, #tpu.memory_space<vmem>>)
      %add3A_150 = arith.addi %mul3A_2, %add3A_143 : i32
      %mul3A_151 = arith.constant 10000 : i32
      %mul3A_152 = arith.muli %add3A_150, %mul3A_151 : i32
      %add3A_153 = arith.addi %mul3A_152, %add3A_3 : i32
      %dma_start3A_154 = arith.constant 0 : i32
      %dma_start3A_155 = tpu.memref_slice %arg2[%add3A_153, %dma_start3A_154] : memref<480000x128xf32, #tpu.memory_space<hbm>> -> memref<125x128xf32, #tpu.memory_space<hbm>>
      %dma_start3A_156 = arith.constant 0 : i32
      %dma_start3A_157 = tpu.memref_slice %arg2[%add3A_153, %dma_start3A_156] : memref<480000x128xf32, #tpu.memory_space<hbm>> -> memref<125x128xf32, #tpu.memory_space<hbm>>
      tpu.enqueue_dma source(%dma_start3A_157 : memref<125x128xf32, #tpu.memory_space<hbm>>) target(%arg6 : memref<125x128xf32, #tpu.memory_space<vmem>>) target_semaphore(%arg11 : memref<!tpu.dma_semaphore, #tpu.memory_space<semaphore_mem>>)
      %gt3A = arith.constant 0 : i32
      %gt3A_158 = arith.cmpi sgt, %scan3A_139, %gt3A : i32
      %convert_element_type3A = arith.extui %gt3A_158 : i1 to i32
      %cond3A = arith.constant 0 : i32
      %cond3A_159 = arith.cmpi ne, %convert_element_type3A, %cond3A : i32
      scf.if %cond3A_159 {
        %dma_wait3A_201 = arith.constant 0 : i32
        %dma_wait3A_202 = arith.constant 0 : i32
        %dma_wait3A_203 = tpu.memref_slice %arg4[%dma_wait3A_201, %dma_wait3A_202] : memref<480000x128xf32, #tpu.memory_space<hbm>> -> memref<125x128xf32, #tpu.memory_space<hbm>>
        %dma_wait3A_204 = arith.constant 0 : i32
        %dma_wait3A_205 = arith.constant 0 : i32
        %dma_wait3A_206 = tpu.memref_slice %arg4[%dma_wait3A_204, %dma_wait3A_205] : memref<480000x128xf32, #tpu.memory_space<hbm>> -> memref<125x128xf32, #tpu.memory_space<hbm>>
        tpu.wait_dma2 semaphore(%arg12 : memref<!tpu.dma_semaphore, #tpu.memory_space<semaphore_mem>>) src(%arg8 : memref<125x128xf32, #tpu.memory_space<vmem>>) dst(%dma_wait3A_206 : memref<125x128xf32, #tpu.memory_space<hbm>>)
      } else {
      }
      %scan3A_160 = arith.constant 0 : i32
      %scan3A_161 = arith.constant 125 : i32
      %scan3A_162 = arith.addi %scan3A_160, %scan3A_161 : i32
      %scan3A_163 = arith.constant 1 : i32
      scf.for %scan3A_201 = %scan3A_160 to %scan3A_162 step %scan3A_163  : i32 {
        %get3A = arith.index_cast %scan3A_201 : i32 to index
        %get3A_202 = arith.constant 0 : index
        %get3A_203 = tpu.vector_load %arg5[%get3A, %get3A_202] {strides = array<i32>} : memref<125x128xf32, #tpu.memory_space<vmem>>, vector<1x16xf32>,
        %get3A_204 = vector.shape_cast %get3A_203 : vector<1x16xf32> to vector<16xf32>
        %get3A_205 = arith.index_cast %scan3A_201 : i32 to index
        %get3A_206 = arith.constant 0 : index
        %get3A_207 = tpu.vector_load %arg7[%get3A_205, %get3A_206] {strides = array<i32>} : memref<125x128xf32, #tpu.memory_space<vmem>>, vector<1x16xf32>,
        %get3A_208 = vector.shape_cast %get3A_207 : vector<1x16xf32> to vector<16xf32>
        %add3A_209 = arith.addf %get3A_204, %get3A_208 : vector<16xf32>
        %swap3A = arith.index_cast %scan3A_201 : i32 to index
        %swap3A_210 = arith.constant 0 : index
        %swap3A_211 = tpu.vector_load %arg8[%swap3A, %swap3A_210] {strides = array<i32>} : memref<125x128xf32, #tpu.memory_space<vmem>>, vector<1x16xf32>,
        %swap3A_212 = vector.shape_cast %swap3A_211 : vector<1x16xf32> to vector<16xf32>
        %swap3A_213 = vector.shape_cast %add3A_209 : vector<16xf32> to vector<1x16xf32>
        tpu.vector_store %arg8[%swap3A, %swap3A_210], %swap3A_213 {strides = array<i32>} : memref<125x128xf32, #tpu.memory_space<vmem>>, vector<1x16xf32>,
        %get3A_214 = arith.index_cast %scan3A_201 : i32 to index
        %get3A_215 = arith.constant 16 : index
        %get3A_216 = tpu.vector_load %arg5[%get3A_214, %get3A_215] {strides = array<i32>} : memref<125x128xf32, #tpu.memory_space<vmem>>, vector<1x16xf32>,
        %get3A_217 = vector.shape_cast %get3A_216 : vector<1x16xf32> to vector<16xf32>
        %get3A_218 = arith.index_cast %scan3A_201 : i32 to index
        %get3A_219 = arith.constant 16 : index
        %get3A_220 = tpu.vector_load %arg7[%get3A_218, %get3A_219] {strides = array<i32>} : memref<125x128xf32, #tpu.memory_space<vmem>>, vector<1x16xf32>,
        %get3A_221 = vector.shape_cast %get3A_220 : vector<1x16xf32> to vector<16xf32>
        %add3A_222 = arith.addf %get3A_217, %get3A_221 : vector<16xf32>
        %swap3A_223 = arith.index_cast %scan3A_201 : i32 to index
        %swap3A_224 = arith.constant 16 : index
        %swap3A_225 = tpu.vector_load %arg8[%swap3A_223, %swap3A_224] {strides = array<i32>} : memref<125x128xf32, #tpu.memory_space<vmem>>, vector<1x16xf32>,
        %swap3A_226 = vector.shape_cast %swap3A_225 : vector<1x16xf32> to vector<16xf32>
        %swap3A_227 = vector.shape_cast %add3A_222 : vector<16xf32> to vector<1x16xf32>
        tpu.vector_store %arg8[%swap3A_223, %swap3A_224], %swap3A_227 {strides = array<i32>} : memref<125x128xf32, #tpu.memory_space<vmem>>, vector<1x16xf32>,
        %get3A_228 = arith.index_cast %scan3A_201 : i32 to index
        %get3A_229 = arith.constant 32 : index
        %get3A_230 = tpu.vector_load %arg5[%get3A_228, %get3A_229] {strides = array<i32>} : memref<125x128xf32, #tpu.memory_space<vmem>>, vector<1x16xf32>,
        %get3A_231 = vector.shape_cast %get3A_230 : vector<1x16xf32> to vector<16xf32>
        %get3A_232 = arith.index_cast %scan3A_201 : i32 to index
        %get3A_233 = arith.constant 32 : index
        %get3A_234 = tpu.vector_load %arg7[%get3A_232, %get3A_233] {strides = array<i32>} : memref<125x128xf32, #tpu.memory_space<vmem>>, vector<1x16xf32>,
        %get3A_235 = vector.shape_cast %get3A_234 : vector<1x16xf32> to vector<16xf32>
        %add3A_236 = arith.addf %get3A_231, %get3A_235 : vector<16xf32>
        %swap3A_237 = arith.index_cast %scan3A_201 : i32 to index
        %swap3A_238 = arith.constant 32 : index
        %swap3A_239 = tpu.vector_load %arg8[%swap3A_237, %swap3A_238] {strides = array<i32>} : memref<125x128xf32, #tpu.memory_space<vmem>>, vector<1x16xf32>,
        %swap3A_240 = vector.shape_cast %swap3A_239 : vector<1x16xf32> to vector<16xf32>
        %swap3A_241 = vector.shape_cast %add3A_236 : vector<16xf32> to vector<1x16xf32>
        tpu.vector_store %arg8[%swap3A_237, %swap3A_238], %swap3A_241 {strides = array<i32>} : memref<125x128xf32, #tpu.memory_space<vmem>>, vector<1x16xf32>,
        %get3A_242 = arith.index_cast %scan3A_201 : i32 to index
        %get3A_243 = arith.constant 48 : index
        %get3A_244 = tpu.vector_load %arg5[%get3A_242, %get3A_243] {strides = array<i32>} : memref<125x128xf32, #tpu.memory_space<vmem>>, vector<1x16xf32>,
        %get3A_245 = vector.shape_cast %get3A_244 : vector<1x16xf32> to vector<16xf32>
        %get3A_246 = arith.index_cast %scan3A_201 : i32 to index
        %get3A_247 = arith.constant 48 : index
        %get3A_248 = tpu.vector_load %arg7[%get3A_246, %get3A_247] {strides = array<i32>} : memref<125x128xf32, #tpu.memory_space<vmem>>, vector<1x16xf32>,
        %get3A_249 = vector.shape_cast %get3A_248 : vector<1x16xf32> to vector<16xf32>
        %add3A_250 = arith.addf %get3A_245, %get3A_249 : vector<16xf32>
        %swap3A_251 = arith.index_cast %scan3A_201 : i32 to index
        %swap3A_252 = arith.constant 48 : index
        %swap3A_253 = tpu.vector_load %arg8[%swap3A_251, %swap3A_252] {strides = array<i32>} : memref<125x128xf32, #tpu.memory_space<vmem>>, vector<1x16xf32>,
        %swap3A_254 = vector.shape_cast %swap3A_253 : vector<1x16xf32> to vector<16xf32>
        %swap3A_255 = vector.shape_cast %add3A_250 : vector<16xf32> to vector<1x16xf32>
        tpu.vector_store %arg8[%swap3A_251, %swap3A_252], %swap3A_255 {strides = array<i32>} : memref<125x128xf32, #tpu.memory_space<vmem>>, vector<1x16xf32>,
        %get3A_256 = arith.index_cast %scan3A_201 : i32 to index
        %get3A_257 = arith.constant 64 : index
        %get3A_258 = tpu.vector_load %arg5[%get3A_256, %get3A_257] {strides = array<i32>} : memref<125x128xf32, #tpu.memory_space<vmem>>, vector<1x16xf32>,
        %get3A_259 = vector.shape_cast %get3A_258 : vector<1x16xf32> to vector<16xf32>
        %get3A_260 = arith.index_cast %scan3A_201 : i32 to index
        %get3A_261 = arith.constant 64 : index
        %get3A_262 = tpu.vector_load %arg7[%get3A_260, %get3A_261] {strides = array<i32>} : memref<125x128xf32, #tpu.memory_space<vmem>>, vector<1x16xf32>,
        %get3A_263 = vector.shape_cast %get3A_262 : vector<1x16xf32> to vector<16xf32>
        %add3A_264 = arith.addf %get3A_259, %get3A_263 : vector<16xf32>
        %swap3A_265 = arith.index_cast %scan3A_201 : i32 to index
        %swap3A_266 = arith.constant 64 : index
        %swap3A_267 = tpu.vector_load %arg8[%swap3A_265, %swap3A_266] {strides = array<i32>} : memref<125x128xf32, #tpu.memory_space<vmem>>, vector<1x16xf32>,
        %swap3A_268 = vector.shape_cast %swap3A_267 : vector<1x16xf32> to vector<16xf32>
        %swap3A_269 = vector.shape_cast %add3A_264 : vector<16xf32> to vector<1x16xf32>
        tpu.vector_store %arg8[%swap3A_265, %swap3A_266], %swap3A_269 {strides = array<i32>} : memref<125x128xf32, #tpu.memory_space<vmem>>, vector<1x16xf32>,
        %get3A_270 = arith.index_cast %scan3A_201 : i32 to index
        %get3A_271 = arith.constant 80 : index
        %get3A_272 = tpu.vector_load %arg5[%get3A_270, %get3A_271] {strides = array<i32>} : memref<125x128xf32, #tpu.memory_space<vmem>>, vector<1x16xf32>,
        %get3A_273 = vector.shape_cast %get3A_272 : vector<1x16xf32> to vector<16xf32>
        %get3A_274 = arith.index_cast %scan3A_201 : i32 to index
        %get3A_275 = arith.constant 80 : index
        %get3A_276 = tpu.vector_load %arg7[%get3A_274, %get3A_275] {strides = array<i32>} : memref<125x128xf32, #tpu.memory_space<vmem>>, vector<1x16xf32>,
        %get3A_277 = vector.shape_cast %get3A_276 : vector<1x16xf32> to vector<16xf32>
        %add3A_278 = arith.addf %get3A_273, %get3A_277 : vector<16xf32>
        %swap3A_279 = arith.index_cast %scan3A_201 : i32 to index
        %swap3A_280 = arith.constant 80 : index
        %swap3A_281 = tpu.vector_load %arg8[%swap3A_279, %swap3A_280] {strides = array<i32>} : memref<125x128xf32, #tpu.memory_space<vmem>>, vector<1x16xf32>,
        %swap3A_282 = vector.shape_cast %swap3A_281 : vector<1x16xf32> to vector<16xf32>
        %swap3A_283 = vector.shape_cast %add3A_278 : vector<16xf32> to vector<1x16xf32>
        tpu.vector_store %arg8[%swap3A_279, %swap3A_280], %swap3A_283 {strides = array<i32>} : memref<125x128xf32, #tpu.memory_space<vmem>>, vector<1x16xf32>,
        %get3A_284 = arith.index_cast %scan3A_201 : i32 to index
        %get3A_285 = arith.constant 96 : index
        %get3A_286 = tpu.vector_load %arg5[%get3A_284, %get3A_285] {strides = array<i32>} : memref<125x128xf32, #tpu.memory_space<vmem>>, vector<1x16xf32>,
        %get3A_287 = vector.shape_cast %get3A_286 : vector<1x16xf32> to vector<16xf32>
        %get3A_288 = arith.index_cast %scan3A_201 : i32 to index
        %get3A_289 = arith.constant 96 : index
        %get3A_290 = tpu.vector_load %arg7[%get3A_288, %get3A_289] {strides = array<i32>} : memref<125x128xf32, #tpu.memory_space<vmem>>, vector<1x16xf32>,
        %get3A_291 = vector.shape_cast %get3A_290 : vector<1x16xf32> to vector<16xf32>
        %add3A_292 = arith.addf %get3A_287, %get3A_291 : vector<16xf32>
        %swap3A_293 = arith.index_cast %scan3A_201 : i32 to index
        %swap3A_294 = arith.constant 96 : index
        %swap3A_295 = tpu.vector_load %arg8[%swap3A_293, %swap3A_294] {strides = array<i32>} : memref<125x128xf32, #tpu.memory_space<vmem>>, vector<1x16xf32>,
        %swap3A_296 = vector.shape_cast %swap3A_295 : vector<1x16xf32> to vector<16xf32>
        %swap3A_297 = vector.shape_cast %add3A_292 : vector<16xf32> to vector<1x16xf32>
        tpu.vector_store %arg8[%swap3A_293, %swap3A_294], %swap3A_297 {strides = array<i32>} : memref<125x128xf32, #tpu.memory_space<vmem>>, vector<1x16xf32>,
        %get3A_298 = arith.index_cast %scan3A_201 : i32 to index
        %get3A_299 = arith.constant 112 : index
        %get3A_300 = tpu.vector_load %arg5[%get3A_298, %get3A_299] {strides = array<i32>} : memref<125x128xf32, #tpu.memory_space<vmem>>, vector<1x16xf32>,
        %get3A_301 = vector.shape_cast %get3A_300 : vector<1x16xf32> to vector<16xf32>
        %get3A_302 = arith.index_cast %scan3A_201 : i32 to index
        %get3A_303 = arith.constant 112 : index
        %get3A_304 = tpu.vector_load %arg7[%get3A_302, %get3A_303] {strides = array<i32>} : memref<125x128xf32, #tpu.memory_space<vmem>>, vector<1x16xf32>,
        %get3A_305 = vector.shape_cast %get3A_304 : vector<1x16xf32> to vector<16xf32>
        %add3A_306 = arith.addf %get3A_301, %get3A_305 : vector<16xf32>
        %swap3A_307 = arith.index_cast %scan3A_201 : i32 to index
        %swap3A_308 = arith.constant 112 : index
        %swap3A_309 = tpu.vector_load %arg8[%swap3A_307, %swap3A_308] {strides = array<i32>} : memref<125x128xf32, #tpu.memory_space<vmem>>, vector<1x16xf32>,
        %swap3A_310 = vector.shape_cast %swap3A_309 : vector<1x16xf32> to vector<16xf32>
        %swap3A_311 = vector.shape_cast %add3A_306 : vector<16xf32> to vector<1x16xf32>
        tpu.vector_store %arg8[%swap3A_307, %swap3A_308], %swap3A_311 {strides = array<i32>} : memref<125x128xf32, #tpu.memory_space<vmem>>, vector<1x16xf32>,
      }
      %scan3A_164 = arith.constant 125 : i32
      %add3A_165 = arith.addi %mul3A_2, %mul3A_141 : i32
      %mul3A_166 = arith.constant 10000 : i32
      %mul3A_167 = arith.muli %add3A_165, %mul3A_166 : i32
      %add3A_168 = arith.addi %mul3A_167, %add3A_3 : i32
      %dma_start3A_169 = arith.constant 0 : i32
      %dma_start3A_170 = tpu.memref_slice %arg4[%add3A_168, %dma_start3A_169] : memref<480000x128xf32, #tpu.memory_space<hbm>> -> memref<125x128xf32, #tpu.memory_space<hbm>>
      %dma_start3A_171 = arith.constant 0 : i32
      %dma_start3A_172 = tpu.memref_slice %arg4[%add3A_168, %dma_start3A_171] : memref<480000x128xf32, #tpu.memory_space<hbm>> -> memref<125x128xf32, #tpu.memory_space<hbm>>
      tpu.enqueue_dma source(%arg8 : memref<125x128xf32, #tpu.memory_space<vmem>>) target(%dma_start3A_172 : memref<125x128xf32, #tpu.memory_space<hbm>>) target_semaphore(%arg12 : memref<!tpu.dma_semaphore, #tpu.memory_space<semaphore_mem>>)
      %lt3A = arith.constant 11 : i32
      %lt3A_173 = arith.cmpi slt, %scan3A_139, %lt3A : i32
      %convert_element_type3A_174 = arith.extui %lt3A_173 : i1 to i32
      %cond3A_175 = arith.constant 0 : i32
      %cond3A_176 = arith.cmpi ne, %convert_element_type3A_174, %cond3A_175 : i32
      scf.if %cond3A_176 {
        %add3A_201 = arith.constant 2 : i32
        %add3A_202 = arith.addi %mul3A_141, %add3A_201 : i32
        %add3A_203 = arith.addi %mul3A_2, %add3A_202 : i32
        %mul3A_204 = arith.constant 10000 : i32
        %mul3A_205 = arith.muli %add3A_203, %mul3A_204 : i32
        %add3A_206 = arith.addi %mul3A_205, %add3A_3 : i32
        %dma_start3A_207 = arith.constant 0 : i32
        %dma_start3A_208 = tpu.memref_slice %arg2[%add3A_206, %dma_start3A_207] : memref<480000x128xf32, #tpu.memory_space<hbm>> -> memref<125x128xf32, #tpu.memory_space<hbm>>
        %dma_start3A_209 = arith.constant 0 : i32
        %dma_start3A_210 = tpu.memref_slice %arg2[%add3A_206, %dma_start3A_209] : memref<480000x128xf32, #tpu.memory_space<hbm>> -> memref<125x128xf32, #tpu.memory_space<hbm>>
        tpu.enqueue_dma source(%dma_start3A_210 : memref<125x128xf32, #tpu.memory_space<hbm>>) target(%arg5 : memref<125x128xf32, #tpu.memory_space<vmem>>) target_semaphore(%arg10 : memref<!tpu.dma_semaphore, #tpu.memory_space<semaphore_mem>>)
      } else {
      }
      %dma_wait3A_177 = arith.constant 0 : i32
      %dma_wait3A_178 = arith.constant 0 : i32
      %dma_wait3A_179 = tpu.memref_slice %arg2[%dma_wait3A_177, %dma_wait3A_178] : memref<480000x128xf32, #tpu.memory_space<hbm>> -> memref<125x128xf32, #tpu.memory_space<hbm>>
      %dma_wait3A_180 = arith.constant 0 : i32
      %dma_wait3A_181 = arith.constant 0 : i32
      %dma_wait3A_182 = tpu.memref_slice %arg2[%dma_wait3A_180, %dma_wait3A_181] : memref<480000x128xf32, #tpu.memory_space<hbm>> -> memref<125x128xf32, #tpu.memory_space<hbm>>
      tpu.wait_dma2 semaphore(%arg11 : memref<!tpu.dma_semaphore, #tpu.memory_space<semaphore_mem>>) src(%dma_wait3A_182 : memref<125x128xf32, #tpu.memory_space<hbm>>) dst(%arg6 : memref<125x128xf32, #tpu.memory_space<vmem>>)
      %gt3A_183 = arith.constant 0 : i32
      %gt3A_184 = arith.cmpi sgt, %scan3A_139, %gt3A_183 : i32
      %convert_element_type3A_185 = arith.extui %gt3A_184 : i1 to i32
      %cond3A_186 = arith.constant 0 : i32
      %cond3A_187 = arith.cmpi ne, %convert_element_type3A_185, %cond3A_186 : i32
      scf.if %cond3A_187 {
        %dma_wait3A_201 = arith.constant 0 : i32
        %dma_wait3A_202 = arith.constant 0 : i32
        %dma_wait3A_203 = tpu.memref_slice %arg4[%dma_wait3A_201, %dma_wait3A_202] : memref<480000x128xf32, #tpu.memory_space<hbm>> -> memref<125x128xf32, #tpu.memory_space<hbm>>
        %dma_wait3A_204 = arith.constant 0 : i32
        %dma_wait3A_205 = arith.constant 0 : i32
        %dma_wait3A_206 = tpu.memref_slice %arg4[%dma_wait3A_204, %dma_wait3A_205] : memref<480000x128xf32, #tpu.memory_space<hbm>> -> memref<125x128xf32, #tpu.memory_space<hbm>>
        tpu.wait_dma2 semaphore(%arg13 : memref<!tpu.dma_semaphore, #tpu.memory_space<semaphore_mem>>) src(%arg9 : memref<125x128xf32, #tpu.memory_space<vmem>>) dst(%dma_wait3A_206 : memref<125x128xf32, #tpu.memory_space<hbm>>)
      } else {
      }
      %scan3A_188 = arith.constant 0 : i32
      %scan3A_189 = arith.constant 125 : i32
      %scan3A_190 = arith.addi %scan3A_188, %scan3A_189 : i32
      %scan3A_191 = arith.constant 1 : i32
      scf.for %scan3A_201 = %scan3A_188 to %scan3A_190 step %scan3A_191  : i32 {
        %get3A = arith.index_cast %scan3A_201 : i32 to index
        %get3A_202 = arith.constant 0 : index
        %get3A_203 = tpu.vector_load %arg6[%get3A, %get3A_202] {strides = array<i32>} : memref<125x128xf32, #tpu.memory_space<vmem>>, vector<1x16xf32>,
        %get3A_204 = vector.shape_cast %get3A_203 : vector<1x16xf32> to vector<16xf32>
        %get3A_205 = arith.index_cast %scan3A_201 : i32 to index
        %get3A_206 = arith.constant 0 : index
        %get3A_207 = tpu.vector_load %arg7[%get3A_205, %get3A_206] {strides = array<i32>} : memref<125x128xf32, #tpu.memory_space<vmem>>, vector<1x16xf32>,
        %get3A_208 = vector.shape_cast %get3A_207 : vector<1x16xf32> to vector<16xf32>
        %add3A_209 = arith.addf %get3A_204, %get3A_208 : vector<16xf32>
        %swap3A = arith.index_cast %scan3A_201 : i32 to index
        %swap3A_210 = arith.constant 0 : index
        %swap3A_211 = tpu.vector_load %arg9[%swap3A, %swap3A_210] {strides = array<i32>} : memref<125x128xf32, #tpu.memory_space<vmem>>, vector<1x16xf32>,
        %swap3A_212 = vector.shape_cast %swap3A_211 : vector<1x16xf32> to vector<16xf32>
        %swap3A_213 = vector.shape_cast %add3A_209 : vector<16xf32> to vector<1x16xf32>
        tpu.vector_store %arg9[%swap3A, %swap3A_210], %swap3A_213 {strides = array<i32>} : memref<125x128xf32, #tpu.memory_space<vmem>>, vector<1x16xf32>,
        %get3A_214 = arith.index_cast %scan3A_201 : i32 to index
        %get3A_215 = arith.constant 16 : index
        %get3A_216 = tpu.vector_load %arg6[%get3A_214, %get3A_215] {strides = array<i32>} : memref<125x128xf32, #tpu.memory_space<vmem>>, vector<1x16xf32>,
        %get3A_217 = vector.shape_cast %get3A_216 : vector<1x16xf32> to vector<16xf32>
        %get3A_218 = arith.index_cast %scan3A_201 : i32 to index
        %get3A_219 = arith.constant 16 : index
        %get3A_220 = tpu.vector_load %arg7[%get3A_218, %get3A_219] {strides = array<i32>} : memref<125x128xf32, #tpu.memory_space<vmem>>, vector<1x16xf32>,
        %get3A_221 = vector.shape_cast %get3A_220 : vector<1x16xf32> to vector<16xf32>
        %add3A_222 = arith.addf %get3A_217, %get3A_221 : vector<16xf32>
        %swap3A_223 = arith.index_cast %scan3A_201 : i32 to index
        %swap3A_224 = arith.constant 16 : index
        %swap3A_225 = tpu.vector_load %arg9[%swap3A_223, %swap3A_224] {strides = array<i32>} : memref<125x128xf32, #tpu.memory_space<vmem>>, vector<1x16xf32>,
        %swap3A_226 = vector.shape_cast %swap3A_225 : vector<1x16xf32> to vector<16xf32>
        %swap3A_227 = vector.shape_cast %add3A_222 : vector<16xf32> to vector<1x16xf32>
        tpu.vector_store %arg9[%swap3A_223, %swap3A_224], %swap3A_227 {strides = array<i32>} : memref<125x128xf32, #tpu.memory_space<vmem>>, vector<1x16xf32>,
        %get3A_228 = arith.index_cast %scan3A_201 : i32 to index
        %get3A_229 = arith.constant 32 : index
        %get3A_230 = tpu.vector_load %arg6[%get3A_228, %get3A_229] {strides = array<i32>} : memref<125x128xf32, #tpu.memory_space<vmem>>, vector<1x16xf32>,
        %get3A_231 = vector.shape_cast %get3A_230 : vector<1x16xf32> to vector<16xf32>
        %get3A_232 = arith.index_cast %scan3A_201 : i32 to index
        %get3A_233 = arith.constant 32 : index
        %get3A_234 = tpu.vector_load %arg7[%get3A_232, %get3A_233] {strides = array<i32>} : memref<125x128xf32, #tpu.memory_space<vmem>>, vector<1x16xf32>,
        %get3A_235 = vector.shape_cast %get3A_234 : vector<1x16xf32> to vector<16xf32>
        %add3A_236 = arith.addf %get3A_231, %get3A_235 : vector<16xf32>
        %swap3A_237 = arith.index_cast %scan3A_201 : i32 to index
        %swap3A_238 = arith.constant 32 : index
        %swap3A_239 = tpu.vector_load %arg9[%swap3A_237, %swap3A_238] {strides = array<i32>} : memref<125x128xf32, #tpu.memory_space<vmem>>, vector<1x16xf32>,
        %swap3A_240 = vector.shape_cast %swap3A_239 : vector<1x16xf32> to vector<16xf32>
        %swap3A_241 = vector.shape_cast %add3A_236 : vector<16xf32> to vector<1x16xf32>
        tpu.vector_store %arg9[%swap3A_237, %swap3A_238], %swap3A_241 {strides = array<i32>} : memref<125x128xf32, #tpu.memory_space<vmem>>, vector<1x16xf32>,
        %get3A_242 = arith.index_cast %scan3A_201 : i32 to index
        %get3A_243 = arith.constant 48 : index
        %get3A_244 = tpu.vector_load %arg6[%get3A_242, %get3A_243] {strides = array<i32>} : memref<125x128xf32, #tpu.memory_space<vmem>>, vector<1x16xf32>,
        %get3A_245 = vector.shape_cast %get3A_244 : vector<1x16xf32> to vector<16xf32>
        %get3A_246 = arith.index_cast %scan3A_201 : i32 to index
        %get3A_247 = arith.constant 48 : index
        %get3A_248 = tpu.vector_load %arg7[%get3A_246, %get3A_247] {strides = array<i32>} : memref<125x128xf32, #tpu.memory_space<vmem>>, vector<1x16xf32>,
        %get3A_249 = vector.shape_cast %get3A_248 : vector<1x16xf32> to vector<16xf32>
        %add3A_250 = arith.addf %get3A_245, %get3A_249 : vector<16xf32>
        %swap3A_251 = arith.index_cast %scan3A_201 : i32 to index
        %swap3A_252 = arith.constant 48 : index
        %swap3A_253 = tpu.vector_load %arg9[%swap3A_251, %swap3A_252] {strides = array<i32>} : memref<125x128xf32, #tpu.memory_space<vmem>>, vector<1x16xf32>,
        %swap3A_254 = vector.shape_cast %swap3A_253 : vector<1x16xf32> to vector<16xf32>
        %swap3A_255 = vector.shape_cast %add3A_250 : vector<16xf32> to vector<1x16xf32>
        tpu.vector_store %arg9[%swap3A_251, %swap3A_252], %swap3A_255 {strides = array<i32>} : memref<125x128xf32, #tpu.memory_space<vmem>>, vector<1x16xf32>,
        %get3A_256 = arith.index_cast %scan3A_201 : i32 to index
        %get3A_257 = arith.constant 64 : index
        %get3A_258 = tpu.vector_load %arg6[%get3A_256, %get3A_257] {strides = array<i32>} : memref<125x128xf32, #tpu.memory_space<vmem>>, vector<1x16xf32>,
        %get3A_259 = vector.shape_cast %get3A_258 : vector<1x16xf32> to vector<16xf32>
        %get3A_260 = arith.index_cast %scan3A_201 : i32 to index
        %get3A_261 = arith.constant 64 : index
        %get3A_262 = tpu.vector_load %arg7[%get3A_260, %get3A_261] {strides = array<i32>} : memref<125x128xf32, #tpu.memory_space<vmem>>, vector<1x16xf32>,
        %get3A_263 = vector.shape_cast %get3A_262 : vector<1x16xf32> to vector<16xf32>
        %add3A_264 = arith.addf %get3A_259, %get3A_263 : vector<16xf32>
        %swap3A_265 = arith.index_cast %scan3A_201 : i32 to index
        %swap3A_266 = arith.constant 64 : index
        %swap3A_267 = tpu.vector_load %arg9[%swap3A_265, %swap3A_266] {strides = array<i32>} : memref<125x128xf32, #tpu.memory_space<vmem>>, vector<1x16xf32>,
        %swap3A_268 = vector.shape_cast %swap3A_267 : vector<1x16xf32> to vector<16xf32>
        %swap3A_269 = vector.shape_cast %add3A_264 : vector<16xf32> to vector<1x16xf32>
        tpu.vector_store %arg9[%swap3A_265, %swap3A_266], %swap3A_269 {strides = array<i32>} : memref<125x128xf32, #tpu.memory_space<vmem>>, vector<1x16xf32>,
        %get3A_270 = arith.index_cast %scan3A_201 : i32 to index
        %get3A_271 = arith.constant 80 : index
        %get3A_272 = tpu.vector_load %arg6[%get3A_270, %get3A_271] {strides = array<i32>} : memref<125x128xf32, #tpu.memory_space<vmem>>, vector<1x16xf32>,
        %get3A_273 = vector.shape_cast %get3A_272 : vector<1x16xf32> to vector<16xf32>
        %get3A_274 = arith.index_cast %scan3A_201 : i32 to index
        %get3A_275 = arith.constant 80 : index
        %get3A_276 = tpu.vector_load %arg7[%get3A_274, %get3A_275] {strides = array<i32>} : memref<125x128xf32, #tpu.memory_space<vmem>>, vector<1x16xf32>,
        %get3A_277 = vector.shape_cast %get3A_276 : vector<1x16xf32> to vector<16xf32>
        %add3A_278 = arith.addf %get3A_273, %get3A_277 : vector<16xf32>
        %swap3A_279 = arith.index_cast %scan3A_201 : i32 to index
        %swap3A_280 = arith.constant 80 : index
        %swap3A_281 = tpu.vector_load %arg9[%swap3A_279, %swap3A_280] {strides = array<i32>} : memref<125x128xf32, #tpu.memory_space<vmem>>, vector<1x16xf32>,
        %swap3A_282 = vector.shape_cast %swap3A_281 : vector<1x16xf32> to vector<16xf32>
        %swap3A_283 = vector.shape_cast %add3A_278 : vector<16xf32> to vector<1x16xf32>
        tpu.vector_store %arg9[%swap3A_279, %swap3A_280], %swap3A_283 {strides = array<i32>} : memref<125x128xf32, #tpu.memory_space<vmem>>, vector<1x16xf32>,
        %get3A_284 = arith.index_cast %scan3A_201 : i32 to index
        %get3A_285 = arith.constant 96 : index
        %get3A_286 = tpu.vector_load %arg6[%get3A_284, %get3A_285] {strides = array<i32>} : memref<125x128xf32, #tpu.memory_space<vmem>>, vector<1x16xf32>,
        %get3A_287 = vector.shape_cast %get3A_286 : vector<1x16xf32> to vector<16xf32>
        %get3A_288 = arith.index_cast %scan3A_201 : i32 to index
        %get3A_289 = arith.constant 96 : index
        %get3A_290 = tpu.vector_load %arg7[%get3A_288, %get3A_289] {strides = array<i32>} : memref<125x128xf32, #tpu.memory_space<vmem>>, vector<1x16xf32>,
        %get3A_291 = vector.shape_cast %get3A_290 : vector<1x16xf32> to vector<16xf32>
        %add3A_292 = arith.addf %get3A_287, %get3A_291 : vector<16xf32>
        %swap3A_293 = arith.index_cast %scan3A_201 : i32 to index
        %swap3A_294 = arith.constant 96 : index
        %swap3A_295 = tpu.vector_load %arg9[%swap3A_293, %swap3A_294] {strides = array<i32>} : memref<125x128xf32, #tpu.memory_space<vmem>>, vector<1x16xf32>,
        %swap3A_296 = vector.shape_cast %swap3A_295 : vector<1x16xf32> to vector<16xf32>
        %swap3A_297 = vector.shape_cast %add3A_292 : vector<16xf32> to vector<1x16xf32>
        tpu.vector_store %arg9[%swap3A_293, %swap3A_294], %swap3A_297 {strides = array<i32>} : memref<125x128xf32, #tpu.memory_space<vmem>>, vector<1x16xf32>,
        %get3A_298 = arith.index_cast %scan3A_201 : i32 to index
        %get3A_299 = arith.constant 112 : index
        %get3A_300 = tpu.vector_load %arg6[%get3A_298, %get3A_299] {strides = array<i32>} : memref<125x128xf32, #tpu.memory_space<vmem>>, vector<1x16xf32>,
        %get3A_301 = vector.shape_cast %get3A_300 : vector<1x16xf32> to vector<16xf32>
        %get3A_302 = arith.index_cast %scan3A_201 : i32 to index
        %get3A_303 = arith.constant 112 : index
        %get3A_304 = tpu.vector_load %arg7[%get3A_302, %get3A_303] {strides = array<i32>} : memref<125x128xf32, #tpu.memory_space<vmem>>, vector<1x16xf32>,
        %get3A_305 = vector.shape_cast %get3A_304 : vector<1x16xf32> to vector<16xf32>
        %add3A_306 = arith.addf %get3A_301, %get3A_305 : vector<16xf32>
        %swap3A_307 = arith.index_cast %scan3A_201 : i32 to index
        %swap3A_308 = arith.constant 112 : index
        %swap3A_309 = tpu.vector_load %arg9[%swap3A_307, %swap3A_308] {strides = array<i32>} : memref<125x128xf32, #tpu.memory_space<vmem>>, vector<1x16xf32>,
        %swap3A_310 = vector.shape_cast %swap3A_309 : vector<1x16xf32> to vector<16xf32>
        %swap3A_311 = vector.shape_cast %add3A_306 : vector<16xf32> to vector<1x16xf32>
        tpu.vector_store %arg9[%swap3A_307, %swap3A_308], %swap3A_311 {strides = array<i32>} : memref<125x128xf32, #tpu.memory_space<vmem>>, vector<1x16xf32>,
      }
      %scan3A_192 = arith.constant 125 : i32
      %add3A_193 = arith.addi %mul3A_2, %add3A_143 : i32
      %mul3A_194 = arith.constant 10000 : i32
      %mul3A_195 = arith.muli %add3A_193, %mul3A_194 : i32
      %add3A_196 = arith.addi %mul3A_195, %add3A_3 : i32
      %dma_start3A_197 = arith.constant 0 : i32
      %dma_start3A_198 = tpu.memref_slice %arg4[%add3A_196, %dma_start3A_197] : memref<480000x128xf32, #tpu.memory_space<hbm>> -> memref<125x128xf32, #tpu.memory_space<hbm>>
      %dma_start3A_199 = arith.constant 0 : i32
      %dma_start3A_200 = tpu.memref_slice %arg4[%add3A_196, %dma_start3A_199] : memref<480000x128xf32, #tpu.memory_space<hbm>> -> memref<125x128xf32, #tpu.memory_space<hbm>>
      tpu.enqueue_dma source(%arg9 : memref<125x128xf32, #tpu.memory_space<vmem>>) target(%dma_start3A_200 : memref<125x128xf32, #tpu.memory_space<hbm>>) target_semaphore(%arg13 : memref<!tpu.dma_semaphore, #tpu.memory_space<semaphore_mem>>)
    }
    %scan3A_15 = arith.constant 12 : i32
    %dma_wait3A = arith.constant 0 : i32
    %dma_wait3A_16 = arith.constant 0 : i32
    %dma_wait3A_17 = tpu.memref_slice %arg4[%dma_wait3A, %dma_wait3A_16] : memref<480000x128xf32, #tpu.memory_space<hbm>> -> memref<125x128xf32, #tpu.memory_space<hbm>>
    %dma_wait3A_18 = arith.constant 0 : i32
    %dma_wait3A_19 = arith.constant 0 : i32
    %dma_wait3A_20 = tpu.memref_slice %arg4[%dma_wait3A_18, %dma_wait3A_19] : memref<480000x128xf32, #tpu.memory_space<hbm>> -> memref<125x128xf32, #tpu.memory_space<hbm>>
    tpu.wait_dma2 semaphore(%arg12 : memref<!tpu.dma_semaphore, #tpu.memory_space<semaphore_mem>>) src(%arg8 : memref<125x128xf32, #tpu.memory_space<vmem>>) dst(%dma_wait3A_20 : memref<125x128xf32, #tpu.memory_space<hbm>>)
    %dma_wait3A_21 = arith.constant 0 : i32
    %dma_wait3A_22 = arith.constant 0 : i32
    %dma_wait3A_23 = tpu.memref_slice %arg4[%dma_wait3A_21, %dma_wait3A_22] : memref<480000x128xf32, #tpu.memory_space<hbm>> -> memref<125x128xf32, #tpu.memory_space<hbm>>
    %dma_wait3A_24 = arith.constant 0 : i32
    %dma_wait3A_25 = arith.constant 0 : i32
    %dma_wait3A_26 = tpu.memref_slice %arg4[%dma_wait3A_24, %dma_wait3A_25] : memref<480000x128xf32, #tpu.memory_space<hbm>> -> memref<125x128xf32, #tpu.memory_space<hbm>>
    tpu.wait_dma2 semaphore(%arg13 : memref<!tpu.dma_semaphore, #tpu.memory_space<semaphore_mem>>) src(%arg9 : memref<125x128xf32, #tpu.memory_space<vmem>>) dst(%dma_wait3A_26 : memref<125x128xf32, #tpu.memory_space<hbm>>)
    %add3A_27 = arith.constant 125 : i32
    %add3A_28 = arith.addi %mul3A_0, %add3A_27 : i32
    "tpu.region"() ({
      %run_scoped3A = tpu.sem_alloc : memref<!tpu.dma_semaphore, #tpu.memory_space<semaphore_mem>>
      %dma_start3A_139 = arith.constant 0 : i32
      %dma_start3A_140 = tpu.memref_slice %arg3[%add3A_28, %dma_start3A_139] : memref<10000x128xf32, #tpu.memory_space<hbm>> -> memref<125x128xf32, #tpu.memory_space<hbm>>
      %dma_start3A_141 = arith.constant 0 : i32
      %dma_start3A_142 = tpu.memref_slice %arg3[%add3A_28, %dma_start3A_141] : memref<10000x128xf32, #tpu.memory_space<hbm>> -> memref<125x128xf32, #tpu.memory_space<hbm>>
      tpu.enqueue_dma source(%dma_start3A_142 : memref<125x128xf32, #tpu.memory_space<hbm>>) target(%arg7 : memref<125x128xf32, #tpu.memory_space<vmem>>) target_semaphore(%run_scoped3A : memref<!tpu.dma_semaphore, #tpu.memory_space<semaphore_mem>>)
      %dma_wait3A_143 = arith.constant 0 : i32
      %dma_wait3A_144 = tpu.memref_slice %arg3[%add3A_28, %dma_wait3A_143] : memref<10000x128xf32, #tpu.memory_space<hbm>> -> memref<125x128xf32, #tpu.memory_space<hbm>>
      %dma_wait3A_145 = arith.constant 0 : i32
      %dma_wait3A_146 = tpu.memref_slice %arg3[%add3A_28, %dma_wait3A_145] : memref<10000x128xf32, #tpu.memory_space<hbm>> -> memref<125x128xf32, #tpu.memory_space<hbm>>
      tpu.wait_dma2 semaphore(%run_scoped3A : memref<!tpu.dma_semaphore, #tpu.memory_space<semaphore_mem>>) src(%dma_wait3A_146 : memref<125x128xf32, #tpu.memory_space<hbm>>) dst(%arg7 : memref<125x128xf32, #tpu.memory_space<vmem>>)
      tpu.yield
    }) : () -> ()
    %add3A_29 = arith.constant 0 : i32
    %add3A_30 = arith.addi %mul3A_2, %add3A_29 : i32
    %mul3A_31 = arith.constant 10000 : i32
    %mul3A_32 = arith.muli %add3A_30, %mul3A_31 : i32
    %add3A_33 = arith.addi %mul3A_32, %add3A_28 : i32
    %dma_start3A_34 = arith.constant 0 : i32
    %dma_start3A_35 = tpu.memref_slice %arg2[%add3A_33, %dma_start3A_34] : memref<480000x128xf32, #tpu.memory_space<hbm>> -> memref<125x128xf32, #tpu.memory_space<hbm>>
    %dma_start3A_36 = arith.constant 0 : i32
    %dma_start3A_37 = tpu.memref_slice %arg2[%add3A_33, %dma_start3A_36] : memref<480000x128xf32, #tpu.memory_space<hbm>> -> memref<125x128xf32, #tpu.memory_space<hbm>>
    tpu.enqueue_dma source(%dma_start3A_37 : memref<125x128xf32, #tpu.memory_space<hbm>>) target(%arg5 : memref<125x128xf32, #tpu.memory_space<vmem>>) target_semaphore(%arg10 : memref<!tpu.dma_semaphore, #tpu.memory_space<semaphore_mem>>)
    %scan3A_38 = arith.constant 0 : i32
    %scan3A_39 = arith.constant 12 : i32
    %scan3A_40 = arith.addi %scan3A_38, %scan3A_39 : i32
    %scan3A_41 = arith.constant 1 : i32
    scf.for %scan3A_139 = %scan3A_38 to %scan3A_40 step %scan3A_41  : i32 {
      %mul3A_140 = arith.constant 2 : i32
      %mul3A_141 = arith.muli %mul3A_140, %scan3A_139 : i32
      %add3A_142 = arith.constant 1 : i32
      %add3A_143 = arith.addi %mul3A_141, %add3A_142 : i32
      %dma_wait3A_144 = arith.constant 0 : i32
      %dma_wait3A_145 = arith.constant 0 : i32
      %dma_wait3A_146 = tpu.memref_slice %arg2[%dma_wait3A_144, %dma_wait3A_145] : memref<480000x128xf32, #tpu.memory_space<hbm>> -> memref<125x128xf32, #tpu.memory_space<hbm>>
      %dma_wait3A_147 = arith.constant 0 : i32
      %dma_wait3A_148 = arith.constant 0 : i32
      %dma_wait3A_149 = tpu.memref_slice %arg2[%dma_wait3A_147, %dma_wait3A_148] : memref<480000x128xf32, #tpu.memory_space<hbm>> -> memref<125x128xf32, #tpu.memory_space<hbm>>
      tpu.wait_dma2 semaphore(%arg10 : memref<!tpu.dma_semaphore, #tpu.memory_space<semaphore_mem>>) src(%dma_wait3A_149 : memref<125x128xf32, #tpu.memory_space<hbm>>) dst(%arg5 : memref<125x128xf32, #tpu.memory_space<vmem>>)
      %add3A_150 = arith.addi %mul3A_2, %add3A_143 : i32
      %mul3A_151 = arith.constant 10000 : i32
      %mul3A_152 = arith.muli %add3A_150, %mul3A_151 : i32
      %add3A_153 = arith.addi %mul3A_152, %add3A_28 : i32
      %dma_start3A_154 = arith.constant 0 : i32
      %dma_start3A_155 = tpu.memref_slice %arg2[%add3A_153, %dma_start3A_154] : memref<480000x128xf32, #tpu.memory_space<hbm>> -> memref<125x128xf32, #tpu.memory_space<hbm>>
      %dma_start3A_156 = arith.constant 0 : i32
      %dma_start3A_157 = tpu.memref_slice %arg2[%add3A_153, %dma_start3A_156] : memref<480000x128xf32, #tpu.memory_space<hbm>> -> memref<125x128xf32, #tpu.memory_space<hbm>>
      tpu.enqueue_dma source(%dma_start3A_157 : memref<125x128xf32, #tpu.memory_space<hbm>>) target(%arg6 : memref<125x128xf32, #tpu.memory_space<vmem>>) target_semaphore(%arg11 : memref<!tpu.dma_semaphore, #tpu.memory_space<semaphore_mem>>)
      %gt3A = arith.constant 0 : i32
      %gt3A_158 = arith.cmpi sgt, %scan3A_139, %gt3A : i32
      %convert_element_type3A = arith.extui %gt3A_158 : i1 to i32
      %cond3A = arith.constant 0 : i32
      %cond3A_159 = arith.cmpi ne, %convert_element_type3A, %cond3A : i32
      scf.if %cond3A_159 {
        %dma_wait3A_201 = arith.constant 0 : i32
        %dma_wait3A_202 = arith.constant 0 : i32
        %dma_wait3A_203 = tpu.memref_slice %arg4[%dma_wait3A_201, %dma_wait3A_202] : memref<480000x128xf32, #tpu.memory_space<hbm>> -> memref<125x128xf32, #tpu.memory_space<hbm>>
        %dma_wait3A_204 = arith.constant 0 : i32
        %dma_wait3A_205 = arith.constant 0 : i32
        %dma_wait3A_206 = tpu.memref_slice %arg4[%dma_wait3A_204, %dma_wait3A_205] : memref<480000x128xf32, #tpu.memory_space<hbm>> -> memref<125x128xf32, #tpu.memory_space<hbm>>
        tpu.wait_dma2 semaphore(%arg12 : memref<!tpu.dma_semaphore, #tpu.memory_space<semaphore_mem>>) src(%arg8 : memref<125x128xf32, #tpu.memory_space<vmem>>) dst(%dma_wait3A_206 : memref<125x128xf32, #tpu.memory_space<hbm>>)
      } else {
      }
      %scan3A_160 = arith.constant 0 : i32
      %scan3A_161 = arith.constant 125 : i32
      %scan3A_162 = arith.addi %scan3A_160, %scan3A_161 : i32
      %scan3A_163 = arith.constant 1 : i32
      scf.for %scan3A_201 = %scan3A_160 to %scan3A_162 step %scan3A_163  : i32 {
        %get3A = arith.index_cast %scan3A_201 : i32 to index
        %get3A_202 = arith.constant 0 : index
        %get3A_203 = tpu.vector_load %arg5[%get3A, %get3A_202] {strides = array<i32>} : memref<125x128xf32, #tpu.memory_space<vmem>>, vector<1x16xf32>,
        %get3A_204 = vector.shape_cast %get3A_203 : vector<1x16xf32> to vector<16xf32>
        %get3A_205 = arith.index_cast %scan3A_201 : i32 to index
        %get3A_206 = arith.constant 0 : index
        %get3A_207 = tpu.vector_load %arg7[%get3A_205, %get3A_206] {strides = array<i32>} : memref<125x128xf32, #tpu.memory_space<vmem>>, vector<1x16xf32>,
        %get3A_208 = vector.shape_cast %get3A_207 : vector<1x16xf32> to vector<16xf32>
        %add3A_209 = arith.addf %get3A_204, %get3A_208 : vector<16xf32>
        %swap3A = arith.index_cast %scan3A_201 : i32 to index
        %swap3A_210 = arith.constant 0 : index
        %swap3A_211 = tpu.vector_load %arg8[%swap3A, %swap3A_210] {strides = array<i32>} : memref<125x128xf32, #tpu.memory_space<vmem>>, vector<1x16xf32>,
        %swap3A_212 = vector.shape_cast %swap3A_211 : vector<1x16xf32> to vector<16xf32>
        %swap3A_213 = vector.shape_cast %add3A_209 : vector<16xf32> to vector<1x16xf32>
        tpu.vector_store %arg8[%swap3A, %swap3A_210], %swap3A_213 {strides = array<i32>} : memref<125x128xf32, #tpu.memory_space<vmem>>, vector<1x16xf32>,
        %get3A_214 = arith.index_cast %scan3A_201 : i32 to index
        %get3A_215 = arith.constant 16 : index
        %get3A_216 = tpu.vector_load %arg5[%get3A_214, %get3A_215] {strides = array<i32>} : memref<125x128xf32, #tpu.memory_space<vmem>>, vector<1x16xf32>,
        %get3A_217 = vector.shape_cast %get3A_216 : vector<1x16xf32> to vector<16xf32>
        %get3A_218 = arith.index_cast %scan3A_201 : i32 to index
        %get3A_219 = arith.constant 16 : index
        %get3A_220 = tpu.vector_load %arg7[%get3A_218, %get3A_219] {strides = array<i32>} : memref<125x128xf32, #tpu.memory_space<vmem>>, vector<1x16xf32>,
        %get3A_221 = vector.shape_cast %get3A_220 : vector<1x16xf32> to vector<16xf32>
        %add3A_222 = arith.addf %get3A_217, %get3A_221 : vector<16xf32>
        %swap3A_223 = arith.index_cast %scan3A_201 : i32 to index
        %swap3A_224 = arith.constant 16 : index
        %swap3A_225 = tpu.vector_load %arg8[%swap3A_223, %swap3A_224] {strides = array<i32>} : memref<125x128xf32, #tpu.memory_space<vmem>>, vector<1x16xf32>,
        %swap3A_226 = vector.shape_cast %swap3A_225 : vector<1x16xf32> to vector<16xf32>
        %swap3A_227 = vector.shape_cast %add3A_222 : vector<16xf32> to vector<1x16xf32>
        tpu.vector_store %arg8[%swap3A_223, %swap3A_224], %swap3A_227 {strides = array<i32>} : memref<125x128xf32, #tpu.memory_space<vmem>>, vector<1x16xf32>,
        %get3A_228 = arith.index_cast %scan3A_201 : i32 to index
        %get3A_229 = arith.constant 32 : index
        %get3A_230 = tpu.vector_load %arg5[%get3A_228, %get3A_229] {strides = array<i32>} : memref<125x128xf32, #tpu.memory_space<vmem>>, vector<1x16xf32>,
        %get3A_231 = vector.shape_cast %get3A_230 : vector<1x16xf32> to vector<16xf32>
        %get3A_232 = arith.index_cast %scan3A_201 : i32 to index
        %get3A_233 = arith.constant 32 : index
        %get3A_234 = tpu.vector_load %arg7[%get3A_232, %get3A_233] {strides = array<i32>} : memref<125x128xf32, #tpu.memory_space<vmem>>, vector<1x16xf32>,
        %get3A_235 = vector.shape_cast %get3A_234 : vector<1x16xf32> to vector<16xf32>
        %add3A_236 = arith.addf %get3A_231, %get3A_235 : vector<16xf32>
        %swap3A_237 = arith.index_cast %scan3A_201 : i32 to index
        %swap3A_238 = arith.constant 32 : index
        %swap3A_239 = tpu.vector_load %arg8[%swap3A_237, %swap3A_238] {strides = array<i32>} : memref<125x128xf32, #tpu.memory_space<vmem>>, vector<1x16xf32>,
        %swap3A_240 = vector.shape_cast %swap3A_239 : vector<1x16xf32> to vector<16xf32>
        %swap3A_241 = vector.shape_cast %add3A_236 : vector<16xf32> to vector<1x16xf32>
        tpu.vector_store %arg8[%swap3A_237, %swap3A_238], %swap3A_241 {strides = array<i32>} : memref<125x128xf32, #tpu.memory_space<vmem>>, vector<1x16xf32>,
        %get3A_242 = arith.index_cast %scan3A_201 : i32 to index
        %get3A_243 = arith.constant 48 : index
        %get3A_244 = tpu.vector_load %arg5[%get3A_242, %get3A_243] {strides = array<i32>} : memref<125x128xf32, #tpu.memory_space<vmem>>, vector<1x16xf32>,
        %get3A_245 = vector.shape_cast %get3A_244 : vector<1x16xf32> to vector<16xf32>
        %get3A_246 = arith.index_cast %scan3A_201 : i32 to index
        %get3A_247 = arith.constant 48 : index
        %get3A_248 = tpu.vector_load %arg7[%get3A_246, %get3A_247] {strides = array<i32>} : memref<125x128xf32, #tpu.memory_space<vmem>>, vector<1x16xf32>,
        %get3A_249 = vector.shape_cast %get3A_248 : vector<1x16xf32> to vector<16xf32>
        %add3A_250 = arith.addf %get3A_245, %get3A_249 : vector<16xf32>
        %swap3A_251 = arith.index_cast %scan3A_201 : i32 to index
        %swap3A_252 = arith.constant 48 : index
        %swap3A_253 = tpu.vector_load %arg8[%swap3A_251, %swap3A_252] {strides = array<i32>} : memref<125x128xf32, #tpu.memory_space<vmem>>, vector<1x16xf32>,
        %swap3A_254 = vector.shape_cast %swap3A_253 : vector<1x16xf32> to vector<16xf32>
        %swap3A_255 = vector.shape_cast %add3A_250 : vector<16xf32> to vector<1x16xf32>
        tpu.vector_store %arg8[%swap3A_251, %swap3A_252], %swap3A_255 {strides = array<i32>} : memref<125x128xf32, #tpu.memory_space<vmem>>, vector<1x16xf32>,
        %get3A_256 = arith.index_cast %scan3A_201 : i32 to index
        %get3A_257 = arith.constant 64 : index
        %get3A_258 = tpu.vector_load %arg5[%get3A_256, %get3A_257] {strides = array<i32>} : memref<125x128xf32, #tpu.memory_space<vmem>>, vector<1x16xf32>,
        %get3A_259 = vector.shape_cast %get3A_258 : vector<1x16xf32> to vector<16xf32>
        %get3A_260 = arith.index_cast %scan3A_201 : i32 to index
        %get3A_261 = arith.constant 64 : index
        %get3A_262 = tpu.vector_load %arg7[%get3A_260, %get3A_261] {strides = array<i32>} : memref<125x128xf32, #tpu.memory_space<vmem>>, vector<1x16xf32>,
        %get3A_263 = vector.shape_cast %get3A_262 : vector<1x16xf32> to vector<16xf32>
        %add3A_264 = arith.addf %get3A_259, %get3A_263 : vector<16xf32>
        %swap3A_265 = arith.index_cast %scan3A_201 : i32 to index
        %swap3A_266 = arith.constant 64 : index
        %swap3A_267 = tpu.vector_load %arg8[%swap3A_265, %swap3A_266] {strides = array<i32>} : memref<125x128xf32, #tpu.memory_space<vmem>>, vector<1x16xf32>,
        %swap3A_268 = vector.shape_cast %swap3A_267 : vector<1x16xf32> to vector<16xf32>
        %swap3A_269 = vector.shape_cast %add3A_264 : vector<16xf32> to vector<1x16xf32>
        tpu.vector_store %arg8[%swap3A_265, %swap3A_266], %swap3A_269 {strides = array<i32>} : memref<125x128xf32, #tpu.memory_space<vmem>>, vector<1x16xf32>,
        %get3A_270 = arith.index_cast %scan3A_201 : i32 to index
        %get3A_271 = arith.constant 80 : index
        %get3A_272 = tpu.vector_load %arg5[%get3A_270, %get3A_271] {strides = array<i32>} : memref<125x128xf32, #tpu.memory_space<vmem>>, vector<1x16xf32>,
        %get3A_273 = vector.shape_cast %get3A_272 : vector<1x16xf32> to vector<16xf32>
        %get3A_274 = arith.index_cast %scan3A_201 : i32 to index
        %get3A_275 = arith.constant 80 : index
        %get3A_276 = tpu.vector_load %arg7[%get3A_274, %get3A_275] {strides = array<i32>} : memref<125x128xf32, #tpu.memory_space<vmem>>, vector<1x16xf32>,
        %get3A_277 = vector.shape_cast %get3A_276 : vector<1x16xf32> to vector<16xf32>
        %add3A_278 = arith.addf %get3A_273, %get3A_277 : vector<16xf32>
        %swap3A_279 = arith.index_cast %scan3A_201 : i32 to index
        %swap3A_280 = arith.constant 80 : index
        %swap3A_281 = tpu.vector_load %arg8[%swap3A_279, %swap3A_280] {strides = array<i32>} : memref<125x128xf32, #tpu.memory_space<vmem>>, vector<1x16xf32>,
        %swap3A_282 = vector.shape_cast %swap3A_281 : vector<1x16xf32> to vector<16xf32>
        %swap3A_283 = vector.shape_cast %add3A_278 : vector<16xf32> to vector<1x16xf32>
        tpu.vector_store %arg8[%swap3A_279, %swap3A_280], %swap3A_283 {strides = array<i32>} : memref<125x128xf32, #tpu.memory_space<vmem>>, vector<1x16xf32>,
        %get3A_284 = arith.index_cast %scan3A_201 : i32 to index
        %get3A_285 = arith.constant 96 : index
        %get3A_286 = tpu.vector_load %arg5[%get3A_284, %get3A_285] {strides = array<i32>} : memref<125x128xf32, #tpu.memory_space<vmem>>, vector<1x16xf32>,
        %get3A_287 = vector.shape_cast %get3A_286 : vector<1x16xf32> to vector<16xf32>
        %get3A_288 = arith.index_cast %scan3A_201 : i32 to index
        %get3A_289 = arith.constant 96 : index
        %get3A_290 = tpu.vector_load %arg7[%get3A_288, %get3A_289] {strides = array<i32>} : memref<125x128xf32, #tpu.memory_space<vmem>>, vector<1x16xf32>,
        %get3A_291 = vector.shape_cast %get3A_290 : vector<1x16xf32> to vector<16xf32>
        %add3A_292 = arith.addf %get3A_287, %get3A_291 : vector<16xf32>
        %swap3A_293 = arith.index_cast %scan3A_201 : i32 to index
        %swap3A_294 = arith.constant 96 : index
        %swap3A_295 = tpu.vector_load %arg8[%swap3A_293, %swap3A_294] {strides = array<i32>} : memref<125x128xf32, #tpu.memory_space<vmem>>, vector<1x16xf32>,
        %swap3A_296 = vector.shape_cast %swap3A_295 : vector<1x16xf32> to vector<16xf32>
        %swap3A_297 = vector.shape_cast %add3A_292 : vector<16xf32> to vector<1x16xf32>
        tpu.vector_store %arg8[%swap3A_293, %swap3A_294], %swap3A_297 {strides = array<i32>} : memref<125x128xf32, #tpu.memory_space<vmem>>, vector<1x16xf32>,
        %get3A_298 = arith.index_cast %scan3A_201 : i32 to index
        %get3A_299 = arith.constant 112 : index
        %get3A_300 = tpu.vector_load %arg5[%get3A_298, %get3A_299] {strides = array<i32>} : memref<125x128xf32, #tpu.memory_space<vmem>>, vector<1x16xf32>,
        %get3A_301 = vector.shape_cast %get3A_300 : vector<1x16xf32> to vector<16xf32>
        %get3A_302 = arith.index_cast %scan3A_201 : i32 to index
        %get3A_303 = arith.constant 112 : index
        %get3A_304 = tpu.vector_load %arg7[%get3A_302, %get3A_303] {strides = array<i32>} : memref<125x128xf32, #tpu.memory_space<vmem>>, vector<1x16xf32>,
        %get3A_305 = vector.shape_cast %get3A_304 : vector<1x16xf32> to vector<16xf32>
        %add3A_306 = arith.addf %get3A_301, %get3A_305 : vector<16xf32>
        %swap3A_307 = arith.index_cast %scan3A_201 : i32 to index
        %swap3A_308 = arith.constant 112 : index
        %swap3A_309 = tpu.vector_load %arg8[%swap3A_307, %swap3A_308] {strides = array<i32>} : memref<125x128xf32, #tpu.memory_space<vmem>>, vector<1x16xf32>,
        %swap3A_310 = vector.shape_cast %swap3A_309 : vector<1x16xf32> to vector<16xf32>
        %swap3A_311 = vector.shape_cast %add3A_306 : vector<16xf32> to vector<1x16xf32>
        tpu.vector_store %arg8[%swap3A_307, %swap3A_308], %swap3A_311 {strides = array<i32>} : memref<125x128xf32, #tpu.memory_space<vmem>>, vector<1x16xf32>,
      }
      %scan3A_164 = arith.constant 125 : i32
      %add3A_165 = arith.addi %mul3A_2, %mul3A_141 : i32
      %mul3A_166 = arith.constant 10000 : i32
      %mul3A_167 = arith.muli %add3A_165, %mul3A_166 : i32
      %add3A_168 = arith.addi %mul3A_167, %add3A_28 : i32
      %dma_start3A_169 = arith.constant 0 : i32
      %dma_start3A_170 = tpu.memref_slice %arg4[%add3A_168, %dma_start3A_169] : memref<480000x128xf32, #tpu.memory_space<hbm>> -> memref<125x128xf32, #tpu.memory_space<hbm>>
      %dma_start3A_171 = arith.constant 0 : i32
      %dma_start3A_172 = tpu.memref_slice %arg4[%add3A_168, %dma_start3A_171] : memref<480000x128xf32, #tpu.memory_space<hbm>> -> memref<125x128xf32, #tpu.memory_space<hbm>>
      tpu.enqueue_dma source(%arg8 : memref<125x128xf32, #tpu.memory_space<vmem>>) target(%dma_start3A_172 : memref<125x128xf32, #tpu.memory_space<hbm>>) target_semaphore(%arg12 : memref<!tpu.dma_semaphore, #tpu.memory_space<semaphore_mem>>)
      %lt3A = arith.constant 11 : i32
      %lt3A_173 = arith.cmpi slt, %scan3A_139, %lt3A : i32
      %convert_element_type3A_174 = arith.extui %lt3A_173 : i1 to i32
      %cond3A_175 = arith.constant 0 : i32
      %cond3A_176 = arith.cmpi ne, %convert_element_type3A_174, %cond3A_175 : i32
      scf.if %cond3A_176 {
        %add3A_201 = arith.constant 2 : i32
        %add3A_202 = arith.addi %mul3A_141, %add3A_201 : i32
        %add3A_203 = arith.addi %mul3A_2, %add3A_202 : i32
        %mul3A_204 = arith.constant 10000 : i32
        %mul3A_205 = arith.muli %add3A_203, %mul3A_204 : i32
        %add3A_206 = arith.addi %mul3A_205, %add3A_28 : i32
        %dma_start3A_207 = arith.constant 0 : i32
        %dma_start3A_208 = tpu.memref_slice %arg2[%add3A_206, %dma_start3A_207] : memref<480000x128xf32, #tpu.memory_space<hbm>> -> memref<125x128xf32, #tpu.memory_space<hbm>>
        %dma_start3A_209 = arith.constant 0 : i32
        %dma_start3A_210 = tpu.memref_slice %arg2[%add3A_206, %dma_start3A_209] : memref<480000x128xf32, #tpu.memory_space<hbm>> -> memref<125x128xf32, #tpu.memory_space<hbm>>
        tpu.enqueue_dma source(%dma_start3A_210 : memref<125x128xf32, #tpu.memory_space<hbm>>) target(%arg5 : memref<125x128xf32, #tpu.memory_space<vmem>>) target_semaphore(%arg10 : memref<!tpu.dma_semaphore, #tpu.memory_space<semaphore_mem>>)
      } else {
      }
      %dma_wait3A_177 = arith.constant 0 : i32
      %dma_wait3A_178 = arith.constant 0 : i32
      %dma_wait3A_179 = tpu.memref_slice %arg2[%dma_wait3A_177, %dma_wait3A_178] : memref<480000x128xf32, #tpu.memory_space<hbm>> -> memref<125x128xf32, #tpu.memory_space<hbm>>
      %dma_wait3A_180 = arith.constant 0 : i32
      %dma_wait3A_181 = arith.constant 0 : i32
      %dma_wait3A_182 = tpu.memref_slice %arg2[%dma_wait3A_180, %dma_wait3A_181] : memref<480000x128xf32, #tpu.memory_space<hbm>> -> memref<125x128xf32, #tpu.memory_space<hbm>>
      tpu.wait_dma2 semaphore(%arg11 : memref<!tpu.dma_semaphore, #tpu.memory_space<semaphore_mem>>) src(%dma_wait3A_182 : memref<125x128xf32, #tpu.memory_space<hbm>>) dst(%arg6 : memref<125x128xf32, #tpu.memory_space<vmem>>)
      %gt3A_183 = arith.constant 0 : i32
      %gt3A_184 = arith.cmpi sgt, %scan3A_139, %gt3A_183 : i32
      %convert_element_type3A_185 = arith.extui %gt3A_184 : i1 to i32
      %cond3A_186 = arith.constant 0 : i32
      %cond3A_187 = arith.cmpi ne, %convert_element_type3A_185, %cond3A_186 : i32
      scf.if %cond3A_187 {
        %dma_wait3A_201 = arith.constant 0 : i32
        %dma_wait3A_202 = arith.constant 0 : i32
        %dma_wait3A_203 = tpu.memref_slice %arg4[%dma_wait3A_201, %dma_wait3A_202] : memref<480000x128xf32, #tpu.memory_space<hbm>> -> memref<125x128xf32, #tpu.memory_space<hbm>>
        %dma_wait3A_204 = arith.constant 0 : i32
        %dma_wait3A_205 = arith.constant 0 : i32
        %dma_wait3A_206 = tpu.memref_slice %arg4[%dma_wait3A_204, %dma_wait3A_205] : memref<480000x128xf32, #tpu.memory_space<hbm>> -> memref<125x128xf32, #tpu.memory_space<hbm>>
        tpu.wait_dma2 semaphore(%arg13 : memref<!tpu.dma_semaphore, #tpu.memory_space<semaphore_mem>>) src(%arg9 : memref<125x128xf32, #tpu.memory_space<vmem>>) dst(%dma_wait3A_206 : memref<125x128xf32, #tpu.memory_space<hbm>>)
      } else {
      }
      %scan3A_188 = arith.constant 0 : i32
      %scan3A_189 = arith.constant 125 : i32
      %scan3A_190 = arith.addi %scan3A_188, %scan3A_189 : i32
      %scan3A_191 = arith.constant 1 : i32
      scf.for %scan3A_201 = %scan3A_188 to %scan3A_190 step %scan3A_191  : i32 {
        %get3A = arith.index_cast %scan3A_201 : i32 to index
        %get3A_202 = arith.constant 0 : index
        %get3A_203 = tpu.vector_load %arg6[%get3A, %get3A_202] {strides = array<i32>} : memref<125x128xf32, #tpu.memory_space<vmem>>, vector<1x16xf32>,
        %get3A_204 = vector.shape_cast %get3A_203 : vector<1x16xf32> to vector<16xf32>
        %get3A_205 = arith.index_cast %scan3A_201 : i32 to index
        %get3A_206 = arith.constant 0 : index
        %get3A_207 = tpu.vector_load %arg7[%get3A_205, %get3A_206] {strides = array<i32>} : memref<125x128xf32, #tpu.memory_space<vmem>>, vector<1x16xf32>,
        %get3A_208 = vector.shape_cast %get3A_207 : vector<1x16xf32> to vector<16xf32>
        %add3A_209 = arith.addf %get3A_204, %get3A_208 : vector<16xf32>
        %swap3A = arith.index_cast %scan3A_201 : i32 to index
        %swap3A_210 = arith.constant 0 : index
        %swap3A_211 = tpu.vector_load %arg9[%swap3A, %swap3A_210] {strides = array<i32>} : memref<125x128xf32, #tpu.memory_space<vmem>>, vector<1x16xf32>,
        %swap3A_212 = vector.shape_cast %swap3A_211 : vector<1x16xf32> to vector<16xf32>
        %swap3A_213 = vector.shape_cast %add3A_209 : vector<16xf32> to vector<1x16xf32>
        tpu.vector_store %arg9[%swap3A, %swap3A_210], %swap3A_213 {strides = array<i32>} : memref<125x128xf32, #tpu.memory_space<vmem>>, vector<1x16xf32>,
        %get3A_214 = arith.index_cast %scan3A_201 : i32 to index
        %get3A_215 = arith.constant 16 : index
        %get3A_216 = tpu.vector_load %arg6[%get3A_214, %get3A_215] {strides = array<i32>} : memref<125x128xf32, #tpu.memory_space<vmem>>, vector<1x16xf32>,
        %get3A_217 = vector.shape_cast %get3A_216 : vector<1x16xf32> to vector<16xf32>
        %get3A_218 = arith.index_cast %scan3A_201 : i32 to index
        %get3A_219 = arith.constant 16 : index
        %get3A_220 = tpu.vector_load %arg7[%get3A_218, %get3A_219] {strides = array<i32>} : memref<125x128xf32, #tpu.memory_space<vmem>>, vector<1x16xf32>,
        %get3A_221 = vector.shape_cast %get3A_220 : vector<1x16xf32> to vector<16xf32>
        %add3A_222 = arith.addf %get3A_217, %get3A_221 : vector<16xf32>
        %swap3A_223 = arith.index_cast %scan3A_201 : i32 to index
        %swap3A_224 = arith.constant 16 : index
        %swap3A_225 = tpu.vector_load %arg9[%swap3A_223, %swap3A_224] {strides = array<i32>} : memref<125x128xf32, #tpu.memory_space<vmem>>, vector<1x16xf32>,
        %swap3A_226 = vector.shape_cast %swap3A_225 : vector<1x16xf32> to vector<16xf32>
        %swap3A_227 = vector.shape_cast %add3A_222 : vector<16xf32> to vector<1x16xf32>
        tpu.vector_store %arg9[%swap3A_223, %swap3A_224], %swap3A_227 {strides = array<i32>} : memref<125x128xf32, #tpu.memory_space<vmem>>, vector<1x16xf32>,
        %get3A_228 = arith.index_cast %scan3A_201 : i32 to index
        %get3A_229 = arith.constant 32 : index
        %get3A_230 = tpu.vector_load %arg6[%get3A_228, %get3A_229] {strides = array<i32>} : memref<125x128xf32, #tpu.memory_space<vmem>>, vector<1x16xf32>,
        %get3A_231 = vector.shape_cast %get3A_230 : vector<1x16xf32> to vector<16xf32>
        %get3A_232 = arith.index_cast %scan3A_201 : i32 to index
        %get3A_233 = arith.constant 32 : index
        %get3A_234 = tpu.vector_load %arg7[%get3A_232, %get3A_233] {strides = array<i32>} : memref<125x128xf32, #tpu.memory_space<vmem>>, vector<1x16xf32>,
        %get3A_235 = vector.shape_cast %get3A_234 : vector<1x16xf32> to vector<16xf32>
        %add3A_236 = arith.addf %get3A_231, %get3A_235 : vector<16xf32>
        %swap3A_237 = arith.index_cast %scan3A_201 : i32 to index
        %swap3A_238 = arith.constant 32 : index
        %swap3A_239 = tpu.vector_load %arg9[%swap3A_237, %swap3A_238] {strides = array<i32>} : memref<125x128xf32, #tpu.memory_space<vmem>>, vector<1x16xf32>,
        %swap3A_240 = vector.shape_cast %swap3A_239 : vector<1x16xf32> to vector<16xf32>
        %swap3A_241 = vector.shape_cast %add3A_236 : vector<16xf32> to vector<1x16xf32>
        tpu.vector_store %arg9[%swap3A_237, %swap3A_238], %swap3A_241 {strides = array<i32>} : memref<125x128xf32, #tpu.memory_space<vmem>>, vector<1x16xf32>,
        %get3A_242 = arith.index_cast %scan3A_201 : i32 to index
        %get3A_243 = arith.constant 48 : index
        %get3A_244 = tpu.vector_load %arg6[%get3A_242, %get3A_243] {strides = array<i32>} : memref<125x128xf32, #tpu.memory_space<vmem>>, vector<1x16xf32>,
        %get3A_245 = vector.shape_cast %get3A_244 : vector<1x16xf32> to vector<16xf32>
        %get3A_246 = arith.index_cast %scan3A_201 : i32 to index
        %get3A_247 = arith.constant 48 : index
        %get3A_248 = tpu.vector_load %arg7[%get3A_246, %get3A_247] {strides = array<i32>} : memref<125x128xf32, #tpu.memory_space<vmem>>, vector<1x16xf32>,
        %get3A_249 = vector.shape_cast %get3A_248 : vector<1x16xf32> to vector<16xf32>
        %add3A_250 = arith.addf %get3A_245, %get3A_249 : vector<16xf32>
        %swap3A_251 = arith.index_cast %scan3A_201 : i32 to index
        %swap3A_252 = arith.constant 48 : index
        %swap3A_253 = tpu.vector_load %arg9[%swap3A_251, %swap3A_252] {strides = array<i32>} : memref<125x128xf32, #tpu.memory_space<vmem>>, vector<1x16xf32>,
        %swap3A_254 = vector.shape_cast %swap3A_253 : vector<1x16xf32> to vector<16xf32>
        %swap3A_255 = vector.shape_cast %add3A_250 : vector<16xf32> to vector<1x16xf32>
        tpu.vector_store %arg9[%swap3A_251, %swap3A_252], %swap3A_255 {strides = array<i32>} : memref<125x128xf32, #tpu.memory_space<vmem>>, vector<1x16xf32>,
        %get3A_256 = arith.index_cast %scan3A_201 : i32 to index
        %get3A_257 = arith.constant 64 : index
        %get3A_258 = tpu.vector_load %arg6[%get3A_256, %get3A_257] {strides = array<i32>} : memref<125x128xf32, #tpu.memory_space<vmem>>, vector<1x16xf32>,
        %get3A_259 = vector.shape_cast %get3A_258 : vector<1x16xf32> to vector<16xf32>
        %get3A_260 = arith.index_cast %scan3A_201 : i32 to index
        %get3A_261 = arith.constant 64 : index
        %get3A_262 = tpu.vector_load %arg7[%get3A_260, %get3A_261] {strides = array<i32>} : memref<125x128xf32, #tpu.memory_space<vmem>>, vector<1x16xf32>,
        %get3A_263 = vector.shape_cast %get3A_262 : vector<1x16xf32> to vector<16xf32>
        %add3A_264 = arith.addf %get3A_259, %get3A_263 : vector<16xf32>
        %swap3A_265 = arith.index_cast %scan3A_201 : i32 to index
        %swap3A_266 = arith.constant 64 : index
        %swap3A_267 = tpu.vector_load %arg9[%swap3A_265, %swap3A_266] {strides = array<i32>} : memref<125x128xf32, #tpu.memory_space<vmem>>, vector<1x16xf32>,
        %swap3A_268 = vector.shape_cast %swap3A_267 : vector<1x16xf32> to vector<16xf32>
        %swap3A_269 = vector.shape_cast %add3A_264 : vector<16xf32> to vector<1x16xf32>
        tpu.vector_store %arg9[%swap3A_265, %swap3A_266], %swap3A_269 {strides = array<i32>} : memref<125x128xf32, #tpu.memory_space<vmem>>, vector<1x16xf32>,
        %get3A_270 = arith.index_cast %scan3A_201 : i32 to index
        %get3A_271 = arith.constant 80 : index
        %get3A_272 = tpu.vector_load %arg6[%get3A_270, %get3A_271] {strides = array<i32>} : memref<125x128xf32, #tpu.memory_space<vmem>>, vector<1x16xf32>,
        %get3A_273 = vector.shape_cast %get3A_272 : vector<1x16xf32> to vector<16xf32>
        %get3A_274 = arith.index_cast %scan3A_201 : i32 to index
        %get3A_275 = arith.constant 80 : index
        %get3A_276 = tpu.vector_load %arg7[%get3A_274, %get3A_275] {strides = array<i32>} : memref<125x128xf32, #tpu.memory_space<vmem>>, vector<1x16xf32>,
        %get3A_277 = vector.shape_cast %get3A_276 : vector<1x16xf32> to vector<16xf32>
        %add3A_278 = arith.addf %get3A_273, %get3A_277 : vector<16xf32>
        %swap3A_279 = arith.index_cast %scan3A_201 : i32 to index
        %swap3A_280 = arith.constant 80 : index
        %swap3A_281 = tpu.vector_load %arg9[%swap3A_279, %swap3A_280] {strides = array<i32>} : memref<125x128xf32, #tpu.memory_space<vmem>>, vector<1x16xf32>,
        %swap3A_282 = vector.shape_cast %swap3A_281 : vector<1x16xf32> to vector<16xf32>
        %swap3A_283 = vector.shape_cast %add3A_278 : vector<16xf32> to vector<1x16xf32>
        tpu.vector_store %arg9[%swap3A_279, %swap3A_280], %swap3A_283 {strides = array<i32>} : memref<125x128xf32, #tpu.memory_space<vmem>>, vector<1x16xf32>,
        %get3A_284 = arith.index_cast %scan3A_201 : i32 to index
        %get3A_285 = arith.constant 96 : index
        %get3A_286 = tpu.vector_load %arg6[%get3A_284, %get3A_285] {strides = array<i32>} : memref<125x128xf32, #tpu.memory_space<vmem>>, vector<1x16xf32>,
        %get3A_287 = vector.shape_cast %get3A_286 : vector<1x16xf32> to vector<16xf32>
        %get3A_288 = arith.index_cast %scan3A_201 : i32 to index
        %get3A_289 = arith.constant 96 : index
        %get3A_290 = tpu.vector_load %arg7[%get3A_288, %get3A_289] {strides = array<i32>} : memref<125x128xf32, #tpu.memory_space<vmem>>, vector<1x16xf32>,
        %get3A_291 = vector.shape_cast %get3A_290 : vector<1x16xf32> to vector<16xf32>
        %add3A_292 = arith.addf %get3A_287, %get3A_291 : vector<16xf32>
        %swap3A_293 = arith.index_cast %scan3A_201 : i32 to index
        %swap3A_294 = arith.constant 96 : index
        %swap3A_295 = tpu.vector_load %arg9[%swap3A_293, %swap3A_294] {strides = array<i32>} : memref<125x128xf32, #tpu.memory_space<vmem>>, vector<1x16xf32>,
        %swap3A_296 = vector.shape_cast %swap3A_295 : vector<1x16xf32> to vector<16xf32>
        %swap3A_297 = vector.shape_cast %add3A_292 : vector<16xf32> to vector<1x16xf32>
        tpu.vector_store %arg9[%swap3A_293, %swap3A_294], %swap3A_297 {strides = array<i32>} : memref<125x128xf32, #tpu.memory_space<vmem>>, vector<1x16xf32>,
        %get3A_298 = arith.index_cast %scan3A_201 : i32 to index
        %get3A_299 = arith.constant 112 : index
        %get3A_300 = tpu.vector_load %arg6[%get3A_298, %get3A_299] {strides = array<i32>} : memref<125x128xf32, #tpu.memory_space<vmem>>, vector<1x16xf32>,
        %get3A_301 = vector.shape_cast %get3A_300 : vector<1x16xf32> to vector<16xf32>
        %get3A_302 = arith.index_cast %scan3A_201 : i32 to index
        %get3A_303 = arith.constant 112 : index
        %get3A_304 = tpu.vector_load %arg7[%get3A_302, %get3A_303] {strides = array<i32>} : memref<125x128xf32, #tpu.memory_space<vmem>>, vector<1x16xf32>,
        %get3A_305 = vector.shape_cast %get3A_304 : vector<1x16xf32> to vector<16xf32>
        %add3A_306 = arith.addf %get3A_301, %get3A_305 : vector<16xf32>
        %swap3A_307 = arith.index_cast %scan3A_201 : i32 to index
        %swap3A_308 = arith.constant 112 : index
        %swap3A_309 = tpu.vector_load %arg9[%swap3A_307, %swap3A_308] {strides = array<i32>} : memref<125x128xf32, #tpu.memory_space<vmem>>, vector<1x16xf32>,
        %swap3A_310 = vector.shape_cast %swap3A_309 : vector<1x16xf32> to vector<16xf32>
        %swap3A_311 = vector.shape_cast %add3A_306 : vector<16xf32> to vector<1x16xf32>
        tpu.vector_store %arg9[%swap3A_307, %swap3A_308], %swap3A_311 {strides = array<i32>} : memref<125x128xf32, #tpu.memory_space<vmem>>, vector<1x16xf32>,
      }
      %scan3A_192 = arith.constant 125 : i32
      %add3A_193 = arith.addi %mul3A_2, %add3A_143 : i32
      %mul3A_194 = arith.constant 10000 : i32
      %mul3A_195 = arith.muli %add3A_193, %mul3A_194 : i32
      %add3A_196 = arith.addi %mul3A_195, %add3A_28 : i32
      %dma_start3A_197 = arith.constant 0 : i32
      %dma_start3A_198 = tpu.memref_slice %arg4[%add3A_196, %dma_start3A_197] : memref<480000x128xf32, #tpu.memory_space<hbm>> -> memref<125x128xf32, #tpu.memory_space<hbm>>
      %dma_start3A_199 = arith.constant 0 : i32
      %dma_start3A_200 = tpu.memref_slice %arg4[%add3A_196, %dma_start3A_199] : memref<480000x128xf32, #tpu.memory_space<hbm>> -> memref<125x128xf32, #tpu.memory_space<hbm>>
      tpu.enqueue_dma source(%arg9 : memref<125x128xf32, #tpu.memory_space<vmem>>) target(%dma_start3A_200 : memref<125x128xf32, #tpu.memory_space<hbm>>) target_semaphore(%arg13 : memref<!tpu.dma_semaphore, #tpu.memory_space<semaphore_mem>>)
    }
    %scan3A_42 = arith.constant 12 : i32
    %dma_wait3A_43 = arith.constant 0 : i32
    %dma_wait3A_44 = arith.constant 0 : i32
    %dma_wait3A_45 = tpu.memref_slice %arg4[%dma_wait3A_43, %dma_wait3A_44] : memref<480000x128xf32, #tpu.memory_space<hbm>> -> memref<125x128xf32, #tpu.memory_space<hbm>>
    %dma_wait3A_46 = arith.constant 0 : i32
    %dma_wait3A_47 = arith.constant 0 : i32
    %dma_wait3A_48 = tpu.memref_slice %arg4[%dma_wait3A_46, %dma_wait3A_47] : memref<480000x128xf32, #tpu.memory_space<hbm>> -> memref<125x128xf32, #tpu.memory_space<hbm>>
    tpu.wait_dma2 semaphore(%arg12 : memref<!tpu.dma_semaphore, #tpu.memory_space<semaphore_mem>>) src(%arg8 : memref<125x128xf32, #tpu.memory_space<vmem>>) dst(%dma_wait3A_48 : memref<125x128xf32, #tpu.memory_space<hbm>>)
    %dma_wait3A_49 = arith.constant 0 : i32
    %dma_wait3A_50 = arith.constant 0 : i32
    %dma_wait3A_51 = tpu.memref_slice %arg4[%dma_wait3A_49, %dma_wait3A_50] : memref<480000x128xf32, #tpu.memory_space<hbm>> -> memref<125x128xf32, #tpu.memory_space<hbm>>
    %dma_wait3A_52 = arith.constant 0 : i32
    %dma_wait3A_53 = arith.constant 0 : i32
    %dma_wait3A_54 = tpu.memref_slice %arg4[%dma_wait3A_52, %dma_wait3A_53] : memref<480000x128xf32, #tpu.memory_space<hbm>> -> memref<125x128xf32, #tpu.memory_space<hbm>>
    tpu.wait_dma2 semaphore(%arg13 : memref<!tpu.dma_semaphore, #tpu.memory_space<semaphore_mem>>) src(%arg9 : memref<125x128xf32, #tpu.memory_space<vmem>>) dst(%dma_wait3A_54 : memref<125x128xf32, #tpu.memory_space<hbm>>)
    %add3A_55 = arith.constant 250 : i32
    %add3A_56 = arith.addi %mul3A_0, %add3A_55 : i32
    "tpu.region"() ({
      %run_scoped3A = tpu.sem_alloc : memref<!tpu.dma_semaphore, #tpu.memory_space<semaphore_mem>>
      %dma_start3A_139 = arith.constant 0 : i32
      %dma_start3A_140 = tpu.memref_slice %arg3[%add3A_56, %dma_start3A_139] : memref<10000x128xf32, #tpu.memory_space<hbm>> -> memref<125x128xf32, #tpu.memory_space<hbm>>
      %dma_start3A_141 = arith.constant 0 : i32
      %dma_start3A_142 = tpu.memref_slice %arg3[%add3A_56, %dma_start3A_141] : memref<10000x128xf32, #tpu.memory_space<hbm>> -> memref<125x128xf32, #tpu.memory_space<hbm>>
      tpu.enqueue_dma source(%dma_start3A_142 : memref<125x128xf32, #tpu.memory_space<hbm>>) target(%arg7 : memref<125x128xf32, #tpu.memory_space<vmem>>) target_semaphore(%run_scoped3A : memref<!tpu.dma_semaphore, #tpu.memory_space<semaphore_mem>>)
      %dma_wait3A_143 = arith.constant 0 : i32
      %dma_wait3A_144 = tpu.memref_slice %arg3[%add3A_56, %dma_wait3A_143] : memref<10000x128xf32, #tpu.memory_space<hbm>> -> memref<125x128xf32, #tpu.memory_space<hbm>>
      %dma_wait3A_145 = arith.constant 0 : i32
      %dma_wait3A_146 = tpu.memref_slice %arg3[%add3A_56, %dma_wait3A_145] : memref<10000x128xf32, #tpu.memory_space<hbm>> -> memref<125x128xf32, #tpu.memory_space<hbm>>
      tpu.wait_dma2 semaphore(%run_scoped3A : memref<!tpu.dma_semaphore, #tpu.memory_space<semaphore_mem>>) src(%dma_wait3A_146 : memref<125x128xf32, #tpu.memory_space<hbm>>) dst(%arg7 : memref<125x128xf32, #tpu.memory_space<vmem>>)
      tpu.yield
    }) : () -> ()
    %add3A_57 = arith.constant 0 : i32
    %add3A_58 = arith.addi %mul3A_2, %add3A_57 : i32
    %mul3A_59 = arith.constant 10000 : i32
    %mul3A_60 = arith.muli %add3A_58, %mul3A_59 : i32
    %add3A_61 = arith.addi %mul3A_60, %add3A_56 : i32
    %dma_start3A_62 = arith.constant 0 : i32
    %dma_start3A_63 = tpu.memref_slice %arg2[%add3A_61, %dma_start3A_62] : memref<480000x128xf32, #tpu.memory_space<hbm>> -> memref<125x128xf32, #tpu.memory_space<hbm>>
    %dma_start3A_64 = arith.constant 0 : i32
    %dma_start3A_65 = tpu.memref_slice %arg2[%add3A_61, %dma_start3A_64] : memref<480000x128xf32, #tpu.memory_space<hbm>> -> memref<125x128xf32, #tpu.memory_space<hbm>>
    tpu.enqueue_dma source(%dma_start3A_65 : memref<125x128xf32, #tpu.memory_space<hbm>>) target(%arg5 : memref<125x128xf32, #tpu.memory_space<vmem>>) target_semaphore(%arg10 : memref<!tpu.dma_semaphore, #tpu.memory_space<semaphore_mem>>)
    %scan3A_66 = arith.constant 0 : i32
    %scan3A_67 = arith.constant 12 : i32
    %scan3A_68 = arith.addi %scan3A_66, %scan3A_67 : i32
    %scan3A_69 = arith.constant 1 : i32
    scf.for %scan3A_139 = %scan3A_66 to %scan3A_68 step %scan3A_69  : i32 {
      %mul3A_140 = arith.constant 2 : i32
      %mul3A_141 = arith.muli %mul3A_140, %scan3A_139 : i32
      %add3A_142 = arith.constant 1 : i32
      %add3A_143 = arith.addi %mul3A_141, %add3A_142 : i32
      %dma_wait3A_144 = arith.constant 0 : i32
      %dma_wait3A_145 = arith.constant 0 : i32
      %dma_wait3A_146 = tpu.memref_slice %arg2[%dma_wait3A_144, %dma_wait3A_145] : memref<480000x128xf32, #tpu.memory_space<hbm>> -> memref<125x128xf32, #tpu.memory_space<hbm>>
      %dma_wait3A_147 = arith.constant 0 : i32
      %dma_wait3A_148 = arith.constant 0 : i32
      %dma_wait3A_149 = tpu.memref_slice %arg2[%dma_wait3A_147, %dma_wait3A_148] : memref<480000x128xf32, #tpu.memory_space<hbm>> -> memref<125x128xf32, #tpu.memory_space<hbm>>
      tpu.wait_dma2 semaphore(%arg10 : memref<!tpu.dma_semaphore, #tpu.memory_space<semaphore_mem>>) src(%dma_wait3A_149 : memref<125x128xf32, #tpu.memory_space<hbm>>) dst(%arg5 : memref<125x128xf32, #tpu.memory_space<vmem>>)
      %add3A_150 = arith.addi %mul3A_2, %add3A_143 : i32
      %mul3A_151 = arith.constant 10000 : i32
      %mul3A_152 = arith.muli %add3A_150, %mul3A_151 : i32
      %add3A_153 = arith.addi %mul3A_152, %add3A_56 : i32
      %dma_start3A_154 = arith.constant 0 : i32
      %dma_start3A_155 = tpu.memref_slice %arg2[%add3A_153, %dma_start3A_154] : memref<480000x128xf32, #tpu.memory_space<hbm>> -> memref<125x128xf32, #tpu.memory_space<hbm>>
      %dma_start3A_156 = arith.constant 0 : i32
      %dma_start3A_157 = tpu.memref_slice %arg2[%add3A_153, %dma_start3A_156] : memref<480000x128xf32, #tpu.memory_space<hbm>> -> memref<125x128xf32, #tpu.memory_space<hbm>>
      tpu.enqueue_dma source(%dma_start3A_157 : memref<125x128xf32, #tpu.memory_space<hbm>>) target(%arg6 : memref<125x128xf32, #tpu.memory_space<vmem>>) target_semaphore(%arg11 : memref<!tpu.dma_semaphore, #tpu.memory_space<semaphore_mem>>)
      %gt3A = arith.constant 0 : i32
      %gt3A_158 = arith.cmpi sgt, %scan3A_139, %gt3A : i32
      %convert_element_type3A = arith.extui %gt3A_158 : i1 to i32
      %cond3A = arith.constant 0 : i32
      %cond3A_159 = arith.cmpi ne, %convert_element_type3A, %cond3A : i32
      scf.if %cond3A_159 {
        %dma_wait3A_201 = arith.constant 0 : i32
        %dma_wait3A_202 = arith.constant 0 : i32
        %dma_wait3A_203 = tpu.memref_slice %arg4[%dma_wait3A_201, %dma_wait3A_202] : memref<480000x128xf32, #tpu.memory_space<hbm>> -> memref<125x128xf32, #tpu.memory_space<hbm>>
        %dma_wait3A_204 = arith.constant 0 : i32
        %dma_wait3A_205 = arith.constant 0 : i32
        %dma_wait3A_206 = tpu.memref_slice %arg4[%dma_wait3A_204, %dma_wait3A_205] : memref<480000x128xf32, #tpu.memory_space<hbm>> -> memref<125x128xf32, #tpu.memory_space<hbm>>
        tpu.wait_dma2 semaphore(%arg12 : memref<!tpu.dma_semaphore, #tpu.memory_space<semaphore_mem>>) src(%arg8 : memref<125x128xf32, #tpu.memory_space<vmem>>) dst(%dma_wait3A_206 : memref<125x128xf32, #tpu.memory_space<hbm>>)
      } else {
      }
      %scan3A_160 = arith.constant 0 : i32
      %scan3A_161 = arith.constant 125 : i32
      %scan3A_162 = arith.addi %scan3A_160, %scan3A_161 : i32
      %scan3A_163 = arith.constant 1 : i32
      scf.for %scan3A_201 = %scan3A_160 to %scan3A_162 step %scan3A_163  : i32 {
        %get3A = arith.index_cast %scan3A_201 : i32 to index
        %get3A_202 = arith.constant 0 : index
        %get3A_203 = tpu.vector_load %arg5[%get3A, %get3A_202] {strides = array<i32>} : memref<125x128xf32, #tpu.memory_space<vmem>>, vector<1x16xf32>,
        %get3A_204 = vector.shape_cast %get3A_203 : vector<1x16xf32> to vector<16xf32>
        %get3A_205 = arith.index_cast %scan3A_201 : i32 to index
        %get3A_206 = arith.constant 0 : index
        %get3A_207 = tpu.vector_load %arg7[%get3A_205, %get3A_206] {strides = array<i32>} : memref<125x128xf32, #tpu.memory_space<vmem>>, vector<1x16xf32>,
        %get3A_208 = vector.shape_cast %get3A_207 : vector<1x16xf32> to vector<16xf32>
        %add3A_209 = arith.addf %get3A_204, %get3A_208 : vector<16xf32>
        %swap3A = arith.index_cast %scan3A_201 : i32 to index
        %swap3A_210 = arith.constant 0 : index
        %swap3A_211 = tpu.vector_load %arg8[%swap3A, %swap3A_210] {strides = array<i32>} : memref<125x128xf32, #tpu.memory_space<vmem>>, vector<1x16xf32>,
        %swap3A_212 = vector.shape_cast %swap3A_211 : vector<1x16xf32> to vector<16xf32>
        %swap3A_213 = vector.shape_cast %add3A_209 : vector<16xf32> to vector<1x16xf32>
        tpu.vector_store %arg8[%swap3A, %swap3A_210], %swap3A_213 {strides = array<i32>} : memref<125x128xf32, #tpu.memory_space<vmem>>, vector<1x16xf32>,
        %get3A_214 = arith.index_cast %scan3A_201 : i32 to index
        %get3A_215 = arith.constant 16 : index
        %get3A_216 = tpu.vector_load %arg5[%get3A_214, %get3A_215] {strides = array<i32>} : memref<125x128xf32, #tpu.memory_space<vmem>>, vector<1x16xf32>,
        %get3A_217 = vector.shape_cast %get3A_216 : vector<1x16xf32> to vector<16xf32>
        %get3A_218 = arith.index_cast %scan3A_201 : i32 to index
        %get3A_219 = arith.constant 16 : index
        %get3A_220 = tpu.vector_load %arg7[%get3A_218, %get3A_219] {strides = array<i32>} : memref<125x128xf32, #tpu.memory_space<vmem>>, vector<1x16xf32>,
        %get3A_221 = vector.shape_cast %get3A_220 : vector<1x16xf32> to vector<16xf32>
        %add3A_222 = arith.addf %get3A_217, %get3A_221 : vector<16xf32>
        %swap3A_223 = arith.index_cast %scan3A_201 : i32 to index
        %swap3A_224 = arith.constant 16 : index
        %swap3A_225 = tpu.vector_load %arg8[%swap3A_223, %swap3A_224] {strides = array<i32>} : memref<125x128xf32, #tpu.memory_space<vmem>>, vector<1x16xf32>,
        %swap3A_226 = vector.shape_cast %swap3A_225 : vector<1x16xf32> to vector<16xf32>
        %swap3A_227 = vector.shape_cast %add3A_222 : vector<16xf32> to vector<1x16xf32>
        tpu.vector_store %arg8[%swap3A_223, %swap3A_224], %swap3A_227 {strides = array<i32>} : memref<125x128xf32, #tpu.memory_space<vmem>>, vector<1x16xf32>,
        %get3A_228 = arith.index_cast %scan3A_201 : i32 to index
        %get3A_229 = arith.constant 32 : index
        %get3A_230 = tpu.vector_load %arg5[%get3A_228, %get3A_229] {strides = array<i32>} : memref<125x128xf32, #tpu.memory_space<vmem>>, vector<1x16xf32>,
        %get3A_231 = vector.shape_cast %get3A_230 : vector<1x16xf32> to vector<16xf32>
        %get3A_232 = arith.index_cast %scan3A_201 : i32 to index
        %get3A_233 = arith.constant 32 : index
        %get3A_234 = tpu.vector_load %arg7[%get3A_232, %get3A_233] {strides = array<i32>} : memref<125x128xf32, #tpu.memory_space<vmem>>, vector<1x16xf32>,
        %get3A_235 = vector.shape_cast %get3A_234 : vector<1x16xf32> to vector<16xf32>
        %add3A_236 = arith.addf %get3A_231, %get3A_235 : vector<16xf32>
        %swap3A_237 = arith.index_cast %scan3A_201 : i32 to index
        %swap3A_238 = arith.constant 32 : index
        %swap3A_239 = tpu.vector_load %arg8[%swap3A_237, %swap3A_238] {strides = array<i32>} : memref<125x128xf32, #tpu.memory_space<vmem>>, vector<1x16xf32>,
        %swap3A_240 = vector.shape_cast %swap3A_239 : vector<1x16xf32> to vector<16xf32>
        %swap3A_241 = vector.shape_cast %add3A_236 : vector<16xf32> to vector<1x16xf32>
        tpu.vector_store %arg8[%swap3A_237, %swap3A_238], %swap3A_241 {strides = array<i32>} : memref<125x128xf32, #tpu.memory_space<vmem>>, vector<1x16xf32>,
        %get3A_242 = arith.index_cast %scan3A_201 : i32 to index
        %get3A_243 = arith.constant 48 : index
        %get3A_244 = tpu.vector_load %arg5[%get3A_242, %get3A_243] {strides = array<i32>} : memref<125x128xf32, #tpu.memory_space<vmem>>, vector<1x16xf32>,
        %get3A_245 = vector.shape_cast %get3A_244 : vector<1x16xf32> to vector<16xf32>
        %get3A_246 = arith.index_cast %scan3A_201 : i32 to index
        %get3A_247 = arith.constant 48 : index
        %get3A_248 = tpu.vector_load %arg7[%get3A_246, %get3A_247] {strides = array<i32>} : memref<125x128xf32, #tpu.memory_space<vmem>>, vector<1x16xf32>,
        %get3A_249 = vector.shape_cast %get3A_248 : vector<1x16xf32> to vector<16xf32>
        %add3A_250 = arith.addf %get3A_245, %get3A_249 : vector<16xf32>
        %swap3A_251 = arith.index_cast %scan3A_201 : i32 to index
        %swap3A_252 = arith.constant 48 : index
        %swap3A_253 = tpu.vector_load %arg8[%swap3A_251, %swap3A_252] {strides = array<i32>} : memref<125x128xf32, #tpu.memory_space<vmem>>, vector<1x16xf32>,
        %swap3A_254 = vector.shape_cast %swap3A_253 : vector<1x16xf32> to vector<16xf32>
        %swap3A_255 = vector.shape_cast %add3A_250 : vector<16xf32> to vector<1x16xf32>
        tpu.vector_store %arg8[%swap3A_251, %swap3A_252], %swap3A_255 {strides = array<i32>} : memref<125x128xf32, #tpu.memory_space<vmem>>, vector<1x16xf32>,
        %get3A_256 = arith.index_cast %scan3A_201 : i32 to index
        %get3A_257 = arith.constant 64 : index
        %get3A_258 = tpu.vector_load %arg5[%get3A_256, %get3A_257] {strides = array<i32>} : memref<125x128xf32, #tpu.memory_space<vmem>>, vector<1x16xf32>,
        %get3A_259 = vector.shape_cast %get3A_258 : vector<1x16xf32> to vector<16xf32>
        %get3A_260 = arith.index_cast %scan3A_201 : i32 to index
        %get3A_261 = arith.constant 64 : index
        %get3A_262 = tpu.vector_load %arg7[%get3A_260, %get3A_261] {strides = array<i32>} : memref<125x128xf32, #tpu.memory_space<vmem>>, vector<1x16xf32>,
        %get3A_263 = vector.shape_cast %get3A_262 : vector<1x16xf32> to vector<16xf32>
        %add3A_264 = arith.addf %get3A_259, %get3A_263 : vector<16xf32>
        %swap3A_265 = arith.index_cast %scan3A_201 : i32 to index
        %swap3A_266 = arith.constant 64 : index
        %swap3A_267 = tpu.vector_load %arg8[%swap3A_265, %swap3A_266] {strides = array<i32>} : memref<125x128xf32, #tpu.memory_space<vmem>>, vector<1x16xf32>,
        %swap3A_268 = vector.shape_cast %swap3A_267 : vector<1x16xf32> to vector<16xf32>
        %swap3A_269 = vector.shape_cast %add3A_264 : vector<16xf32> to vector<1x16xf32>
        tpu.vector_store %arg8[%swap3A_265, %swap3A_266], %swap3A_269 {strides = array<i32>} : memref<125x128xf32, #tpu.memory_space<vmem>>, vector<1x16xf32>,
        %get3A_270 = arith.index_cast %scan3A_201 : i32 to index
        %get3A_271 = arith.constant 80 : index
        %get3A_272 = tpu.vector_load %arg5[%get3A_270, %get3A_271] {strides = array<i32>} : memref<125x128xf32, #tpu.memory_space<vmem>>, vector<1x16xf32>,
        %get3A_273 = vector.shape_cast %get3A_272 : vector<1x16xf32> to vector<16xf32>
        %get3A_274 = arith.index_cast %scan3A_201 : i32 to index
        %get3A_275 = arith.constant 80 : index
        %get3A_276 = tpu.vector_load %arg7[%get3A_274, %get3A_275] {strides = array<i32>} : memref<125x128xf32, #tpu.memory_space<vmem>>, vector<1x16xf32>,
        %get3A_277 = vector.shape_cast %get3A_276 : vector<1x16xf32> to vector<16xf32>
        %add3A_278 = arith.addf %get3A_273, %get3A_277 : vector<16xf32>
        %swap3A_279 = arith.index_cast %scan3A_201 : i32 to index
        %swap3A_280 = arith.constant 80 : index
        %swap3A_281 = tpu.vector_load %arg8[%swap3A_279, %swap3A_280] {strides = array<i32>} : memref<125x128xf32, #tpu.memory_space<vmem>>, vector<1x16xf32>,
        %swap3A_282 = vector.shape_cast %swap3A_281 : vector<1x16xf32> to vector<16xf32>
        %swap3A_283 = vector.shape_cast %add3A_278 : vector<16xf32> to vector<1x16xf32>
        tpu.vector_store %arg8[%swap3A_279, %swap3A_280], %swap3A_283 {strides = array<i32>} : memref<125x128xf32, #tpu.memory_space<vmem>>, vector<1x16xf32>,
        %get3A_284 = arith.index_cast %scan3A_201 : i32 to index
        %get3A_285 = arith.constant 96 : index
        %get3A_286 = tpu.vector_load %arg5[%get3A_284, %get3A_285] {strides = array<i32>} : memref<125x128xf32, #tpu.memory_space<vmem>>, vector<1x16xf32>,
        %get3A_287 = vector.shape_cast %get3A_286 : vector<1x16xf32> to vector<16xf32>
        %get3A_288 = arith.index_cast %scan3A_201 : i32 to index
        %get3A_289 = arith.constant 96 : index
        %get3A_290 = tpu.vector_load %arg7[%get3A_288, %get3A_289] {strides = array<i32>} : memref<125x128xf32, #tpu.memory_space<vmem>>, vector<1x16xf32>,
        %get3A_291 = vector.shape_cast %get3A_290 : vector<1x16xf32> to vector<16xf32>
        %add3A_292 = arith.addf %get3A_287, %get3A_291 : vector<16xf32>
        %swap3A_293 = arith.index_cast %scan3A_201 : i32 to index
        %swap3A_294 = arith.constant 96 : index
        %swap3A_295 = tpu.vector_load %arg8[%swap3A_293, %swap3A_294] {strides = array<i32>} : memref<125x128xf32, #tpu.memory_space<vmem>>, vector<1x16xf32>,
        %swap3A_296 = vector.shape_cast %swap3A_295 : vector<1x16xf32> to vector<16xf32>
        %swap3A_297 = vector.shape_cast %add3A_292 : vector<16xf32> to vector<1x16xf32>
        tpu.vector_store %arg8[%swap3A_293, %swap3A_294], %swap3A_297 {strides = array<i32>} : memref<125x128xf32, #tpu.memory_space<vmem>>, vector<1x16xf32>,
        %get3A_298 = arith.index_cast %scan3A_201 : i32 to index
        %get3A_299 = arith.constant 112 : index
        %get3A_300 = tpu.vector_load %arg5[%get3A_298, %get3A_299] {strides = array<i32>} : memref<125x128xf32, #tpu.memory_space<vmem>>, vector<1x16xf32>,
        %get3A_301 = vector.shape_cast %get3A_300 : vector<1x16xf32> to vector<16xf32>
        %get3A_302 = arith.index_cast %scan3A_201 : i32 to index
        %get3A_303 = arith.constant 112 : index
        %get3A_304 = tpu.vector_load %arg7[%get3A_302, %get3A_303] {strides = array<i32>} : memref<125x128xf32, #tpu.memory_space<vmem>>, vector<1x16xf32>,
        %get3A_305 = vector.shape_cast %get3A_304 : vector<1x16xf32> to vector<16xf32>
        %add3A_306 = arith.addf %get3A_301, %get3A_305 : vector<16xf32>
        %swap3A_307 = arith.index_cast %scan3A_201 : i32 to index
        %swap3A_308 = arith.constant 112 : index
        %swap3A_309 = tpu.vector_load %arg8[%swap3A_307, %swap3A_308] {strides = array<i32>} : memref<125x128xf32, #tpu.memory_space<vmem>>, vector<1x16xf32>,
        %swap3A_310 = vector.shape_cast %swap3A_309 : vector<1x16xf32> to vector<16xf32>
        %swap3A_311 = vector.shape_cast %add3A_306 : vector<16xf32> to vector<1x16xf32>
        tpu.vector_store %arg8[%swap3A_307, %swap3A_308], %swap3A_311 {strides = array<i32>} : memref<125x128xf32, #tpu.memory_space<vmem>>, vector<1x16xf32>,
      }
      %scan3A_164 = arith.constant 125 : i32
      %add3A_165 = arith.addi %mul3A_2, %mul3A_141 : i32
      %mul3A_166 = arith.constant 10000 : i32
      %mul3A_167 = arith.muli %add3A_165, %mul3A_166 : i32
      %add3A_168 = arith.addi %mul3A_167, %add3A_56 : i32
      %dma_start3A_169 = arith.constant 0 : i32
      %dma_start3A_170 = tpu.memref_slice %arg4[%add3A_168, %dma_start3A_169] : memref<480000x128xf32, #tpu.memory_space<hbm>> -> memref<125x128xf32, #tpu.memory_space<hbm>>
      %dma_start3A_171 = arith.constant 0 : i32
      %dma_start3A_172 = tpu.memref_slice %arg4[%add3A_168, %dma_start3A_171] : memref<480000x128xf32, #tpu.memory_space<hbm>> -> memref<125x128xf32, #tpu.memory_space<hbm>>
      tpu.enqueue_dma source(%arg8 : memref<125x128xf32, #tpu.memory_space<vmem>>) target(%dma_start3A_172 : memref<125x128xf32, #tpu.memory_space<hbm>>) target_semaphore(%arg12 : memref<!tpu.dma_semaphore, #tpu.memory_space<semaphore_mem>>)
      %lt3A = arith.constant 11 : i32
      %lt3A_173 = arith.cmpi slt, %scan3A_139, %lt3A : i32
      %convert_element_type3A_174 = arith.extui %lt3A_173 : i1 to i32
      %cond3A_175 = arith.constant 0 : i32
      %cond3A_176 = arith.cmpi ne, %convert_element_type3A_174, %cond3A_175 : i32
      scf.if %cond3A_176 {
        %add3A_201 = arith.constant 2 : i32
        %add3A_202 = arith.addi %mul3A_141, %add3A_201 : i32
        %add3A_203 = arith.addi %mul3A_2, %add3A_202 : i32
        %mul3A_204 = arith.constant 10000 : i32
        %mul3A_205 = arith.muli %add3A_203, %mul3A_204 : i32
        %add3A_206 = arith.addi %mul3A_205, %add3A_56 : i32
        %dma_start3A_207 = arith.constant 0 : i32
        %dma_start3A_208 = tpu.memref_slice %arg2[%add3A_206, %dma_start3A_207] : memref<480000x128xf32, #tpu.memory_space<hbm>> -> memref<125x128xf32, #tpu.memory_space<hbm>>
        %dma_start3A_209 = arith.constant 0 : i32
        %dma_start3A_210 = tpu.memref_slice %arg2[%add3A_206, %dma_start3A_209] : memref<480000x128xf32, #tpu.memory_space<hbm>> -> memref<125x128xf32, #tpu.memory_space<hbm>>
        tpu.enqueue_dma source(%dma_start3A_210 : memref<125x128xf32, #tpu.memory_space<hbm>>) target(%arg5 : memref<125x128xf32, #tpu.memory_space<vmem>>) target_semaphore(%arg10 : memref<!tpu.dma_semaphore, #tpu.memory_space<semaphore_mem>>)
      } else {
      }
      %dma_wait3A_177 = arith.constant 0 : i32
      %dma_wait3A_178 = arith.constant 0 : i32
      %dma_wait3A_179 = tpu.memref_slice %arg2[%dma_wait3A_177, %dma_wait3A_178] : memref<480000x128xf32, #tpu.memory_space<hbm>> -> memref<125x128xf32, #tpu.memory_space<hbm>>
      %dma_wait3A_180 = arith.constant 0 : i32
      %dma_wait3A_181 = arith.constant 0 : i32
      %dma_wait3A_182 = tpu.memref_slice %arg2[%dma_wait3A_180, %dma_wait3A_181] : memref<480000x128xf32, #tpu.memory_space<hbm>> -> memref<125x128xf32, #tpu.memory_space<hbm>>
      tpu.wait_dma2 semaphore(%arg11 : memref<!tpu.dma_semaphore, #tpu.memory_space<semaphore_mem>>) src(%dma_wait3A_182 : memref<125x128xf32, #tpu.memory_space<hbm>>) dst(%arg6 : memref<125x128xf32, #tpu.memory_space<vmem>>)
      %gt3A_183 = arith.constant 0 : i32
      %gt3A_184 = arith.cmpi sgt, %scan3A_139, %gt3A_183 : i32
      %convert_element_type3A_185 = arith.extui %gt3A_184 : i1 to i32
      %cond3A_186 = arith.constant 0 : i32
      %cond3A_187 = arith.cmpi ne, %convert_element_type3A_185, %cond3A_186 : i32
      scf.if %cond3A_187 {
        %dma_wait3A_201 = arith.constant 0 : i32
        %dma_wait3A_202 = arith.constant 0 : i32
        %dma_wait3A_203 = tpu.memref_slice %arg4[%dma_wait3A_201, %dma_wait3A_202] : memref<480000x128xf32, #tpu.memory_space<hbm>> -> memref<125x128xf32, #tpu.memory_space<hbm>>
        %dma_wait3A_204 = arith.constant 0 : i32
        %dma_wait3A_205 = arith.constant 0 : i32
        %dma_wait3A_206 = tpu.memref_slice %arg4[%dma_wait3A_204, %dma_wait3A_205] : memref<480000x128xf32, #tpu.memory_space<hbm>> -> memref<125x128xf32, #tpu.memory_space<hbm>>
        tpu.wait_dma2 semaphore(%arg13 : memref<!tpu.dma_semaphore, #tpu.memory_space<semaphore_mem>>) src(%arg9 : memref<125x128xf32, #tpu.memory_space<vmem>>) dst(%dma_wait3A_206 : memref<125x128xf32, #tpu.memory_space<hbm>>)
      } else {
      }
      %scan3A_188 = arith.constant 0 : i32
      %scan3A_189 = arith.constant 125 : i32
      %scan3A_190 = arith.addi %scan3A_188, %scan3A_189 : i32
      %scan3A_191 = arith.constant 1 : i32
      scf.for %scan3A_201 = %scan3A_188 to %scan3A_190 step %scan3A_191  : i32 {
        %get3A = arith.index_cast %scan3A_201 : i32 to index
        %get3A_202 = arith.constant 0 : index
        %get3A_203 = tpu.vector_load %arg6[%get3A, %get3A_202] {strides = array<i32>} : memref<125x128xf32, #tpu.memory_space<vmem>>, vector<1x16xf32>,
        %get3A_204 = vector.shape_cast %get3A_203 : vector<1x16xf32> to vector<16xf32>
        %get3A_205 = arith.index_cast %scan3A_201 : i32 to index
        %get3A_206 = arith.constant 0 : index
        %get3A_207 = tpu.vector_load %arg7[%get3A_205, %get3A_206] {strides = array<i32>} : memref<125x128xf32, #tpu.memory_space<vmem>>, vector<1x16xf32>,
        %get3A_208 = vector.shape_cast %get3A_207 : vector<1x16xf32> to vector<16xf32>
        %add3A_209 = arith.addf %get3A_204, %get3A_208 : vector<16xf32>
        %swap3A = arith.index_cast %scan3A_201 : i32 to index
        %swap3A_210 = arith.constant 0 : index
        %swap3A_211 = tpu.vector_load %arg9[%swap3A, %swap3A_210] {strides = array<i32>} : memref<125x128xf32, #tpu.memory_space<vmem>>, vector<1x16xf32>,
        %swap3A_212 = vector.shape_cast %swap3A_211 : vector<1x16xf32> to vector<16xf32>
        %swap3A_213 = vector.shape_cast %add3A_209 : vector<16xf32> to vector<1x16xf32>
        tpu.vector_store %arg9[%swap3A, %swap3A_210], %swap3A_213 {strides = array<i32>} : memref<125x128xf32, #tpu.memory_space<vmem>>, vector<1x16xf32>,
        %get3A_214 = arith.index_cast %scan3A_201 : i32 to index
        %get3A_215 = arith.constant 16 : index
        %get3A_216 = tpu.vector_load %arg6[%get3A_214, %get3A_215] {strides = array<i32>} : memref<125x128xf32, #tpu.memory_space<vmem>>, vector<1x16xf32>,
        %get3A_217 = vector.shape_cast %get3A_216 : vector<1x16xf32> to vector<16xf32>
        %get3A_218 = arith.index_cast %scan3A_201 : i32 to index
        %get3A_219 = arith.constant 16 : index
        %get3A_220 = tpu.vector_load %arg7[%get3A_218, %get3A_219] {strides = array<i32>} : memref<125x128xf32, #tpu.memory_space<vmem>>, vector<1x16xf32>,
        %get3A_221 = vector.shape_cast %get3A_220 : vector<1x16xf32> to vector<16xf32>
        %add3A_222 = arith.addf %get3A_217, %get3A_221 : vector<16xf32>
        %swap3A_223 = arith.index_cast %scan3A_201 : i32 to index
        %swap3A_224 = arith.constant 16 : index
        %swap3A_225 = tpu.vector_load %arg9[%swap3A_223, %swap3A_224] {strides = array<i32>} : memref<125x128xf32, #tpu.memory_space<vmem>>, vector<1x16xf32>,
        %swap3A_226 = vector.shape_cast %swap3A_225 : vector<1x16xf32> to vector<16xf32>
        %swap3A_227 = vector.shape_cast %add3A_222 : vector<16xf32> to vector<1x16xf32>
        tpu.vector_store %arg9[%swap3A_223, %swap3A_224], %swap3A_227 {strides = array<i32>} : memref<125x128xf32, #tpu.memory_space<vmem>>, vector<1x16xf32>,
        %get3A_228 = arith.index_cast %scan3A_201 : i32 to index
        %get3A_229 = arith.constant 32 : index
        %get3A_230 = tpu.vector_load %arg6[%get3A_228, %get3A_229] {strides = array<i32>} : memref<125x128xf32, #tpu.memory_space<vmem>>, vector<1x16xf32>,
        %get3A_231 = vector.shape_cast %get3A_230 : vector<1x16xf32> to vector<16xf32>
        %get3A_232 = arith.index_cast %scan3A_201 : i32 to index
        %get3A_233 = arith.constant 32 : index
        %get3A_234 = tpu.vector_load %arg7[%get3A_232, %get3A_233] {strides = array<i32>} : memref<125x128xf32, #tpu.memory_space<vmem>>, vector<1x16xf32>,
        %get3A_235 = vector.shape_cast %get3A_234 : vector<1x16xf32> to vector<16xf32>
        %add3A_236 = arith.addf %get3A_231, %get3A_235 : vector<16xf32>
        %swap3A_237 = arith.index_cast %scan3A_201 : i32 to index
        %swap3A_238 = arith.constant 32 : index
        %swap3A_239 = tpu.vector_load %arg9[%swap3A_237, %swap3A_238] {strides = array<i32>} : memref<125x128xf32, #tpu.memory_space<vmem>>, vector<1x16xf32>,
        %swap3A_240 = vector.shape_cast %swap3A_239 : vector<1x16xf32> to vector<16xf32>
        %swap3A_241 = vector.shape_cast %add3A_236 : vector<16xf32> to vector<1x16xf32>
        tpu.vector_store %arg9[%swap3A_237, %swap3A_238], %swap3A_241 {strides = array<i32>} : memref<125x128xf32, #tpu.memory_space<vmem>>, vector<1x16xf32>,
        %get3A_242 = arith.index_cast %scan3A_201 : i32 to index
        %get3A_243 = arith.constant 48 : index
        %get3A_244 = tpu.vector_load %arg6[%get3A_242, %get3A_243] {strides = array<i32>} : memref<125x128xf32, #tpu.memory_space<vmem>>, vector<1x16xf32>,
        %get3A_245 = vector.shape_cast %get3A_244 : vector<1x16xf32> to vector<16xf32>
        %get3A_246 = arith.index_cast %scan3A_201 : i32 to index
        %get3A_247 = arith.constant 48 : index
        %get3A_248 = tpu.vector_load %arg7[%get3A_246, %get3A_247] {strides = array<i32>} : memref<125x128xf32, #tpu.memory_space<vmem>>, vector<1x16xf32>,
        %get3A_249 = vector.shape_cast %get3A_248 : vector<1x16xf32> to vector<16xf32>
        %add3A_250 = arith.addf %get3A_245, %get3A_249 : vector<16xf32>
        %swap3A_251 = arith.index_cast %scan3A_201 : i32 to index
        %swap3A_252 = arith.constant 48 : index
        %swap3A_253 = tpu.vector_load %arg9[%swap3A_251, %swap3A_252] {strides = array<i32>} : memref<125x128xf32, #tpu.memory_space<vmem>>, vector<1x16xf32>,
        %swap3A_254 = vector.shape_cast %swap3A_253 : vector<1x16xf32> to vector<16xf32>
        %swap3A_255 = vector.shape_cast %add3A_250 : vector<16xf32> to vector<1x16xf32>
        tpu.vector_store %arg9[%swap3A_251, %swap3A_252], %swap3A_255 {strides = array<i32>} : memref<125x128xf32, #tpu.memory_space<vmem>>, vector<1x16xf32>,
        %get3A_256 = arith.index_cast %scan3A_201 : i32 to index
        %get3A_257 = arith.constant 64 : index
        %get3A_258 = tpu.vector_load %arg6[%get3A_256, %get3A_257] {strides = array<i32>} : memref<125x128xf32, #tpu.memory_space<vmem>>, vector<1x16xf32>,
        %get3A_259 = vector.shape_cast %get3A_258 : vector<1x16xf32> to vector<16xf32>
        %get3A_260 = arith.index_cast %scan3A_201 : i32 to index
        %get3A_261 = arith.constant 64 : index
        %get3A_262 = tpu.vector_load %arg7[%get3A_260, %get3A_261] {strides = array<i32>} : memref<125x128xf32, #tpu.memory_space<vmem>>, vector<1x16xf32>,
        %get3A_263 = vector.shape_cast %get3A_262 : vector<1x16xf32> to vector<16xf32>
        %add3A_264 = arith.addf %get3A_259, %get3A_263 : vector<16xf32>
        %swap3A_265 = arith.index_cast %scan3A_201 : i32 to index
        %swap3A_266 = arith.constant 64 : index
        %swap3A_267 = tpu.vector_load %arg9[%swap3A_265, %swap3A_266] {strides = array<i32>} : memref<125x128xf32, #tpu.memory_space<vmem>>, vector<1x16xf32>,
        %swap3A_268 = vector.shape_cast %swap3A_267 : vector<1x16xf32> to vector<16xf32>
        %swap3A_269 = vector.shape_cast %add3A_264 : vector<16xf32> to vector<1x16xf32>
        tpu.vector_store %arg9[%swap3A_265, %swap3A_266], %swap3A_269 {strides = array<i32>} : memref<125x128xf32, #tpu.memory_space<vmem>>, vector<1x16xf32>,
        %get3A_270 = arith.index_cast %scan3A_201 : i32 to index
        %get3A_271 = arith.constant 80 : index
        %get3A_272 = tpu.vector_load %arg6[%get3A_270, %get3A_271] {strides = array<i32>} : memref<125x128xf32, #tpu.memory_space<vmem>>, vector<1x16xf32>,
        %get3A_273 = vector.shape_cast %get3A_272 : vector<1x16xf32> to vector<16xf32>
        %get3A_274 = arith.index_cast %scan3A_201 : i32 to index
        %get3A_275 = arith.constant 80 : index
        %get3A_276 = tpu.vector_load %arg7[%get3A_274, %get3A_275] {strides = array<i32>} : memref<125x128xf32, #tpu.memory_space<vmem>>, vector<1x16xf32>,
        %get3A_277 = vector.shape_cast %get3A_276 : vector<1x16xf32> to vector<16xf32>
        %add3A_278 = arith.addf %get3A_273, %get3A_277 : vector<16xf32>
        %swap3A_279 = arith.index_cast %scan3A_201 : i32 to index
        %swap3A_280 = arith.constant 80 : index
        %swap3A_281 = tpu.vector_load %arg9[%swap3A_279, %swap3A_280] {strides = array<i32>} : memref<125x128xf32, #tpu.memory_space<vmem>>, vector<1x16xf32>,
        %swap3A_282 = vector.shape_cast %swap3A_281 : vector<1x16xf32> to vector<16xf32>
        %swap3A_283 = vector.shape_cast %add3A_278 : vector<16xf32> to vector<1x16xf32>
        tpu.vector_store %arg9[%swap3A_279, %swap3A_280], %swap3A_283 {strides = array<i32>} : memref<125x128xf32, #tpu.memory_space<vmem>>, vector<1x16xf32>,
        %get3A_284 = arith.index_cast %scan3A_201 : i32 to index
        %get3A_285 = arith.constant 96 : index
        %get3A_286 = tpu.vector_load %arg6[%get3A_284, %get3A_285] {strides = array<i32>} : memref<125x128xf32, #tpu.memory_space<vmem>>, vector<1x16xf32>,
        %get3A_287 = vector.shape_cast %get3A_286 : vector<1x16xf32> to vector<16xf32>
        %get3A_288 = arith.index_cast %scan3A_201 : i32 to index
        %get3A_289 = arith.constant 96 : index
        %get3A_290 = tpu.vector_load %arg7[%get3A_288, %get3A_289] {strides = array<i32>} : memref<125x128xf32, #tpu.memory_space<vmem>>, vector<1x16xf32>,
        %get3A_291 = vector.shape_cast %get3A_290 : vector<1x16xf32> to vector<16xf32>
        %add3A_292 = arith.addf %get3A_287, %get3A_291 : vector<16xf32>
        %swap3A_293 = arith.index_cast %scan3A_201 : i32 to index
        %swap3A_294 = arith.constant 96 : index
        %swap3A_295 = tpu.vector_load %arg9[%swap3A_293, %swap3A_294] {strides = array<i32>} : memref<125x128xf32, #tpu.memory_space<vmem>>, vector<1x16xf32>,
        %swap3A_296 = vector.shape_cast %swap3A_295 : vector<1x16xf32> to vector<16xf32>
        %swap3A_297 = vector.shape_cast %add3A_292 : vector<16xf32> to vector<1x16xf32>
        tpu.vector_store %arg9[%swap3A_293, %swap3A_294], %swap3A_297 {strides = array<i32>} : memref<125x128xf32, #tpu.memory_space<vmem>>, vector<1x16xf32>,
        %get3A_298 = arith.index_cast %scan3A_201 : i32 to index
        %get3A_299 = arith.constant 112 : index
        %get3A_300 = tpu.vector_load %arg6[%get3A_298, %get3A_299] {strides = array<i32>} : memref<125x128xf32, #tpu.memory_space<vmem>>, vector<1x16xf32>,
        %get3A_301 = vector.shape_cast %get3A_300 : vector<1x16xf32> to vector<16xf32>
        %get3A_302 = arith.index_cast %scan3A_201 : i32 to index
        %get3A_303 = arith.constant 112 : index
        %get3A_304 = tpu.vector_load %arg7[%get3A_302, %get3A_303] {strides = array<i32>} : memref<125x128xf32, #tpu.memory_space<vmem>>, vector<1x16xf32>,
        %get3A_305 = vector.shape_cast %get3A_304 : vector<1x16xf32> to vector<16xf32>
        %add3A_306 = arith.addf %get3A_301, %get3A_305 : vector<16xf32>
        %swap3A_307 = arith.index_cast %scan3A_201 : i32 to index
        %swap3A_308 = arith.constant 112 : index
        %swap3A_309 = tpu.vector_load %arg9[%swap3A_307, %swap3A_308] {strides = array<i32>} : memref<125x128xf32, #tpu.memory_space<vmem>>, vector<1x16xf32>,
        %swap3A_310 = vector.shape_cast %swap3A_309 : vector<1x16xf32> to vector<16xf32>
        %swap3A_311 = vector.shape_cast %add3A_306 : vector<16xf32> to vector<1x16xf32>
        tpu.vector_store %arg9[%swap3A_307, %swap3A_308], %swap3A_311 {strides = array<i32>} : memref<125x128xf32, #tpu.memory_space<vmem>>, vector<1x16xf32>,
      }
      %scan3A_192 = arith.constant 125 : i32
      %add3A_193 = arith.addi %mul3A_2, %add3A_143 : i32
      %mul3A_194 = arith.constant 10000 : i32
      %mul3A_195 = arith.muli %add3A_193, %mul3A_194 : i32
      %add3A_196 = arith.addi %mul3A_195, %add3A_56 : i32
      %dma_start3A_197 = arith.constant 0 : i32
      %dma_start3A_198 = tpu.memref_slice %arg4[%add3A_196, %dma_start3A_197] : memref<480000x128xf32, #tpu.memory_space<hbm>> -> memref<125x128xf32, #tpu.memory_space<hbm>>
      %dma_start3A_199 = arith.constant 0 : i32
      %dma_start3A_200 = tpu.memref_slice %arg4[%add3A_196, %dma_start3A_199] : memref<480000x128xf32, #tpu.memory_space<hbm>> -> memref<125x128xf32, #tpu.memory_space<hbm>>
      tpu.enqueue_dma source(%arg9 : memref<125x128xf32, #tpu.memory_space<vmem>>) target(%dma_start3A_200 : memref<125x128xf32, #tpu.memory_space<hbm>>) target_semaphore(%arg13 : memref<!tpu.dma_semaphore, #tpu.memory_space<semaphore_mem>>)
    }
    %scan3A_70 = arith.constant 12 : i32
    %dma_wait3A_71 = arith.constant 0 : i32
    %dma_wait3A_72 = arith.constant 0 : i32
    %dma_wait3A_73 = tpu.memref_slice %arg4[%dma_wait3A_71, %dma_wait3A_72] : memref<480000x128xf32, #tpu.memory_space<hbm>> -> memref<125x128xf32, #tpu.memory_space<hbm>>
    %dma_wait3A_74 = arith.constant 0 : i32
    %dma_wait3A_75 = arith.constant 0 : i32
    %dma_wait3A_76 = tpu.memref_slice %arg4[%dma_wait3A_74, %dma_wait3A_75] : memref<480000x128xf32, #tpu.memory_space<hbm>> -> memref<125x128xf32, #tpu.memory_space<hbm>>
    tpu.wait_dma2 semaphore(%arg12 : memref<!tpu.dma_semaphore, #tpu.memory_space<semaphore_mem>>) src(%arg8 : memref<125x128xf32, #tpu.memory_space<vmem>>) dst(%dma_wait3A_76 : memref<125x128xf32, #tpu.memory_space<hbm>>)
    %dma_wait3A_77 = arith.constant 0 : i32
    %dma_wait3A_78 = arith.constant 0 : i32
    %dma_wait3A_79 = tpu.memref_slice %arg4[%dma_wait3A_77, %dma_wait3A_78] : memref<480000x128xf32, #tpu.memory_space<hbm>> -> memref<125x128xf32, #tpu.memory_space<hbm>>
    %dma_wait3A_80 = arith.constant 0 : i32
    %dma_wait3A_81 = arith.constant 0 : i32
    %dma_wait3A_82 = tpu.memref_slice %arg4[%dma_wait3A_80, %dma_wait3A_81] : memref<480000x128xf32, #tpu.memory_space<hbm>> -> memref<125x128xf32, #tpu.memory_space<hbm>>
    tpu.wait_dma2 semaphore(%arg13 : memref<!tpu.dma_semaphore, #tpu.memory_space<semaphore_mem>>) src(%arg9 : memref<125x128xf32, #tpu.memory_space<vmem>>) dst(%dma_wait3A_82 : memref<125x128xf32, #tpu.memory_space<hbm>>)
    %add3A_83 = arith.constant 375 : i32
    %add3A_84 = arith.addi %mul3A_0, %add3A_83 : i32
    "tpu.region"() ({
      %run_scoped3A = tpu.sem_alloc : memref<!tpu.dma_semaphore, #tpu.memory_space<semaphore_mem>>
      %dma_start3A_139 = arith.constant 0 : i32
      %dma_start3A_140 = tpu.memref_slice %arg3[%add3A_84, %dma_start3A_139] : memref<10000x128xf32, #tpu.memory_space<hbm>> -> memref<125x128xf32, #tpu.memory_space<hbm>>
      %dma_start3A_141 = arith.constant 0 : i32
      %dma_start3A_142 = tpu.memref_slice %arg3[%add3A_84, %dma_start3A_141] : memref<10000x128xf32, #tpu.memory_space<hbm>> -> memref<125x128xf32, #tpu.memory_space<hbm>>
      tpu.enqueue_dma source(%dma_start3A_142 : memref<125x128xf32, #tpu.memory_space<hbm>>) target(%arg7 : memref<125x128xf32, #tpu.memory_space<vmem>>) target_semaphore(%run_scoped3A : memref<!tpu.dma_semaphore, #tpu.memory_space<semaphore_mem>>)
      %dma_wait3A_143 = arith.constant 0 : i32
      %dma_wait3A_144 = tpu.memref_slice %arg3[%add3A_84, %dma_wait3A_143] : memref<10000x128xf32, #tpu.memory_space<hbm>> -> memref<125x128xf32, #tpu.memory_space<hbm>>
      %dma_wait3A_145 = arith.constant 0 : i32
      %dma_wait3A_146 = tpu.memref_slice %arg3[%add3A_84, %dma_wait3A_145] : memref<10000x128xf32, #tpu.memory_space<hbm>> -> memref<125x128xf32, #tpu.memory_space<hbm>>
      tpu.wait_dma2 semaphore(%run_scoped3A : memref<!tpu.dma_semaphore, #tpu.memory_space<semaphore_mem>>) src(%dma_wait3A_146 : memref<125x128xf32, #tpu.memory_space<hbm>>) dst(%arg7 : memref<125x128xf32, #tpu.memory_space<vmem>>)
      tpu.yield
    }) : () -> ()
    %add3A_85 = arith.constant 0 : i32
    %add3A_86 = arith.addi %mul3A_2, %add3A_85 : i32
    %mul3A_87 = arith.constant 10000 : i32
    %mul3A_88 = arith.muli %add3A_86, %mul3A_87 : i32
    %add3A_89 = arith.addi %mul3A_88, %add3A_84 : i32
    %dma_start3A_90 = arith.constant 0 : i32
    %dma_start3A_91 = tpu.memref_slice %arg2[%add3A_89, %dma_start3A_90] : memref<480000x128xf32, #tpu.memory_space<hbm>> -> memref<125x128xf32, #tpu.memory_space<hbm>>
    %dma_start3A_92 = arith.constant 0 : i32
    %dma_start3A_93 = tpu.memref_slice %arg2[%add3A_89, %dma_start3A_92] : memref<480000x128xf32, #tpu.memory_space<hbm>> -> memref<125x128xf32, #tpu.memory_space<hbm>>
    tpu.enqueue_dma source(%dma_start3A_93 : memref<125x128xf32, #tpu.memory_space<hbm>>) target(%arg5 : memref<125x128xf32, #tpu.memory_space<vmem>>) target_semaphore(%arg10 : memref<!tpu.dma_semaphore, #tpu.memory_space<semaphore_mem>>)
    %scan3A_94 = arith.constant 0 : i32
    %scan3A_95 = arith.constant 12 : i32
    %scan3A_96 = arith.addi %scan3A_94, %scan3A_95 : i32
    %scan3A_97 = arith.constant 1 : i32
    scf.for %scan3A_139 = %scan3A_94 to %scan3A_96 step %scan3A_97  : i32 {
      %mul3A_140 = arith.constant 2 : i32
      %mul3A_141 = arith.muli %mul3A_140, %scan3A_139 : i32
      %add3A_142 = arith.constant 1 : i32
      %add3A_143 = arith.addi %mul3A_141, %add3A_142 : i32
      %dma_wait3A_144 = arith.constant 0 : i32
      %dma_wait3A_145 = arith.constant 0 : i32
      %dma_wait3A_146 = tpu.memref_slice %arg2[%dma_wait3A_144, %dma_wait3A_145] : memref<480000x128xf32, #tpu.memory_space<hbm>> -> memref<125x128xf32, #tpu.memory_space<hbm>>
      %dma_wait3A_147 = arith.constant 0 : i32
      %dma_wait3A_148 = arith.constant 0 : i32
      %dma_wait3A_149 = tpu.memref_slice %arg2[%dma_wait3A_147, %dma_wait3A_148] : memref<480000x128xf32, #tpu.memory_space<hbm>> -> memref<125x128xf32, #tpu.memory_space<hbm>>
      tpu.wait_dma2 semaphore(%arg10 : memref<!tpu.dma_semaphore, #tpu.memory_space<semaphore_mem>>) src(%dma_wait3A_149 : memref<125x128xf32, #tpu.memory_space<hbm>>) dst(%arg5 : memref<125x128xf32, #tpu.memory_space<vmem>>)
      %add3A_150 = arith.addi %mul3A_2, %add3A_143 : i32
      %mul3A_151 = arith.constant 10000 : i32
      %mul3A_152 = arith.muli %add3A_150, %mul3A_151 : i32
      %add3A_153 = arith.addi %mul3A_152, %add3A_84 : i32
      %dma_start3A_154 = arith.constant 0 : i32
      %dma_start3A_155 = tpu.memref_slice %arg2[%add3A_153, %dma_start3A_154] : memref<480000x128xf32, #tpu.memory_space<hbm>> -> memref<125x128xf32, #tpu.memory_space<hbm>>
      %dma_start3A_156 = arith.constant 0 : i32
      %dma_start3A_157 = tpu.memref_slice %arg2[%add3A_153, %dma_start3A_156] : memref<480000x128xf32, #tpu.memory_space<hbm>> -> memref<125x128xf32, #tpu.memory_space<hbm>>
      tpu.enqueue_dma source(%dma_start3A_157 : memref<125x128xf32, #tpu.memory_space<hbm>>) target(%arg6 : memref<125x128xf32, #tpu.memory_space<vmem>>) target_semaphore(%arg11 : memref<!tpu.dma_semaphore, #tpu.memory_space<semaphore_mem>>)
      %gt3A = arith.constant 0 : i32
      %gt3A_158 = arith.cmpi sgt, %scan3A_139, %gt3A : i32
      %convert_element_type3A = arith.extui %gt3A_158 : i1 to i32
      %cond3A = arith.constant 0 : i32
      %cond3A_159 = arith.cmpi ne, %convert_element_type3A, %cond3A : i32
      scf.if %cond3A_159 {
        %dma_wait3A_201 = arith.constant 0 : i32
        %dma_wait3A_202 = arith.constant 0 : i32
        %dma_wait3A_203 = tpu.memref_slice %arg4[%dma_wait3A_201, %dma_wait3A_202] : memref<480000x128xf32, #tpu.memory_space<hbm>> -> memref<125x128xf32, #tpu.memory_space<hbm>>
        %dma_wait3A_204 = arith.constant 0 : i32
        %dma_wait3A_205 = arith.constant 0 : i32
        %dma_wait3A_206 = tpu.memref_slice %arg4[%dma_wait3A_204, %dma_wait3A_205] : memref<480000x128xf32, #tpu.memory_space<hbm>> -> memref<125x128xf32, #tpu.memory_space<hbm>>
        tpu.wait_dma2 semaphore(%arg12 : memref<!tpu.dma_semaphore, #tpu.memory_space<semaphore_mem>>) src(%arg8 : memref<125x128xf32, #tpu.memory_space<vmem>>) dst(%dma_wait3A_206 : memref<125x128xf32, #tpu.memory_space<hbm>>)
      } else {
      }
      %scan3A_160 = arith.constant 0 : i32
      %scan3A_161 = arith.constant 125 : i32
      %scan3A_162 = arith.addi %scan3A_160, %scan3A_161 : i32
      %scan3A_163 = arith.constant 1 : i32
      scf.for %scan3A_201 = %scan3A_160 to %scan3A_162 step %scan3A_163  : i32 {
        %get3A = arith.index_cast %scan3A_201 : i32 to index
        %get3A_202 = arith.constant 0 : index
        %get3A_203 = tpu.vector_load %arg5[%get3A, %get3A_202] {strides = array<i32>} : memref<125x128xf32, #tpu.memory_space<vmem>>, vector<1x16xf32>,
        %get3A_204 = vector.shape_cast %get3A_203 : vector<1x16xf32> to vector<16xf32>
        %get3A_205 = arith.index_cast %scan3A_201 : i32 to index
        %get3A_206 = arith.constant 0 : index
        %get3A_207 = tpu.vector_load %arg7[%get3A_205, %get3A_206] {strides = array<i32>} : memref<125x128xf32, #tpu.memory_space<vmem>>, vector<1x16xf32>,
        %get3A_208 = vector.shape_cast %get3A_207 : vector<1x16xf32> to vector<16xf32>
        %add3A_209 = arith.addf %get3A_204, %get3A_208 : vector<16xf32>
        %swap3A = arith.index_cast %scan3A_201 : i32 to index
        %swap3A_210 = arith.constant 0 : index
        %swap3A_211 = tpu.vector_load %arg8[%swap3A, %swap3A_210] {strides = array<i32>} : memref<125x128xf32, #tpu.memory_space<vmem>>, vector<1x16xf32>,
        %swap3A_212 = vector.shape_cast %swap3A_211 : vector<1x16xf32> to vector<16xf32>
        %swap3A_213 = vector.shape_cast %add3A_209 : vector<16xf32> to vector<1x16xf32>
        tpu.vector_store %arg8[%swap3A, %swap3A_210], %swap3A_213 {strides = array<i32>} : memref<125x128xf32, #tpu.memory_space<vmem>>, vector<1x16xf32>,
        %get3A_214 = arith.index_cast %scan3A_201 : i32 to index
        %get3A_215 = arith.constant 16 : index
        %get3A_216 = tpu.vector_load %arg5[%get3A_214, %get3A_215] {strides = array<i32>} : memref<125x128xf32, #tpu.memory_space<vmem>>, vector<1x16xf32>,
        %get3A_217 = vector.shape_cast %get3A_216 : vector<1x16xf32> to vector<16xf32>
        %get3A_218 = arith.index_cast %scan3A_201 : i32 to index
        %get3A_219 = arith.constant 16 : index
        %get3A_220 = tpu.vector_load %arg7[%get3A_218, %get3A_219] {strides = array<i32>} : memref<125x128xf32, #tpu.memory_space<vmem>>, vector<1x16xf32>,
        %get3A_221 = vector.shape_cast %get3A_220 : vector<1x16xf32> to vector<16xf32>
        %add3A_222 = arith.addf %get3A_217, %get3A_221 : vector<16xf32>
        %swap3A_223 = arith.index_cast %scan3A_201 : i32 to index
        %swap3A_224 = arith.constant 16 : index
        %swap3A_225 = tpu.vector_load %arg8[%swap3A_223, %swap3A_224] {strides = array<i32>} : memref<125x128xf32, #tpu.memory_space<vmem>>, vector<1x16xf32>,
        %swap3A_226 = vector.shape_cast %swap3A_225 : vector<1x16xf32> to vector<16xf32>
        %swap3A_227 = vector.shape_cast %add3A_222 : vector<16xf32> to vector<1x16xf32>
        tpu.vector_store %arg8[%swap3A_223, %swap3A_224], %swap3A_227 {strides = array<i32>} : memref<125x128xf32, #tpu.memory_space<vmem>>, vector<1x16xf32>,
        %get3A_228 = arith.index_cast %scan3A_201 : i32 to index
        %get3A_229 = arith.constant 32 : index
        %get3A_230 = tpu.vector_load %arg5[%get3A_228, %get3A_229] {strides = array<i32>} : memref<125x128xf32, #tpu.memory_space<vmem>>, vector<1x16xf32>,
        %get3A_231 = vector.shape_cast %get3A_230 : vector<1x16xf32> to vector<16xf32>
        %get3A_232 = arith.index_cast %scan3A_201 : i32 to index
        %get3A_233 = arith.constant 32 : index
        %get3A_234 = tpu.vector_load %arg7[%get3A_232, %get3A_233] {strides = array<i32>} : memref<125x128xf32, #tpu.memory_space<vmem>>, vector<1x16xf32>,
        %get3A_235 = vector.shape_cast %get3A_234 : vector<1x16xf32> to vector<16xf32>
        %add3A_236 = arith.addf %get3A_231, %get3A_235 : vector<16xf32>
        %swap3A_237 = arith.index_cast %scan3A_201 : i32 to index
        %swap3A_238 = arith.constant 32 : index
        %swap3A_239 = tpu.vector_load %arg8[%swap3A_237, %swap3A_238] {strides = array<i32>} : memref<125x128xf32, #tpu.memory_space<vmem>>, vector<1x16xf32>,
        %swap3A_240 = vector.shape_cast %swap3A_239 : vector<1x16xf32> to vector<16xf32>
        %swap3A_241 = vector.shape_cast %add3A_236 : vector<16xf32> to vector<1x16xf32>
        tpu.vector_store %arg8[%swap3A_237, %swap3A_238], %swap3A_241 {strides = array<i32>} : memref<125x128xf32, #tpu.memory_space<vmem>>, vector<1x16xf32>,
        %get3A_242 = arith.index_cast %scan3A_201 : i32 to index
        %get3A_243 = arith.constant 48 : index
        %get3A_244 = tpu.vector_load %arg5[%get3A_242, %get3A_243] {strides = array<i32>} : memref<125x128xf32, #tpu.memory_space<vmem>>, vector<1x16xf32>,
        %get3A_245 = vector.shape_cast %get3A_244 : vector<1x16xf32> to vector<16xf32>
        %get3A_246 = arith.index_cast %scan3A_201 : i32 to index
        %get3A_247 = arith.constant 48 : index
        %get3A_248 = tpu.vector_load %arg7[%get3A_246, %get3A_247] {strides = array<i32>} : memref<125x128xf32, #tpu.memory_space<vmem>>, vector<1x16xf32>,
        %get3A_249 = vector.shape_cast %get3A_248 : vector<1x16xf32> to vector<16xf32>
        %add3A_250 = arith.addf %get3A_245, %get3A_249 : vector<16xf32>
        %swap3A_251 = arith.index_cast %scan3A_201 : i32 to index
        %swap3A_252 = arith.constant 48 : index
        %swap3A_253 = tpu.vector_load %arg8[%swap3A_251, %swap3A_252] {strides = array<i32>} : memref<125x128xf32, #tpu.memory_space<vmem>>, vector<1x16xf32>,
        %swap3A_254 = vector.shape_cast %swap3A_253 : vector<1x16xf32> to vector<16xf32>
        %swap3A_255 = vector.shape_cast %add3A_250 : vector<16xf32> to vector<1x16xf32>
        tpu.vector_store %arg8[%swap3A_251, %swap3A_252], %swap3A_255 {strides = array<i32>} : memref<125x128xf32, #tpu.memory_space<vmem>>, vector<1x16xf32>,
        %get3A_256 = arith.index_cast %scan3A_201 : i32 to index
        %get3A_257 = arith.constant 64 : index
        %get3A_258 = tpu.vector_load %arg5[%get3A_256, %get3A_257] {strides = array<i32>} : memref<125x128xf32, #tpu.memory_space<vmem>>, vector<1x16xf32>,
        %get3A_259 = vector.shape_cast %get3A_258 : vector<1x16xf32> to vector<16xf32>
        %get3A_260 = arith.index_cast %scan3A_201 : i32 to index
        %get3A_261 = arith.constant 64 : index
        %get3A_262 = tpu.vector_load %arg7[%get3A_260, %get3A_261] {strides = array<i32>} : memref<125x128xf32, #tpu.memory_space<vmem>>, vector<1x16xf32>,
        %get3A_263 = vector.shape_cast %get3A_262 : vector<1x16xf32> to vector<16xf32>
        %add3A_264 = arith.addf %get3A_259, %get3A_263 : vector<16xf32>
        %swap3A_265 = arith.index_cast %scan3A_201 : i32 to index
        %swap3A_266 = arith.constant 64 : index
        %swap3A_267 = tpu.vector_load %arg8[%swap3A_265, %swap3A_266] {strides = array<i32>} : memref<125x128xf32, #tpu.memory_space<vmem>>, vector<1x16xf32>,
        %swap3A_268 = vector.shape_cast %swap3A_267 : vector<1x16xf32> to vector<16xf32>
        %swap3A_269 = vector.shape_cast %add3A_264 : vector<16xf32> to vector<1x16xf32>
        tpu.vector_store %arg8[%swap3A_265, %swap3A_266], %swap3A_269 {strides = array<i32>} : memref<125x128xf32, #tpu.memory_space<vmem>>, vector<1x16xf32>,
        %get3A_270 = arith.index_cast %scan3A_201 : i32 to index
        %get3A_271 = arith.constant 80 : index
        %get3A_272 = tpu.vector_load %arg5[%get3A_270, %get3A_271] {strides = array<i32>} : memref<125x128xf32, #tpu.memory_space<vmem>>, vector<1x16xf32>,
        %get3A_273 = vector.shape_cast %get3A_272 : vector<1x16xf32> to vector<16xf32>
        %get3A_274 = arith.index_cast %scan3A_201 : i32 to index
        %get3A_275 = arith.constant 80 : index
        %get3A_276 = tpu.vector_load %arg7[%get3A_274, %get3A_275] {strides = array<i32>} : memref<125x128xf32, #tpu.memory_space<vmem>>, vector<1x16xf32>,
        %get3A_277 = vector.shape_cast %get3A_276 : vector<1x16xf32> to vector<16xf32>
        %add3A_278 = arith.addf %get3A_273, %get3A_277 : vector<16xf32>
        %swap3A_279 = arith.index_cast %scan3A_201 : i32 to index
        %swap3A_280 = arith.constant 80 : index
        %swap3A_281 = tpu.vector_load %arg8[%swap3A_279, %swap3A_280] {strides = array<i32>} : memref<125x128xf32, #tpu.memory_space<vmem>>, vector<1x16xf32>,
        %swap3A_282 = vector.shape_cast %swap3A_281 : vector<1x16xf32> to vector<16xf32>
        %swap3A_283 = vector.shape_cast %add3A_278 : vector<16xf32> to vector<1x16xf32>
        tpu.vector_store %arg8[%swap3A_279, %swap3A_280], %swap3A_283 {strides = array<i32>} : memref<125x128xf32, #tpu.memory_space<vmem>>, vector<1x16xf32>,
        %get3A_284 = arith.index_cast %scan3A_201 : i32 to index
        %get3A_285 = arith.constant 96 : index
        %get3A_286 = tpu.vector_load %arg5[%get3A_284, %get3A_285] {strides = array<i32>} : memref<125x128xf32, #tpu.memory_space<vmem>>, vector<1x16xf32>,
        %get3A_287 = vector.shape_cast %get3A_286 : vector<1x16xf32> to vector<16xf32>
        %get3A_288 = arith.index_cast %scan3A_201 : i32 to index
        %get3A_289 = arith.constant 96 : index
        %get3A_290 = tpu.vector_load %arg7[%get3A_288, %get3A_289] {strides = array<i32>} : memref<125x128xf32, #tpu.memory_space<vmem>>, vector<1x16xf32>,
        %get3A_291 = vector.shape_cast %get3A_290 : vector<1x16xf32> to vector<16xf32>
        %add3A_292 = arith.addf %get3A_287, %get3A_291 : vector<16xf32>
        %swap3A_293 = arith.index_cast %scan3A_201 : i32 to index
        %swap3A_294 = arith.constant 96 : index
        %swap3A_295 = tpu.vector_load %arg8[%swap3A_293, %swap3A_294] {strides = array<i32>} : memref<125x128xf32, #tpu.memory_space<vmem>>, vector<1x16xf32>,
        %swap3A_296 = vector.shape_cast %swap3A_295 : vector<1x16xf32> to vector<16xf32>
        %swap3A_297 = vector.shape_cast %add3A_292 : vector<16xf32> to vector<1x16xf32>
        tpu.vector_store %arg8[%swap3A_293, %swap3A_294], %swap3A_297 {strides = array<i32>} : memref<125x128xf32, #tpu.memory_space<vmem>>, vector<1x16xf32>,
        %get3A_298 = arith.index_cast %scan3A_201 : i32 to index
        %get3A_299 = arith.constant 112 : index
        %get3A_300 = tpu.vector_load %arg5[%get3A_298, %get3A_299] {strides = array<i32>} : memref<125x128xf32, #tpu.memory_space<vmem>>, vector<1x16xf32>,
        %get3A_301 = vector.shape_cast %get3A_300 : vector<1x16xf32> to vector<16xf32>
        %get3A_302 = arith.index_cast %scan3A_201 : i32 to index
        %get3A_303 = arith.constant 112 : index
        %get3A_304 = tpu.vector_load %arg7[%get3A_302, %get3A_303] {strides = array<i32>} : memref<125x128xf32, #tpu.memory_space<vmem>>, vector<1x16xf32>,
        %get3A_305 = vector.shape_cast %get3A_304 : vector<1x16xf32> to vector<16xf32>
        %add3A_306 = arith.addf %get3A_301, %get3A_305 : vector<16xf32>
        %swap3A_307 = arith.index_cast %scan3A_201 : i32 to index
        %swap3A_308 = arith.constant 112 : index
        %swap3A_309 = tpu.vector_load %arg8[%swap3A_307, %swap3A_308] {strides = array<i32>} : memref<125x128xf32, #tpu.memory_space<vmem>>, vector<1x16xf32>,
        %swap3A_310 = vector.shape_cast %swap3A_309 : vector<1x16xf32> to vector<16xf32>
        %swap3A_311 = vector.shape_cast %add3A_306 : vector<16xf32> to vector<1x16xf32>
        tpu.vector_store %arg8[%swap3A_307, %swap3A_308], %swap3A_311 {strides = array<i32>} : memref<125x128xf32, #tpu.memory_space<vmem>>, vector<1x16xf32>,
      }
      %scan3A_164 = arith.constant 125 : i32
      %add3A_165 = arith.addi %mul3A_2, %mul3A_141 : i32
      %mul3A_166 = arith.constant 10000 : i32
      %mul3A_167 = arith.muli %add3A_165, %mul3A_166 : i32
      %add3A_168 = arith.addi %mul3A_167, %add3A_84 : i32
      %dma_start3A_169 = arith.constant 0 : i32
      %dma_start3A_170 = tpu.memref_slice %arg4[%add3A_168, %dma_start3A_169] : memref<480000x128xf32, #tpu.memory_space<hbm>> -> memref<125x128xf32, #tpu.memory_space<hbm>>
      %dma_start3A_171 = arith.constant 0 : i32
      %dma_start3A_172 = tpu.memref_slice %arg4[%add3A_168, %dma_start3A_171] : memref<480000x128xf32, #tpu.memory_space<hbm>> -> memref<125x128xf32, #tpu.memory_space<hbm>>
      tpu.enqueue_dma source(%arg8 : memref<125x128xf32, #tpu.memory_space<vmem>>) target(%dma_start3A_172 : memref<125x128xf32, #tpu.memory_space<hbm>>) target_semaphore(%arg12 : memref<!tpu.dma_semaphore, #tpu.memory_space<semaphore_mem>>)
      %lt3A = arith.constant 11 : i32
      %lt3A_173 = arith.cmpi slt, %scan3A_139, %lt3A : i32
      %convert_element_type3A_174 = arith.extui %lt3A_173 : i1 to i32
      %cond3A_175 = arith.constant 0 : i32
      %cond3A_176 = arith.cmpi ne, %convert_element_type3A_174, %cond3A_175 : i32
      scf.if %cond3A_176 {
        %add3A_201 = arith.constant 2 : i32
        %add3A_202 = arith.addi %mul3A_141, %add3A_201 : i32
        %add3A_203 = arith.addi %mul3A_2, %add3A_202 : i32
        %mul3A_204 = arith.constant 10000 : i32
        %mul3A_205 = arith.muli %add3A_203, %mul3A_204 : i32
        %add3A_206 = arith.addi %mul3A_205, %add3A_84 : i32
        %dma_start3A_207 = arith.constant 0 : i32
        %dma_start3A_208 = tpu.memref_slice %arg2[%add3A_206, %dma_start3A_207] : memref<480000x128xf32, #tpu.memory_space<hbm>> -> memref<125x128xf32, #tpu.memory_space<hbm>>
        %dma_start3A_209 = arith.constant 0 : i32
        %dma_start3A_210 = tpu.memref_slice %arg2[%add3A_206, %dma_start3A_209] : memref<480000x128xf32, #tpu.memory_space<hbm>> -> memref<125x128xf32, #tpu.memory_space<hbm>>
        tpu.enqueue_dma source(%dma_start3A_210 : memref<125x128xf32, #tpu.memory_space<hbm>>) target(%arg5 : memref<125x128xf32, #tpu.memory_space<vmem>>) target_semaphore(%arg10 : memref<!tpu.dma_semaphore, #tpu.memory_space<semaphore_mem>>)
      } else {
      }
      %dma_wait3A_177 = arith.constant 0 : i32
      %dma_wait3A_178 = arith.constant 0 : i32
      %dma_wait3A_179 = tpu.memref_slice %arg2[%dma_wait3A_177, %dma_wait3A_178] : memref<480000x128xf32, #tpu.memory_space<hbm>> -> memref<125x128xf32, #tpu.memory_space<hbm>>
      %dma_wait3A_180 = arith.constant 0 : i32
      %dma_wait3A_181 = arith.constant 0 : i32
      %dma_wait3A_182 = tpu.memref_slice %arg2[%dma_wait3A_180, %dma_wait3A_181] : memref<480000x128xf32, #tpu.memory_space<hbm>> -> memref<125x128xf32, #tpu.memory_space<hbm>>
      tpu.wait_dma2 semaphore(%arg11 : memref<!tpu.dma_semaphore, #tpu.memory_space<semaphore_mem>>) src(%dma_wait3A_182 : memref<125x128xf32, #tpu.memory_space<hbm>>) dst(%arg6 : memref<125x128xf32, #tpu.memory_space<vmem>>)
      %gt3A_183 = arith.constant 0 : i32
      %gt3A_184 = arith.cmpi sgt, %scan3A_139, %gt3A_183 : i32
      %convert_element_type3A_185 = arith.extui %gt3A_184 : i1 to i32
      %cond3A_186 = arith.constant 0 : i32
      %cond3A_187 = arith.cmpi ne, %convert_element_type3A_185, %cond3A_186 : i32
      scf.if %cond3A_187 {
        %dma_wait3A_201 = arith.constant 0 : i32
        %dma_wait3A_202 = arith.constant 0 : i32
        %dma_wait3A_203 = tpu.memref_slice %arg4[%dma_wait3A_201, %dma_wait3A_202] : memref<480000x128xf32, #tpu.memory_space<hbm>> -> memref<125x128xf32, #tpu.memory_space<hbm>>
        %dma_wait3A_204 = arith.constant 0 : i32
        %dma_wait3A_205 = arith.constant 0 : i32
        %dma_wait3A_206 = tpu.memref_slice %arg4[%dma_wait3A_204, %dma_wait3A_205] : memref<480000x128xf32, #tpu.memory_space<hbm>> -> memref<125x128xf32, #tpu.memory_space<hbm>>
        tpu.wait_dma2 semaphore(%arg13 : memref<!tpu.dma_semaphore, #tpu.memory_space<semaphore_mem>>) src(%arg9 : memref<125x128xf32, #tpu.memory_space<vmem>>) dst(%dma_wait3A_206 : memref<125x128xf32, #tpu.memory_space<hbm>>)
      } else {
      }
      %scan3A_188 = arith.constant 0 : i32
      %scan3A_189 = arith.constant 125 : i32
      %scan3A_190 = arith.addi %scan3A_188, %scan3A_189 : i32
      %scan3A_191 = arith.constant 1 : i32
      scf.for %scan3A_201 = %scan3A_188 to %scan3A_190 step %scan3A_191  : i32 {
        %get3A = arith.index_cast %scan3A_201 : i32 to index
        %get3A_202 = arith.constant 0 : index
        %get3A_203 = tpu.vector_load %arg6[%get3A, %get3A_202] {strides = array<i32>} : memref<125x128xf32, #tpu.memory_space<vmem>>, vector<1x16xf32>,
        %get3A_204 = vector.shape_cast %get3A_203 : vector<1x16xf32> to vector<16xf32>
        %get3A_205 = arith.index_cast %scan3A_201 : i32 to index
        %get3A_206 = arith.constant 0 : index
        %get3A_207 = tpu.vector_load %arg7[%get3A_205, %get3A_206] {strides = array<i32>} : memref<125x128xf32, #tpu.memory_space<vmem>>, vector<1x16xf32>,
        %get3A_208 = vector.shape_cast %get3A_207 : vector<1x16xf32> to vector<16xf32>
        %add3A_209 = arith.addf %get3A_204, %get3A_208 : vector<16xf32>
        %swap3A = arith.index_cast %scan3A_201 : i32 to index
        %swap3A_210 = arith.constant 0 : index
        %swap3A_211 = tpu.vector_load %arg9[%swap3A, %swap3A_210] {strides = array<i32>} : memref<125x128xf32, #tpu.memory_space<vmem>>, vector<1x16xf32>,
        %swap3A_212 = vector.shape_cast %swap3A_211 : vector<1x16xf32> to vector<16xf32>
        %swap3A_213 = vector.shape_cast %add3A_209 : vector<16xf32> to vector<1x16xf32>
        tpu.vector_store %arg9[%swap3A, %swap3A_210], %swap3A_213 {strides = array<i32>} : memref<125x128xf32, #tpu.memory_space<vmem>>, vector<1x16xf32>,
        %get3A_214 = arith.index_cast %scan3A_201 : i32 to index
        %get3A_215 = arith.constant 16 : index
        %get3A_216 = tpu.vector_load %arg6[%get3A_214, %get3A_215] {strides = array<i32>} : memref<125x128xf32, #tpu.memory_space<vmem>>, vector<1x16xf32>,
        %get3A_217 = vector.shape_cast %get3A_216 : vector<1x16xf32> to vector<16xf32>
        %get3A_218 = arith.index_cast %scan3A_201 : i32 to index
        %get3A_219 = arith.constant 16 : index
        %get3A_220 = tpu.vector_load %arg7[%get3A_218, %get3A_219] {strides = array<i32>} : memref<125x128xf32, #tpu.memory_space<vmem>>, vector<1x16xf32>,
        %get3A_221 = vector.shape_cast %get3A_220 : vector<1x16xf32> to vector<16xf32>
        %add3A_222 = arith.addf %get3A_217, %get3A_221 : vector<16xf32>
        %swap3A_223 = arith.index_cast %scan3A_201 : i32 to index
        %swap3A_224 = arith.constant 16 : index
        %swap3A_225 = tpu.vector_load %arg9[%swap3A_223, %swap3A_224] {strides = array<i32>} : memref<125x128xf32, #tpu.memory_space<vmem>>, vector<1x16xf32>,
        %swap3A_226 = vector.shape_cast %swap3A_225 : vector<1x16xf32> to vector<16xf32>
        %swap3A_227 = vector.shape_cast %add3A_222 : vector<16xf32> to vector<1x16xf32>
        tpu.vector_store %arg9[%swap3A_223, %swap3A_224], %swap3A_227 {strides = array<i32>} : memref<125x128xf32, #tpu.memory_space<vmem>>, vector<1x16xf32>,
        %get3A_228 = arith.index_cast %scan3A_201 : i32 to index
        %get3A_229 = arith.constant 32 : index
        %get3A_230 = tpu.vector_load %arg6[%get3A_228, %get3A_229] {strides = array<i32>} : memref<125x128xf32, #tpu.memory_space<vmem>>, vector<1x16xf32>,
        %get3A_231 = vector.shape_cast %get3A_230 : vector<1x16xf32> to vector<16xf32>
        %get3A_232 = arith.index_cast %scan3A_201 : i32 to index
        %get3A_233 = arith.constant 32 : index
        %get3A_234 = tpu.vector_load %arg7[%get3A_232, %get3A_233] {strides = array<i32>} : memref<125x128xf32, #tpu.memory_space<vmem>>, vector<1x16xf32>,
        %get3A_235 = vector.shape_cast %get3A_234 : vector<1x16xf32> to vector<16xf32>
        %add3A_236 = arith.addf %get3A_231, %get3A_235 : vector<16xf32>
        %swap3A_237 = arith.index_cast %scan3A_201 : i32 to index
        %swap3A_238 = arith.constant 32 : index
        %swap3A_239 = tpu.vector_load %arg9[%swap3A_237, %swap3A_238] {strides = array<i32>} : memref<125x128xf32, #tpu.memory_space<vmem>>, vector<1x16xf32>,
        %swap3A_240 = vector.shape_cast %swap3A_239 : vector<1x16xf32> to vector<16xf32>
        %swap3A_241 = vector.shape_cast %add3A_236 : vector<16xf32> to vector<1x16xf32>
        tpu.vector_store %arg9[%swap3A_237, %swap3A_238], %swap3A_241 {strides = array<i32>} : memref<125x128xf32, #tpu.memory_space<vmem>>, vector<1x16xf32>,
        %get3A_242 = arith.index_cast %scan3A_201 : i32 to index
        %get3A_243 = arith.constant 48 : index
        %get3A_244 = tpu.vector_load %arg6[%get3A_242, %get3A_243] {strides = array<i32>} : memref<125x128xf32, #tpu.memory_space<vmem>>, vector<1x16xf32>,
        %get3A_245 = vector.shape_cast %get3A_244 : vector<1x16xf32> to vector<16xf32>
        %get3A_246 = arith.index_cast %scan3A_201 : i32 to index
        %get3A_247 = arith.constant 48 : index
        %get3A_248 = tpu.vector_load %arg7[%get3A_246, %get3A_247] {strides = array<i32>} : memref<125x128xf32, #tpu.memory_space<vmem>>, vector<1x16xf32>,
        %get3A_249 = vector.shape_cast %get3A_248 : vector<1x16xf32> to vector<16xf32>
        %add3A_250 = arith.addf %get3A_245, %get3A_249 : vector<16xf32>
        %swap3A_251 = arith.index_cast %scan3A_201 : i32 to index
        %swap3A_252 = arith.constant 48 : index
        %swap3A_253 = tpu.vector_load %arg9[%swap3A_251, %swap3A_252] {strides = array<i32>} : memref<125x128xf32, #tpu.memory_space<vmem>>, vector<1x16xf32>,
        %swap3A_254 = vector.shape_cast %swap3A_253 : vector<1x16xf32> to vector<16xf32>
        %swap3A_255 = vector.shape_cast %add3A_250 : vector<16xf32> to vector<1x16xf32>
        tpu.vector_store %arg9[%swap3A_251, %swap3A_252], %swap3A_255 {strides = array<i32>} : memref<125x128xf32, #tpu.memory_space<vmem>>, vector<1x16xf32>,
        %get3A_256 = arith.index_cast %scan3A_201 : i32 to index
        %get3A_257 = arith.constant 64 : index
        %get3A_258 = tpu.vector_load %arg6[%get3A_256, %get3A_257] {strides = array<i32>} : memref<125x128xf32, #tpu.memory_space<vmem>>, vector<1x16xf32>,
        %get3A_259 = vector.shape_cast %get3A_258 : vector<1x16xf32> to vector<16xf32>
        %get3A_260 = arith.index_cast %scan3A_201 : i32 to index
        %get3A_261 = arith.constant 64 : index
        %get3A_262 = tpu.vector_load %arg7[%get3A_260, %get3A_261] {strides = array<i32>} : memref<125x128xf32, #tpu.memory_space<vmem>>, vector<1x16xf32>,
        %get3A_263 = vector.shape_cast %get3A_262 : vector<1x16xf32> to vector<16xf32>
        %add3A_264 = arith.addf %get3A_259, %get3A_263 : vector<16xf32>
        %swap3A_265 = arith.index_cast %scan3A_201 : i32 to index
        %swap3A_266 = arith.constant 64 : index
        %swap3A_267 = tpu.vector_load %arg9[%swap3A_265, %swap3A_266] {strides = array<i32>} : memref<125x128xf32, #tpu.memory_space<vmem>>, vector<1x16xf32>,
        %swap3A_268 = vector.shape_cast %swap3A_267 : vector<1x16xf32> to vector<16xf32>
        %swap3A_269 = vector.shape_cast %add3A_264 : vector<16xf32> to vector<1x16xf32>
        tpu.vector_store %arg9[%swap3A_265, %swap3A_266], %swap3A_269 {strides = array<i32>} : memref<125x128xf32, #tpu.memory_space<vmem>>, vector<1x16xf32>,
        %get3A_270 = arith.index_cast %scan3A_201 : i32 to index
        %get3A_271 = arith.constant 80 : index
        %get3A_272 = tpu.vector_load %arg6[%get3A_270, %get3A_271] {strides = array<i32>} : memref<125x128xf32, #tpu.memory_space<vmem>>, vector<1x16xf32>,
        %get3A_273 = vector.shape_cast %get3A_272 : vector<1x16xf32> to vector<16xf32>
        %get3A_274 = arith.index_cast %scan3A_201 : i32 to index
        %get3A_275 = arith.constant 80 : index
        %get3A_276 = tpu.vector_load %arg7[%get3A_274, %get3A_275] {strides = array<i32>} : memref<125x128xf32, #tpu.memory_space<vmem>>, vector<1x16xf32>,
        %get3A_277 = vector.shape_cast %get3A_276 : vector<1x16xf32> to vector<16xf32>
        %add3A_278 = arith.addf %get3A_273, %get3A_277 : vector<16xf32>
        %swap3A_279 = arith.index_cast %scan3A_201 : i32 to index
        %swap3A_280 = arith.constant 80 : index
        %swap3A_281 = tpu.vector_load %arg9[%swap3A_279, %swap3A_280] {strides = array<i32>} : memref<125x128xf32, #tpu.memory_space<vmem>>, vector<1x16xf32>,
        %swap3A_282 = vector.shape_cast %swap3A_281 : vector<1x16xf32> to vector<16xf32>
        %swap3A_283 = vector.shape_cast %add3A_278 : vector<16xf32> to vector<1x16xf32>
        tpu.vector_store %arg9[%swap3A_279, %swap3A_280], %swap3A_283 {strides = array<i32>} : memref<125x128xf32, #tpu.memory_space<vmem>>, vector<1x16xf32>,
        %get3A_284 = arith.index_cast %scan3A_201 : i32 to index
        %get3A_285 = arith.constant 96 : index
        %get3A_286 = tpu.vector_load %arg6[%get3A_284, %get3A_285] {strides = array<i32>} : memref<125x128xf32, #tpu.memory_space<vmem>>, vector<1x16xf32>,
        %get3A_287 = vector.shape_cast %get3A_286 : vector<1x16xf32> to vector<16xf32>
        %get3A_288 = arith.index_cast %scan3A_201 : i32 to index
        %get3A_289 = arith.constant 96 : index
        %get3A_290 = tpu.vector_load %arg7[%get3A_288, %get3A_289] {strides = array<i32>} : memref<125x128xf32, #tpu.memory_space<vmem>>, vector<1x16xf32>,
        %get3A_291 = vector.shape_cast %get3A_290 : vector<1x16xf32> to vector<16xf32>
        %add3A_292 = arith.addf %get3A_287, %get3A_291 : vector<16xf32>
        %swap3A_293 = arith.index_cast %scan3A_201 : i32 to index
        %swap3A_294 = arith.constant 96 : index
        %swap3A_295 = tpu.vector_load %arg9[%swap3A_293, %swap3A_294] {strides = array<i32>} : memref<125x128xf32, #tpu.memory_space<vmem>>, vector<1x16xf32>,
        %swap3A_296 = vector.shape_cast %swap3A_295 : vector<1x16xf32> to vector<16xf32>
        %swap3A_297 = vector.shape_cast %add3A_292 : vector<16xf32> to vector<1x16xf32>
        tpu.vector_store %arg9[%swap3A_293, %swap3A_294], %swap3A_297 {strides = array<i32>} : memref<125x128xf32, #tpu.memory_space<vmem>>, vector<1x16xf32>,
        %get3A_298 = arith.index_cast %scan3A_201 : i32 to index
        %get3A_299 = arith.constant 112 : index
        %get3A_300 = tpu.vector_load %arg6[%get3A_298, %get3A_299] {strides = array<i32>} : memref<125x128xf32, #tpu.memory_space<vmem>>, vector<1x16xf32>,
        %get3A_301 = vector.shape_cast %get3A_300 : vector<1x16xf32> to vector<16xf32>
        %get3A_302 = arith.index_cast %scan3A_201 : i32 to index
        %get3A_303 = arith.constant 112 : index
        %get3A_304 = tpu.vector_load %arg7[%get3A_302, %get3A_303] {strides = array<i32>} : memref<125x128xf32, #tpu.memory_space<vmem>>, vector<1x16xf32>,
        %get3A_305 = vector.shape_cast %get3A_304 : vector<1x16xf32> to vector<16xf32>
        %add3A_306 = arith.addf %get3A_301, %get3A_305 : vector<16xf32>
        %swap3A_307 = arith.index_cast %scan3A_201 : i32 to index
        %swap3A_308 = arith.constant 112 : index
        %swap3A_309 = tpu.vector_load %arg9[%swap3A_307, %swap3A_308] {strides = array<i32>} : memref<125x128xf32, #tpu.memory_space<vmem>>, vector<1x16xf32>,
        %swap3A_310 = vector.shape_cast %swap3A_309 : vector<1x16xf32> to vector<16xf32>
        %swap3A_311 = vector.shape_cast %add3A_306 : vector<16xf32> to vector<1x16xf32>
        tpu.vector_store %arg9[%swap3A_307, %swap3A_308], %swap3A_311 {strides = array<i32>} : memref<125x128xf32, #tpu.memory_space<vmem>>, vector<1x16xf32>,
      }
      %scan3A_192 = arith.constant 125 : i32
      %add3A_193 = arith.addi %mul3A_2, %add3A_143 : i32
      %mul3A_194 = arith.constant 10000 : i32
      %mul3A_195 = arith.muli %add3A_193, %mul3A_194 : i32
      %add3A_196 = arith.addi %mul3A_195, %add3A_84 : i32
      %dma_start3A_197 = arith.constant 0 : i32
      %dma_start3A_198 = tpu.memref_slice %arg4[%add3A_196, %dma_start3A_197] : memref<480000x128xf32, #tpu.memory_space<hbm>> -> memref<125x128xf32, #tpu.memory_space<hbm>>
      %dma_start3A_199 = arith.constant 0 : i32
      %dma_start3A_200 = tpu.memref_slice %arg4[%add3A_196, %dma_start3A_199] : memref<480000x128xf32, #tpu.memory_space<hbm>> -> memref<125x128xf32, #tpu.memory_space<hbm>>
      tpu.enqueue_dma source(%arg9 : memref<125x128xf32, #tpu.memory_space<vmem>>) target(%dma_start3A_200 : memref<125x128xf32, #tpu.memory_space<hbm>>) target_semaphore(%arg13 : memref<!tpu.dma_semaphore, #tpu.memory_space<semaphore_mem>>)
    }
    %scan3A_98 = arith.constant 12 : i32
    %dma_wait3A_99 = arith.constant 0 : i32
    %dma_wait3A_100 = arith.constant 0 : i32
    %dma_wait3A_101 = tpu.memref_slice %arg4[%dma_wait3A_99, %dma_wait3A_100] : memref<480000x128xf32, #tpu.memory_space<hbm>> -> memref<125x128xf32, #tpu.memory_space<hbm>>
    %dma_wait3A_102 = arith.constant 0 : i32
    %dma_wait3A_103 = arith.constant 0 : i32
    %dma_wait3A_104 = tpu.memref_slice %arg4[%dma_wait3A_102, %dma_wait3A_103] : memref<480000x128xf32, #tpu.memory_space<hbm>> -> memref<125x128xf32, #tpu.memory_space<hbm>>
    tpu.wait_dma2 semaphore(%arg12 : memref<!tpu.dma_semaphore, #tpu.memory_space<semaphore_mem>>) src(%arg8 : memref<125x128xf32, #tpu.memory_space<vmem>>) dst(%dma_wait3A_104 : memref<125x128xf32, #tpu.memory_space<hbm>>)
    %dma_wait3A_105 = arith.constant 0 : i32
    %dma_wait3A_106 = arith.constant 0 : i32
    %dma_wait3A_107 = tpu.memref_slice %arg4[%dma_wait3A_105, %dma_wait3A_106] : memref<480000x128xf32, #tpu.memory_space<hbm>> -> memref<125x128xf32, #tpu.memory_space<hbm>>
    %dma_wait3A_108 = arith.constant 0 : i32
    %dma_wait3A_109 = arith.constant 0 : i32
    %dma_wait3A_110 = tpu.memref_slice %arg4[%dma_wait3A_108, %dma_wait3A_109] : memref<480000x128xf32, #tpu.memory_space<hbm>> -> memref<125x128xf32, #tpu.memory_space<hbm>>
    tpu.wait_dma2 semaphore(%arg13 : memref<!tpu.dma_semaphore, #tpu.memory_space<semaphore_mem>>) src(%arg9 : memref<125x128xf32, #tpu.memory_space<vmem>>) dst(%dma_wait3A_110 : memref<125x128xf32, #tpu.memory_space<hbm>>)
    %add3A_111 = arith.constant 500 : i32
    %add3A_112 = arith.addi %mul3A_0, %add3A_111 : i32
    "tpu.region"() ({
      %run_scoped3A = tpu.sem_alloc : memref<!tpu.dma_semaphore, #tpu.memory_space<semaphore_mem>>
      %dma_start3A_139 = arith.constant 0 : i32
      %dma_start3A_140 = tpu.memref_slice %arg3[%add3A_112, %dma_start3A_139] : memref<10000x128xf32, #tpu.memory_space<hbm>> -> memref<125x128xf32, #tpu.memory_space<hbm>>
      %dma_start3A_141 = arith.constant 0 : i32
      %dma_start3A_142 = tpu.memref_slice %arg3[%add3A_112, %dma_start3A_141] : memref<10000x128xf32, #tpu.memory_space<hbm>> -> memref<125x128xf32, #tpu.memory_space<hbm>>
      tpu.enqueue_dma source(%dma_start3A_142 : memref<125x128xf32, #tpu.memory_space<hbm>>) target(%arg7 : memref<125x128xf32, #tpu.memory_space<vmem>>) target_semaphore(%run_scoped3A : memref<!tpu.dma_semaphore, #tpu.memory_space<semaphore_mem>>)
      %dma_wait3A_143 = arith.constant 0 : i32
      %dma_wait3A_144 = tpu.memref_slice %arg3[%add3A_112, %dma_wait3A_143] : memref<10000x128xf32, #tpu.memory_space<hbm>> -> memref<125x128xf32, #tpu.memory_space<hbm>>
      %dma_wait3A_145 = arith.constant 0 : i32
      %dma_wait3A_146 = tpu.memref_slice %arg3[%add3A_112, %dma_wait3A_145] : memref<10000x128xf32, #tpu.memory_space<hbm>> -> memref<125x128xf32, #tpu.memory_space<hbm>>
      tpu.wait_dma2 semaphore(%run_scoped3A : memref<!tpu.dma_semaphore, #tpu.memory_space<semaphore_mem>>) src(%dma_wait3A_146 : memref<125x128xf32, #tpu.memory_space<hbm>>) dst(%arg7 : memref<125x128xf32, #tpu.memory_space<vmem>>)
      tpu.yield
    }) : () -> ()
    %add3A_113 = arith.constant 0 : i32
    %add3A_114 = arith.addi %mul3A_2, %add3A_113 : i32
    %mul3A_115 = arith.constant 10000 : i32
    %mul3A_116 = arith.muli %add3A_114, %mul3A_115 : i32
    %add3A_117 = arith.addi %mul3A_116, %add3A_112 : i32
    %dma_start3A_118 = arith.constant 0 : i32
    %dma_start3A_119 = tpu.memref_slice %arg2[%add3A_117, %dma_start3A_118] : memref<480000x128xf32, #tpu.memory_space<hbm>> -> memref<125x128xf32, #tpu.memory_space<hbm>>
    %dma_start3A_120 = arith.constant 0 : i32
    %dma_start3A_121 = tpu.memref_slice %arg2[%add3A_117, %dma_start3A_120] : memref<480000x128xf32, #tpu.memory_space<hbm>> -> memref<125x128xf32, #tpu.memory_space<hbm>>
    tpu.enqueue_dma source(%dma_start3A_121 : memref<125x128xf32, #tpu.memory_space<hbm>>) target(%arg5 : memref<125x128xf32, #tpu.memory_space<vmem>>) target_semaphore(%arg10 : memref<!tpu.dma_semaphore, #tpu.memory_space<semaphore_mem>>)
    %scan3A_122 = arith.constant 0 : i32
    %scan3A_123 = arith.constant 12 : i32
    %scan3A_124 = arith.addi %scan3A_122, %scan3A_123 : i32
    %scan3A_125 = arith.constant 1 : i32
    scf.for %scan3A_139 = %scan3A_122 to %scan3A_124 step %scan3A_125  : i32 {
      %mul3A_140 = arith.constant 2 : i32
      %mul3A_141 = arith.muli %mul3A_140, %scan3A_139 : i32
      %add3A_142 = arith.constant 1 : i32
      %add3A_143 = arith.addi %mul3A_141, %add3A_142 : i32
      %dma_wait3A_144 = arith.constant 0 : i32
      %dma_wait3A_145 = arith.constant 0 : i32
      %dma_wait3A_146 = tpu.memref_slice %arg2[%dma_wait3A_144, %dma_wait3A_145] : memref<480000x128xf32, #tpu.memory_space<hbm>> -> memref<125x128xf32, #tpu.memory_space<hbm>>
      %dma_wait3A_147 = arith.constant 0 : i32
      %dma_wait3A_148 = arith.constant 0 : i32
      %dma_wait3A_149 = tpu.memref_slice %arg2[%dma_wait3A_147, %dma_wait3A_148] : memref<480000x128xf32, #tpu.memory_space<hbm>> -> memref<125x128xf32, #tpu.memory_space<hbm>>
      tpu.wait_dma2 semaphore(%arg10 : memref<!tpu.dma_semaphore, #tpu.memory_space<semaphore_mem>>) src(%dma_wait3A_149 : memref<125x128xf32, #tpu.memory_space<hbm>>) dst(%arg5 : memref<125x128xf32, #tpu.memory_space<vmem>>)
      %add3A_150 = arith.addi %mul3A_2, %add3A_143 : i32
      %mul3A_151 = arith.constant 10000 : i32
      %mul3A_152 = arith.muli %add3A_150, %mul3A_151 : i32
      %add3A_153 = arith.addi %mul3A_152, %add3A_112 : i32
      %dma_start3A_154 = arith.constant 0 : i32
      %dma_start3A_155 = tpu.memref_slice %arg2[%add3A_153, %dma_start3A_154] : memref<480000x128xf32, #tpu.memory_space<hbm>> -> memref<125x128xf32, #tpu.memory_space<hbm>>
      %dma_start3A_156 = arith.constant 0 : i32
      %dma_start3A_157 = tpu.memref_slice %arg2[%add3A_153, %dma_start3A_156] : memref<480000x128xf32, #tpu.memory_space<hbm>> -> memref<125x128xf32, #tpu.memory_space<hbm>>
      tpu.enqueue_dma source(%dma_start3A_157 : memref<125x128xf32, #tpu.memory_space<hbm>>) target(%arg6 : memref<125x128xf32, #tpu.memory_space<vmem>>) target_semaphore(%arg11 : memref<!tpu.dma_semaphore, #tpu.memory_space<semaphore_mem>>)
      %gt3A = arith.constant 0 : i32
      %gt3A_158 = arith.cmpi sgt, %scan3A_139, %gt3A : i32
      %convert_element_type3A = arith.extui %gt3A_158 : i1 to i32
      %cond3A = arith.constant 0 : i32
      %cond3A_159 = arith.cmpi ne, %convert_element_type3A, %cond3A : i32
      scf.if %cond3A_159 {
        %dma_wait3A_201 = arith.constant 0 : i32
        %dma_wait3A_202 = arith.constant 0 : i32
        %dma_wait3A_203 = tpu.memref_slice %arg4[%dma_wait3A_201, %dma_wait3A_202] : memref<480000x128xf32, #tpu.memory_space<hbm>> -> memref<125x128xf32, #tpu.memory_space<hbm>>
        %dma_wait3A_204 = arith.constant 0 : i32
        %dma_wait3A_205 = arith.constant 0 : i32
        %dma_wait3A_206 = tpu.memref_slice %arg4[%dma_wait3A_204, %dma_wait3A_205] : memref<480000x128xf32, #tpu.memory_space<hbm>> -> memref<125x128xf32, #tpu.memory_space<hbm>>
        tpu.wait_dma2 semaphore(%arg12 : memref<!tpu.dma_semaphore, #tpu.memory_space<semaphore_mem>>) src(%arg8 : memref<125x128xf32, #tpu.memory_space<vmem>>) dst(%dma_wait3A_206 : memref<125x128xf32, #tpu.memory_space<hbm>>)
      } else {
      }
      %scan3A_160 = arith.constant 0 : i32
      %scan3A_161 = arith.constant 125 : i32
      %scan3A_162 = arith.addi %scan3A_160, %scan3A_161 : i32
      %scan3A_163 = arith.constant 1 : i32
      scf.for %scan3A_201 = %scan3A_160 to %scan3A_162 step %scan3A_163  : i32 {
        %get3A = arith.index_cast %scan3A_201 : i32 to index
        %get3A_202 = arith.constant 0 : index
        %get3A_203 = tpu.vector_load %arg5[%get3A, %get3A_202] {strides = array<i32>} : memref<125x128xf32, #tpu.memory_space<vmem>>, vector<1x16xf32>,
        %get3A_204 = vector.shape_cast %get3A_203 : vector<1x16xf32> to vector<16xf32>
        %get3A_205 = arith.index_cast %scan3A_201 : i32 to index
        %get3A_206 = arith.constant 0 : index
        %get3A_207 = tpu.vector_load %arg7[%get3A_205, %get3A_206] {strides = array<i32>} : memref<125x128xf32, #tpu.memory_space<vmem>>, vector<1x16xf32>,
        %get3A_208 = vector.shape_cast %get3A_207 : vector<1x16xf32> to vector<16xf32>
        %add3A_209 = arith.addf %get3A_204, %get3A_208 : vector<16xf32>
        %swap3A = arith.index_cast %scan3A_201 : i32 to index
        %swap3A_210 = arith.constant 0 : index
        %swap3A_211 = tpu.vector_load %arg8[%swap3A, %swap3A_210] {strides = array<i32>} : memref<125x128xf32, #tpu.memory_space<vmem>>, vector<1x16xf32>,
        %swap3A_212 = vector.shape_cast %swap3A_211 : vector<1x16xf32> to vector<16xf32>
        %swap3A_213 = vector.shape_cast %add3A_209 : vector<16xf32> to vector<1x16xf32>
        tpu.vector_store %arg8[%swap3A, %swap3A_210], %swap3A_213 {strides = array<i32>} : memref<125x128xf32, #tpu.memory_space<vmem>>, vector<1x16xf32>,
        %get3A_214 = arith.index_cast %scan3A_201 : i32 to index
        %get3A_215 = arith.constant 16 : index
        %get3A_216 = tpu.vector_load %arg5[%get3A_214, %get3A_215] {strides = array<i32>} : memref<125x128xf32, #tpu.memory_space<vmem>>, vector<1x16xf32>,
        %get3A_217 = vector.shape_cast %get3A_216 : vector<1x16xf32> to vector<16xf32>
        %get3A_218 = arith.index_cast %scan3A_201 : i32 to index
        %get3A_219 = arith.constant 16 : index
        %get3A_220 = tpu.vector_load %arg7[%get3A_218, %get3A_219] {strides = array<i32>} : memref<125x128xf32, #tpu.memory_space<vmem>>, vector<1x16xf32>,
        %get3A_221 = vector.shape_cast %get3A_220 : vector<1x16xf32> to vector<16xf32>
        %add3A_222 = arith.addf %get3A_217, %get3A_221 : vector<16xf32>
        %swap3A_223 = arith.index_cast %scan3A_201 : i32 to index
        %swap3A_224 = arith.constant 16 : index
        %swap3A_225 = tpu.vector_load %arg8[%swap3A_223, %swap3A_224] {strides = array<i32>} : memref<125x128xf32, #tpu.memory_space<vmem>>, vector<1x16xf32>,
        %swap3A_226 = vector.shape_cast %swap3A_225 : vector<1x16xf32> to vector<16xf32>
        %swap3A_227 = vector.shape_cast %add3A_222 : vector<16xf32> to vector<1x16xf32>
        tpu.vector_store %arg8[%swap3A_223, %swap3A_224], %swap3A_227 {strides = array<i32>} : memref<125x128xf32, #tpu.memory_space<vmem>>, vector<1x16xf32>,
        %get3A_228 = arith.index_cast %scan3A_201 : i32 to index
        %get3A_229 = arith.constant 32 : index
        %get3A_230 = tpu.vector_load %arg5[%get3A_228, %get3A_229] {strides = array<i32>} : memref<125x128xf32, #tpu.memory_space<vmem>>, vector<1x16xf32>,
        %get3A_231 = vector.shape_cast %get3A_230 : vector<1x16xf32> to vector<16xf32>
        %get3A_232 = arith.index_cast %scan3A_201 : i32 to index
        %get3A_233 = arith.constant 32 : index
        %get3A_234 = tpu.vector_load %arg7[%get3A_232, %get3A_233] {strides = array<i32>} : memref<125x128xf32, #tpu.memory_space<vmem>>, vector<1x16xf32>,
        %get3A_235 = vector.shape_cast %get3A_234 : vector<1x16xf32> to vector<16xf32>
        %add3A_236 = arith.addf %get3A_231, %get3A_235 : vector<16xf32>
        %swap3A_237 = arith.index_cast %scan3A_201 : i32 to index
        %swap3A_238 = arith.constant 32 : index
        %swap3A_239 = tpu.vector_load %arg8[%swap3A_237, %swap3A_238] {strides = array<i32>} : memref<125x128xf32, #tpu.memory_space<vmem>>, vector<1x16xf32>,
        %swap3A_240 = vector.shape_cast %swap3A_239 : vector<1x16xf32> to vector<16xf32>
        %swap3A_241 = vector.shape_cast %add3A_236 : vector<16xf32> to vector<1x16xf32>
        tpu.vector_store %arg8[%swap3A_237, %swap3A_238], %swap3A_241 {strides = array<i32>} : memref<125x128xf32, #tpu.memory_space<vmem>>, vector<1x16xf32>,
        %get3A_242 = arith.index_cast %scan3A_201 : i32 to index
        %get3A_243 = arith.constant 48 : index
        %get3A_244 = tpu.vector_load %arg5[%get3A_242, %get3A_243] {strides = array<i32>} : memref<125x128xf32, #tpu.memory_space<vmem>>, vector<1x16xf32>,
        %get3A_245 = vector.shape_cast %get3A_244 : vector<1x16xf32> to vector<16xf32>
        %get3A_246 = arith.index_cast %scan3A_201 : i32 to index
        %get3A_247 = arith.constant 48 : index
        %get3A_248 = tpu.vector_load %arg7[%get3A_246, %get3A_247] {strides = array<i32>} : memref<125x128xf32, #tpu.memory_space<vmem>>, vector<1x16xf32>,
        %get3A_249 = vector.shape_cast %get3A_248 : vector<1x16xf32> to vector<16xf32>
        %add3A_250 = arith.addf %get3A_245, %get3A_249 : vector<16xf32>
        %swap3A_251 = arith.index_cast %scan3A_201 : i32 to index
        %swap3A_252 = arith.constant 48 : index
        %swap3A_253 = tpu.vector_load %arg8[%swap3A_251, %swap3A_252] {strides = array<i32>} : memref<125x128xf32, #tpu.memory_space<vmem>>, vector<1x16xf32>,
        %swap3A_254 = vector.shape_cast %swap3A_253 : vector<1x16xf32> to vector<16xf32>
        %swap3A_255 = vector.shape_cast %add3A_250 : vector<16xf32> to vector<1x16xf32>
        tpu.vector_store %arg8[%swap3A_251, %swap3A_252], %swap3A_255 {strides = array<i32>} : memref<125x128xf32, #tpu.memory_space<vmem>>, vector<1x16xf32>,
        %get3A_256 = arith.index_cast %scan3A_201 : i32 to index
        %get3A_257 = arith.constant 64 : index
        %get3A_258 = tpu.vector_load %arg5[%get3A_256, %get3A_257] {strides = array<i32>} : memref<125x128xf32, #tpu.memory_space<vmem>>, vector<1x16xf32>,
        %get3A_259 = vector.shape_cast %get3A_258 : vector<1x16xf32> to vector<16xf32>
        %get3A_260 = arith.index_cast %scan3A_201 : i32 to index
        %get3A_261 = arith.constant 64 : index
        %get3A_262 = tpu.vector_load %arg7[%get3A_260, %get3A_261] {strides = array<i32>} : memref<125x128xf32, #tpu.memory_space<vmem>>, vector<1x16xf32>,
        %get3A_263 = vector.shape_cast %get3A_262 : vector<1x16xf32> to vector<16xf32>
        %add3A_264 = arith.addf %get3A_259, %get3A_263 : vector<16xf32>
        %swap3A_265 = arith.index_cast %scan3A_201 : i32 to index
        %swap3A_266 = arith.constant 64 : index
        %swap3A_267 = tpu.vector_load %arg8[%swap3A_265, %swap3A_266] {strides = array<i32>} : memref<125x128xf32, #tpu.memory_space<vmem>>, vector<1x16xf32>,
        %swap3A_268 = vector.shape_cast %swap3A_267 : vector<1x16xf32> to vector<16xf32>
        %swap3A_269 = vector.shape_cast %add3A_264 : vector<16xf32> to vector<1x16xf32>
        tpu.vector_store %arg8[%swap3A_265, %swap3A_266], %swap3A_269 {strides = array<i32>} : memref<125x128xf32, #tpu.memory_space<vmem>>, vector<1x16xf32>,
        %get3A_270 = arith.index_cast %scan3A_201 : i32 to index
        %get3A_271 = arith.constant 80 : index
        %get3A_272 = tpu.vector_load %arg5[%get3A_270, %get3A_271] {strides = array<i32>} : memref<125x128xf32, #tpu.memory_space<vmem>>, vector<1x16xf32>,
        %get3A_273 = vector.shape_cast %get3A_272 : vector<1x16xf32> to vector<16xf32>
        %get3A_274 = arith.index_cast %scan3A_201 : i32 to index
        %get3A_275 = arith.constant 80 : index
        %get3A_276 = tpu.vector_load %arg7[%get3A_274, %get3A_275] {strides = array<i32>} : memref<125x128xf32, #tpu.memory_space<vmem>>, vector<1x16xf32>,
        %get3A_277 = vector.shape_cast %get3A_276 : vector<1x16xf32> to vector<16xf32>
        %add3A_278 = arith.addf %get3A_273, %get3A_277 : vector<16xf32>
        %swap3A_279 = arith.index_cast %scan3A_201 : i32 to index
        %swap3A_280 = arith.constant 80 : index
        %swap3A_281 = tpu.vector_load %arg8[%swap3A_279, %swap3A_280] {strides = array<i32>} : memref<125x128xf32, #tpu.memory_space<vmem>>, vector<1x16xf32>,
        %swap3A_282 = vector.shape_cast %swap3A_281 : vector<1x16xf32> to vector<16xf32>
        %swap3A_283 = vector.shape_cast %add3A_278 : vector<16xf32> to vector<1x16xf32>
        tpu.vector_store %arg8[%swap3A_279, %swap3A_280], %swap3A_283 {strides = array<i32>} : memref<125x128xf32, #tpu.memory_space<vmem>>, vector<1x16xf32>,
        %get3A_284 = arith.index_cast %scan3A_201 : i32 to index
        %get3A_285 = arith.constant 96 : index
        %get3A_286 = tpu.vector_load %arg5[%get3A_284, %get3A_285] {strides = array<i32>} : memref<125x128xf32, #tpu.memory_space<vmem>>, vector<1x16xf32>,
        %get3A_287 = vector.shape_cast %get3A_286 : vector<1x16xf32> to vector<16xf32>
        %get3A_288 = arith.index_cast %scan3A_201 : i32 to index
        %get3A_289 = arith.constant 96 : index
        %get3A_290 = tpu.vector_load %arg7[%get3A_288, %get3A_289] {strides = array<i32>} : memref<125x128xf32, #tpu.memory_space<vmem>>, vector<1x16xf32>,
        %get3A_291 = vector.shape_cast %get3A_290 : vector<1x16xf32> to vector<16xf32>
        %add3A_292 = arith.addf %get3A_287, %get3A_291 : vector<16xf32>
        %swap3A_293 = arith.index_cast %scan3A_201 : i32 to index
        %swap3A_294 = arith.constant 96 : index
        %swap3A_295 = tpu.vector_load %arg8[%swap3A_293, %swap3A_294] {strides = array<i32>} : memref<125x128xf32, #tpu.memory_space<vmem>>, vector<1x16xf32>,
        %swap3A_296 = vector.shape_cast %swap3A_295 : vector<1x16xf32> to vector<16xf32>
        %swap3A_297 = vector.shape_cast %add3A_292 : vector<16xf32> to vector<1x16xf32>
        tpu.vector_store %arg8[%swap3A_293, %swap3A_294], %swap3A_297 {strides = array<i32>} : memref<125x128xf32, #tpu.memory_space<vmem>>, vector<1x16xf32>,
        %get3A_298 = arith.index_cast %scan3A_201 : i32 to index
        %get3A_299 = arith.constant 112 : index
        %get3A_300 = tpu.vector_load %arg5[%get3A_298, %get3A_299] {strides = array<i32>} : memref<125x128xf32, #tpu.memory_space<vmem>>, vector<1x16xf32>,
        %get3A_301 = vector.shape_cast %get3A_300 : vector<1x16xf32> to vector<16xf32>
        %get3A_302 = arith.index_cast %scan3A_201 : i32 to index
        %get3A_303 = arith.constant 112 : index
        %get3A_304 = tpu.vector_load %arg7[%get3A_302, %get3A_303] {strides = array<i32>} : memref<125x128xf32, #tpu.memory_space<vmem>>, vector<1x16xf32>,
        %get3A_305 = vector.shape_cast %get3A_304 : vector<1x16xf32> to vector<16xf32>
        %add3A_306 = arith.addf %get3A_301, %get3A_305 : vector<16xf32>
        %swap3A_307 = arith.index_cast %scan3A_201 : i32 to index
        %swap3A_308 = arith.constant 112 : index
        %swap3A_309 = tpu.vector_load %arg8[%swap3A_307, %swap3A_308] {strides = array<i32>} : memref<125x128xf32, #tpu.memory_space<vmem>>, vector<1x16xf32>,
        %swap3A_310 = vector.shape_cast %swap3A_309 : vector<1x16xf32> to vector<16xf32>
        %swap3A_311 = vector.shape_cast %add3A_306 : vector<16xf32> to vector<1x16xf32>
        tpu.vector_store %arg8[%swap3A_307, %swap3A_308], %swap3A_311 {strides = array<i32>} : memref<125x128xf32, #tpu.memory_space<vmem>>, vector<1x16xf32>,
      }
      %scan3A_164 = arith.constant 125 : i32
      %add3A_165 = arith.addi %mul3A_2, %mul3A_141 : i32
      %mul3A_166 = arith.constant 10000 : i32
      %mul3A_167 = arith.muli %add3A_165, %mul3A_166 : i32
      %add3A_168 = arith.addi %mul3A_167, %add3A_112 : i32
      %dma_start3A_169 = arith.constant 0 : i32
      %dma_start3A_170 = tpu.memref_slice %arg4[%add3A_168, %dma_start3A_169] : memref<480000x128xf32, #tpu.memory_space<hbm>> -> memref<125x128xf32, #tpu.memory_space<hbm>>
      %dma_start3A_171 = arith.constant 0 : i32
      %dma_start3A_172 = tpu.memref_slice %arg4[%add3A_168, %dma_start3A_171] : memref<480000x128xf32, #tpu.memory_space<hbm>> -> memref<125x128xf32, #tpu.memory_space<hbm>>
      tpu.enqueue_dma source(%arg8 : memref<125x128xf32, #tpu.memory_space<vmem>>) target(%dma_start3A_172 : memref<125x128xf32, #tpu.memory_space<hbm>>) target_semaphore(%arg12 : memref<!tpu.dma_semaphore, #tpu.memory_space<semaphore_mem>>)
      %lt3A = arith.constant 11 : i32
      %lt3A_173 = arith.cmpi slt, %scan3A_139, %lt3A : i32
      %convert_element_type3A_174 = arith.extui %lt3A_173 : i1 to i32
      %cond3A_175 = arith.constant 0 : i32
      %cond3A_176 = arith.cmpi ne, %convert_element_type3A_174, %cond3A_175 : i32
      scf.if %cond3A_176 {
        %add3A_201 = arith.constant 2 : i32
        %add3A_202 = arith.addi %mul3A_141, %add3A_201 : i32
        %add3A_203 = arith.addi %mul3A_2, %add3A_202 : i32
        %mul3A_204 = arith.constant 10000 : i32
        %mul3A_205 = arith.muli %add3A_203, %mul3A_204 : i32
        %add3A_206 = arith.addi %mul3A_205, %add3A_112 : i32
        %dma_start3A_207 = arith.constant 0 : i32
        %dma_start3A_208 = tpu.memref_slice %arg2[%add3A_206, %dma_start3A_207] : memref<480000x128xf32, #tpu.memory_space<hbm>> -> memref<125x128xf32, #tpu.memory_space<hbm>>
        %dma_start3A_209 = arith.constant 0 : i32
        %dma_start3A_210 = tpu.memref_slice %arg2[%add3A_206, %dma_start3A_209] : memref<480000x128xf32, #tpu.memory_space<hbm>> -> memref<125x128xf32, #tpu.memory_space<hbm>>
        tpu.enqueue_dma source(%dma_start3A_210 : memref<125x128xf32, #tpu.memory_space<hbm>>) target(%arg5 : memref<125x128xf32, #tpu.memory_space<vmem>>) target_semaphore(%arg10 : memref<!tpu.dma_semaphore, #tpu.memory_space<semaphore_mem>>)
      } else {
      }
      %dma_wait3A_177 = arith.constant 0 : i32
      %dma_wait3A_178 = arith.constant 0 : i32
      %dma_wait3A_179 = tpu.memref_slice %arg2[%dma_wait3A_177, %dma_wait3A_178] : memref<480000x128xf32, #tpu.memory_space<hbm>> -> memref<125x128xf32, #tpu.memory_space<hbm>>
      %dma_wait3A_180 = arith.constant 0 : i32
      %dma_wait3A_181 = arith.constant 0 : i32
      %dma_wait3A_182 = tpu.memref_slice %arg2[%dma_wait3A_180, %dma_wait3A_181] : memref<480000x128xf32, #tpu.memory_space<hbm>> -> memref<125x128xf32, #tpu.memory_space<hbm>>
      tpu.wait_dma2 semaphore(%arg11 : memref<!tpu.dma_semaphore, #tpu.memory_space<semaphore_mem>>) src(%dma_wait3A_182 : memref<125x128xf32, #tpu.memory_space<hbm>>) dst(%arg6 : memref<125x128xf32, #tpu.memory_space<vmem>>)
      %gt3A_183 = arith.constant 0 : i32
      %gt3A_184 = arith.cmpi sgt, %scan3A_139, %gt3A_183 : i32
      %convert_element_type3A_185 = arith.extui %gt3A_184 : i1 to i32
      %cond3A_186 = arith.constant 0 : i32
      %cond3A_187 = arith.cmpi ne, %convert_element_type3A_185, %cond3A_186 : i32
      scf.if %cond3A_187 {
        %dma_wait3A_201 = arith.constant 0 : i32
        %dma_wait3A_202 = arith.constant 0 : i32
        %dma_wait3A_203 = tpu.memref_slice %arg4[%dma_wait3A_201, %dma_wait3A_202] : memref<480000x128xf32, #tpu.memory_space<hbm>> -> memref<125x128xf32, #tpu.memory_space<hbm>>
        %dma_wait3A_204 = arith.constant 0 : i32
        %dma_wait3A_205 = arith.constant 0 : i32
        %dma_wait3A_206 = tpu.memref_slice %arg4[%dma_wait3A_204, %dma_wait3A_205] : memref<480000x128xf32, #tpu.memory_space<hbm>> -> memref<125x128xf32, #tpu.memory_space<hbm>>
        tpu.wait_dma2 semaphore(%arg13 : memref<!tpu.dma_semaphore, #tpu.memory_space<semaphore_mem>>) src(%arg9 : memref<125x128xf32, #tpu.memory_space<vmem>>) dst(%dma_wait3A_206 : memref<125x128xf32, #tpu.memory_space<hbm>>)
      } else {
      }
      %scan3A_188 = arith.constant 0 : i32
      %scan3A_189 = arith.constant 125 : i32
      %scan3A_190 = arith.addi %scan3A_188, %scan3A_189 : i32
      %scan3A_191 = arith.constant 1 : i32
      scf.for %scan3A_201 = %scan3A_188 to %scan3A_190 step %scan3A_191  : i32 {
        %get3A = arith.index_cast %scan3A_201 : i32 to index
        %get3A_202 = arith.constant 0 : index
        %get3A_203 = tpu.vector_load %arg6[%get3A, %get3A_202] {strides = array<i32>} : memref<125x128xf32, #tpu.memory_space<vmem>>, vector<1x16xf32>,
        %get3A_204 = vector.shape_cast %get3A_203 : vector<1x16xf32> to vector<16xf32>
        %get3A_205 = arith.index_cast %scan3A_201 : i32 to index
        %get3A_206 = arith.constant 0 : index
        %get3A_207 = tpu.vector_load %arg7[%get3A_205, %get3A_206] {strides = array<i32>} : memref<125x128xf32, #tpu.memory_space<vmem>>, vector<1x16xf32>,
        %get3A_208 = vector.shape_cast %get3A_207 : vector<1x16xf32> to vector<16xf32>
        %add3A_209 = arith.addf %get3A_204, %get3A_208 : vector<16xf32>
        %swap3A = arith.index_cast %scan3A_201 : i32 to index
        %swap3A_210 = arith.constant 0 : index
        %swap3A_211 = tpu.vector_load %arg9[%swap3A, %swap3A_210] {strides = array<i32>} : memref<125x128xf32, #tpu.memory_space<vmem>>, vector<1x16xf32>,
        %swap3A_212 = vector.shape_cast %swap3A_211 : vector<1x16xf32> to vector<16xf32>
        %swap3A_213 = vector.shape_cast %add3A_209 : vector<16xf32> to vector<1x16xf32>
        tpu.vector_store %arg9[%swap3A, %swap3A_210], %swap3A_213 {strides = array<i32>} : memref<125x128xf32, #tpu.memory_space<vmem>>, vector<1x16xf32>,
        %get3A_214 = arith.index_cast %scan3A_201 : i32 to index
        %get3A_215 = arith.constant 16 : index
        %get3A_216 = tpu.vector_load %arg6[%get3A_214, %get3A_215] {strides = array<i32>} : memref<125x128xf32, #tpu.memory_space<vmem>>, vector<1x16xf32>,
        %get3A_217 = vector.shape_cast %get3A_216 : vector<1x16xf32> to vector<16xf32>
        %get3A_218 = arith.index_cast %scan3A_201 : i32 to index
        %get3A_219 = arith.constant 16 : index
        %get3A_220 = tpu.vector_load %arg7[%get3A_218, %get3A_219] {strides = array<i32>} : memref<125x128xf32, #tpu.memory_space<vmem>>, vector<1x16xf32>,
        %get3A_221 = vector.shape_cast %get3A_220 : vector<1x16xf32> to vector<16xf32>
        %add3A_222 = arith.addf %get3A_217, %get3A_221 : vector<16xf32>
        %swap3A_223 = arith.index_cast %scan3A_201 : i32 to index
        %swap3A_224 = arith.constant 16 : index
        %swap3A_225 = tpu.vector_load %arg9[%swap3A_223, %swap3A_224] {strides = array<i32>} : memref<125x128xf32, #tpu.memory_space<vmem>>, vector<1x16xf32>,
        %swap3A_226 = vector.shape_cast %swap3A_225 : vector<1x16xf32> to vector<16xf32>
        %swap3A_227 = vector.shape_cast %add3A_222 : vector<16xf32> to vector<1x16xf32>
        tpu.vector_store %arg9[%swap3A_223, %swap3A_224], %swap3A_227 {strides = array<i32>} : memref<125x128xf32, #tpu.memory_space<vmem>>, vector<1x16xf32>,
        %get3A_228 = arith.index_cast %scan3A_201 : i32 to index
        %get3A_229 = arith.constant 32 : index
        %get3A_230 = tpu.vector_load %arg6[%get3A_228, %get3A_229] {strides = array<i32>} : memref<125x128xf32, #tpu.memory_space<vmem>>, vector<1x16xf32>,
        %get3A_231 = vector.shape_cast %get3A_230 : vector<1x16xf32> to vector<16xf32>
        %get3A_232 = arith.index_cast %scan3A_201 : i32 to index
        %get3A_233 = arith.constant 32 : index
        %get3A_234 = tpu.vector_load %arg7[%get3A_232, %get3A_233] {strides = array<i32>} : memref<125x128xf32, #tpu.memory_space<vmem>>, vector<1x16xf32>,
        %get3A_235 = vector.shape_cast %get3A_234 : vector<1x16xf32> to vector<16xf32>
        %add3A_236 = arith.addf %get3A_231, %get3A_235 : vector<16xf32>
        %swap3A_237 = arith.index_cast %scan3A_201 : i32 to index
        %swap3A_238 = arith.constant 32 : index
        %swap3A_239 = tpu.vector_load %arg9[%swap3A_237, %swap3A_238] {strides = array<i32>} : memref<125x128xf32, #tpu.memory_space<vmem>>, vector<1x16xf32>,
        %swap3A_240 = vector.shape_cast %swap3A_239 : vector<1x16xf32> to vector<16xf32>
        %swap3A_241 = vector.shape_cast %add3A_236 : vector<16xf32> to vector<1x16xf32>
        tpu.vector_store %arg9[%swap3A_237, %swap3A_238], %swap3A_241 {strides = array<i32>} : memref<125x128xf32, #tpu.memory_space<vmem>>, vector<1x16xf32>,
        %get3A_242 = arith.index_cast %scan3A_201 : i32 to index
        %get3A_243 = arith.constant 48 : index
        %get3A_244 = tpu.vector_load %arg6[%get3A_242, %get3A_243] {strides = array<i32>} : memref<125x128xf32, #tpu.memory_space<vmem>>, vector<1x16xf32>,
        %get3A_245 = vector.shape_cast %get3A_244 : vector<1x16xf32> to vector<16xf32>
        %get3A_246 = arith.index_cast %scan3A_201 : i32 to index
        %get3A_247 = arith.constant 48 : index
        %get3A_248 = tpu.vector_load %arg7[%get3A_246, %get3A_247] {strides = array<i32>} : memref<125x128xf32, #tpu.memory_space<vmem>>, vector<1x16xf32>,
        %get3A_249 = vector.shape_cast %get3A_248 : vector<1x16xf32> to vector<16xf32>
        %add3A_250 = arith.addf %get3A_245, %get3A_249 : vector<16xf32>
        %swap3A_251 = arith.index_cast %scan3A_201 : i32 to index
        %swap3A_252 = arith.constant 48 : index
        %swap3A_253 = tpu.vector_load %arg9[%swap3A_251, %swap3A_252] {strides = array<i32>} : memref<125x128xf32, #tpu.memory_space<vmem>>, vector<1x16xf32>,
        %swap3A_254 = vector.shape_cast %swap3A_253 : vector<1x16xf32> to vector<16xf32>
        %swap3A_255 = vector.shape_cast %add3A_250 : vector<16xf32> to vector<1x16xf32>
        tpu.vector_store %arg9[%swap3A_251, %swap3A_252], %swap3A_255 {strides = array<i32>} : memref<125x128xf32, #tpu.memory_space<vmem>>, vector<1x16xf32>,
        %get3A_256 = arith.index_cast %scan3A_201 : i32 to index
        %get3A_257 = arith.constant 64 : index
        %get3A_258 = tpu.vector_load %arg6[%get3A_256, %get3A_257] {strides = array<i32>} : memref<125x128xf32, #tpu.memory_space<vmem>>, vector<1x16xf32>,
        %get3A_259 = vector.shape_cast %get3A_258 : vector<1x16xf32> to vector<16xf32>
        %get3A_260 = arith.index_cast %scan3A_201 : i32 to index
        %get3A_261 = arith.constant 64 : index
        %get3A_262 = tpu.vector_load %arg7[%get3A_260, %get3A_261] {strides = array<i32>} : memref<125x128xf32, #tpu.memory_space<vmem>>, vector<1x16xf32>,
        %get3A_263 = vector.shape_cast %get3A_262 : vector<1x16xf32> to vector<16xf32>
        %add3A_264 = arith.addf %get3A_259, %get3A_263 : vector<16xf32>
        %swap3A_265 = arith.index_cast %scan3A_201 : i32 to index
        %swap3A_266 = arith.constant 64 : index
        %swap3A_267 = tpu.vector_load %arg9[%swap3A_265, %swap3A_266] {strides = array<i32>} : memref<125x128xf32, #tpu.memory_space<vmem>>, vector<1x16xf32>,
        %swap3A_268 = vector.shape_cast %swap3A_267 : vector<1x16xf32> to vector<16xf32>
        %swap3A_269 = vector.shape_cast %add3A_264 : vector<16xf32> to vector<1x16xf32>
        tpu.vector_store %arg9[%swap3A_265, %swap3A_266], %swap3A_269 {strides = array<i32>} : memref<125x128xf32, #tpu.memory_space<vmem>>, vector<1x16xf32>,
        %get3A_270 = arith.index_cast %scan3A_201 : i32 to index
        %get3A_271 = arith.constant 80 : index
        %get3A_272 = tpu.vector_load %arg6[%get3A_270, %get3A_271] {strides = array<i32>} : memref<125x128xf32, #tpu.memory_space<vmem>>, vector<1x16xf32>,
        %get3A_273 = vector.shape_cast %get3A_272 : vector<1x16xf32> to vector<16xf32>
        %get3A_274 = arith.index_cast %scan3A_201 : i32 to index
        %get3A_275 = arith.constant 80 : index
        %get3A_276 = tpu.vector_load %arg7[%get3A_274, %get3A_275] {strides = array<i32>} : memref<125x128xf32, #tpu.memory_space<vmem>>, vector<1x16xf32>,
        %get3A_277 = vector.shape_cast %get3A_276 : vector<1x16xf32> to vector<16xf32>
        %add3A_278 = arith.addf %get3A_273, %get3A_277 : vector<16xf32>
        %swap3A_279 = arith.index_cast %scan3A_201 : i32 to index
        %swap3A_280 = arith.constant 80 : index
        %swap3A_281 = tpu.vector_load %arg9[%swap3A_279, %swap3A_280] {strides = array<i32>} : memref<125x128xf32, #tpu.memory_space<vmem>>, vector<1x16xf32>,
        %swap3A_282 = vector.shape_cast %swap3A_281 : vector<1x16xf32> to vector<16xf32>
        %swap3A_283 = vector.shape_cast %add3A_278 : vector<16xf32> to vector<1x16xf32>
        tpu.vector_store %arg9[%swap3A_279, %swap3A_280], %swap3A_283 {strides = array<i32>} : memref<125x128xf32, #tpu.memory_space<vmem>>, vector<1x16xf32>,
        %get3A_284 = arith.index_cast %scan3A_201 : i32 to index
        %get3A_285 = arith.constant 96 : index
        %get3A_286 = tpu.vector_load %arg6[%get3A_284, %get3A_285] {strides = array<i32>} : memref<125x128xf32, #tpu.memory_space<vmem>>, vector<1x16xf32>,
        %get3A_287 = vector.shape_cast %get3A_286 : vector<1x16xf32> to vector<16xf32>
        %get3A_288 = arith.index_cast %scan3A_201 : i32 to index
        %get3A_289 = arith.constant 96 : index
        %get3A_290 = tpu.vector_load %arg7[%get3A_288, %get3A_289] {strides = array<i32>} : memref<125x128xf32, #tpu.memory_space<vmem>>, vector<1x16xf32>,
        %get3A_291 = vector.shape_cast %get3A_290 : vector<1x16xf32> to vector<16xf32>
        %add3A_292 = arith.addf %get3A_287, %get3A_291 : vector<16xf32>
        %swap3A_293 = arith.index_cast %scan3A_201 : i32 to index
        %swap3A_294 = arith.constant 96 : index
        %swap3A_295 = tpu.vector_load %arg9[%swap3A_293, %swap3A_294] {strides = array<i32>} : memref<125x128xf32, #tpu.memory_space<vmem>>, vector<1x16xf32>,
        %swap3A_296 = vector.shape_cast %swap3A_295 : vector<1x16xf32> to vector<16xf32>
        %swap3A_297 = vector.shape_cast %add3A_292 : vector<16xf32> to vector<1x16xf32>
        tpu.vector_store %arg9[%swap3A_293, %swap3A_294], %swap3A_297 {strides = array<i32>} : memref<125x128xf32, #tpu.memory_space<vmem>>, vector<1x16xf32>,
        %get3A_298 = arith.index_cast %scan3A_201 : i32 to index
        %get3A_299 = arith.constant 112 : index
        %get3A_300 = tpu.vector_load %arg6[%get3A_298, %get3A_299] {strides = array<i32>} : memref<125x128xf32, #tpu.memory_space<vmem>>, vector<1x16xf32>,
        %get3A_301 = vector.shape_cast %get3A_300 : vector<1x16xf32> to vector<16xf32>
        %get3A_302 = arith.index_cast %scan3A_201 : i32 to index
        %get3A_303 = arith.constant 112 : index
        %get3A_304 = tpu.vector_load %arg7[%get3A_302, %get3A_303] {strides = array<i32>} : memref<125x128xf32, #tpu.memory_space<vmem>>, vector<1x16xf32>,
        %get3A_305 = vector.shape_cast %get3A_304 : vector<1x16xf32> to vector<16xf32>
        %add3A_306 = arith.addf %get3A_301, %get3A_305 : vector<16xf32>
        %swap3A_307 = arith.index_cast %scan3A_201 : i32 to index
        %swap3A_308 = arith.constant 112 : index
        %swap3A_309 = tpu.vector_load %arg9[%swap3A_307, %swap3A_308] {strides = array<i32>} : memref<125x128xf32, #tpu.memory_space<vmem>>, vector<1x16xf32>,
        %swap3A_310 = vector.shape_cast %swap3A_309 : vector<1x16xf32> to vector<16xf32>
        %swap3A_311 = vector.shape_cast %add3A_306 : vector<16xf32> to vector<1x16xf32>
        tpu.vector_store %arg9[%swap3A_307, %swap3A_308], %swap3A_311 {strides = array<i32>} : memref<125x128xf32, #tpu.memory_space<vmem>>, vector<1x16xf32>,
      }
      %scan3A_192 = arith.constant 125 : i32
      %add3A_193 = arith.addi %mul3A_2, %add3A_143 : i32
      %mul3A_194 = arith.constant 10000 : i32
      %mul3A_195 = arith.muli %add3A_193, %mul3A_194 : i32
      %add3A_196 = arith.addi %mul3A_195, %add3A_112 : i32
      %dma_start3A_197 = arith.constant 0 : i32
      %dma_start3A_198 = tpu.memref_slice %arg4[%add3A_196, %dma_start3A_197] : memref<480000x128xf32, #tpu.memory_space<hbm>> -> memref<125x128xf32, #tpu.memory_space<hbm>>
      %dma_start3A_199 = arith.constant 0 : i32
      %dma_start3A_200 = tpu.memref_slice %arg4[%add3A_196, %dma_start3A_199] : memref<480000x128xf32, #tpu.memory_space<hbm>> -> memref<125x128xf32, #tpu.memory_space<hbm>>
      tpu.enqueue_dma source(%arg9 : memref<125x128xf32, #tpu.memory_space<vmem>>) target(%dma_start3A_200 : memref<125x128xf32, #tpu.memory_space<hbm>>) target_semaphore(%arg13 : memref<!tpu.dma_semaphore, #tpu.memory_space<semaphore_mem>>)
    }
    %scan3A_126 = arith.constant 12 : i32
    %dma_wait3A_127 = arith.constant 0 : i32
    %dma_wait3A_128 = arith.constant 0 : i32
    %dma_wait3A_129 = tpu.memref_slice %arg4[%dma_wait3A_127, %dma_wait3A_128] : memref<480000x128xf32, #tpu.memory_space<hbm>> -> memref<125x128xf32, #tpu.memory_space<hbm>>
    %dma_wait3A_130 = arith.constant 0 : i32
    %dma_wait3A_131 = arith.constant 0 : i32
    %dma_wait3A_132 = tpu.memref_slice %arg4[%dma_wait3A_130, %dma_wait3A_131] : memref<480000x128xf32, #tpu.memory_space<hbm>> -> memref<125x128xf32, #tpu.memory_space<hbm>>
    tpu.wait_dma2 semaphore(%arg12 : memref<!tpu.dma_semaphore, #tpu.memory_space<semaphore_mem>>) src(%arg8 : memref<125x128xf32, #tpu.memory_space<vmem>>) dst(%dma_wait3A_132 : memref<125x128xf32, #tpu.memory_space<hbm>>)
    %dma_wait3A_133 = arith.constant 0 : i32
    %dma_wait3A_134 = arith.constant 0 : i32
    %dma_wait3A_135 = tpu.memref_slice %arg4[%dma_wait3A_133, %dma_wait3A_134] : memref<480000x128xf32, #tpu.memory_space<hbm>> -> memref<125x128xf32, #tpu.memory_space<hbm>>
    %dma_wait3A_136 = arith.constant 0 : i32
    %dma_wait3A_137 = arith.constant 0 : i32
    %dma_wait3A_138 = tpu.memref_slice %arg4[%dma_wait3A_136, %dma_wait3A_137] : memref<480000x128xf32, #tpu.memory_space<hbm>> -> memref<125x128xf32, #tpu.memory_space<hbm>>
    tpu.wait_dma2 semaphore(%arg13 : memref<!tpu.dma_semaphore, #tpu.memory_space<semaphore_mem>>) src(%arg9 : memref<125x128xf32, #tpu.memory_space<vmem>>) dst(%dma_wait3A_138 : memref<125x128xf32, #tpu.memory_space<hbm>>)
    return
  }
}

</mosaic_0001>

<sc_bundles>
// kernel: kernel.3.cloned.1.call-start
scs
__scs_entry_jumppad:
0x0: {  	(pc) =	sbr.rel $0x88, $3  }
0x1: {  	(tag) =	ssettag $0x0;
	lr =	simm.s32 $0x1  }
0x2: {  	[smem:$0x3F9F] =	sst lr;
	_ =	strace $0xD0000000  }
0x3: {  	_ = 	snop  }
0x4: {  	_ = 	snop  }
0x5: {  	_ = 	snop  }
0x6: {  	_ = 	snop  }
0x7: {  	_ = 	snop  }
__scs_overlays_trampoline_lowered:
0x8: {  	[smem:$0x3FAE] =	sst s0  }
0x9: {  	[smem:$0x3FAF] =	sst s1  }
0xa: {  	[smem:$0x3FB0] =	sst s2  }
0xb: {  	[smem:$0x3FB1] =	sst s3  }
0xc: {  	[smem:$0x3FB2] =	sst s4  }
0xd: {  	[smem:$0x3FB3] =	sst s5  }
0xe: {  	[smem:$0x3FB4] =	sst s6  }
0xf: {  	[smem:$0x3FB5] =	sst s7  }
0x10: {  	[smem:$0x3FB6] =	sst s8  }
0x11: {  	[smem:$0x3FB7] =	sst s9;
	s0 =	simm.s32 @!p0 $0x0  }
0x12: {  	s1 =	sld [smem:$0x3F9D];
	s0 =	simm.s32 @p0 $0x1  }
0x13: {  	[smem:$0x3FB8] =	sst s0;
	s0 =	simm.s32 @!p1 $0x0  }
0x14: {  	s2 =	sld [smem:$0x3F9C];
	s0 =	simm.s32 @p1 $0x1  }
0x15: {  	[smem:$0x3FB9] =	sst s0;
	s0 =	simm.s32 @!p2 $0x0  }
0x16: {  	s3 =	sld [smem:$0x3FDB];
	s0 =	simm.s32 @p2 $0x1  }
0x17: {  	s4 =	simm.s32 $0x1BF5;
	[smem:$0x3FBB] =	sst s0  }
0x18: {  	s0 =	sld [smem:$0x3F9E];
	_ =	swait.ge [sflag:s4], $0x0  }
0x19: {  	s7 =	sld [smem:$0x3F9F]  }
0x1a: {  	s8 =	sadd.s32 $0xFFFFE003, lr  }
0x1b: {  	s9 =	sadd.s32 $0xFFFFFEF7, lr;
	s5 =	simm.s32 $0xFFFFFFFF;
	p2 =	slt.u32 s8, $0xFFFFF086  }
0x1c: {  	p1 =	slt.u32 s9, $0xF7A;
	s5 =	simm.s32 @!p2 $0x0  }
0x1d: {  	s5 =	simm.s32 @p1 $0x1;
	p0 =	seq.s32 s7, s2  }
0x1e: {  	s7 =	smul.u32 @!p0 $0xF7A, s2;
	p2 =	seq.s32 @!p0 s5, $0x0  }
0x1f: {  	s9 =	smul.u32 $0xF7A, s1;
	s8 =	simm.s32 @!p0 $0x1BF5;
	p2 =	por !p2, p0  }
0x20: {  	[sflag:s8] =	ssyncset.s32 @!p0 $0xFFFFF086;
	s6 =	sadd.s32 @!p0 s3, s7;
	s7 =	simm.s32 @!p0 $0x108  }
0x21: {  	s3 =	sadd.s32 s3, s9;
	s6 =	sadd.s32 @!p0 $0x88, s6;
	s7 =	simm.s32 @p2 $0x1082  }
0x22: {  	[simem:s7], [sflag:s8] =	dma.local @!p0 [hbm:s6], $0xF7A  }
0x23: {  	s9 =	sor.u32 $0xD0000000, s2;
	s6 =	simm.s32 $0x108;
	_ =	swait.ge @!p0 [sflag:s8], $0x0  }
0x24: {  	s3 =	sadd.s32 $0x88, s3;
	s6 =	simm.s32 @!p1 $0x1082;
	[sflag:s4] =	ssyncset.s32 $0xFFFFF086  }
0x25: {  	[simem:s6], [sflag:s4] =	dma.local [hbm:s3], $0xF7A  }
0x26: {  	[smem:$0x3F9F] =	sst s1;
	(tag) =	ssettag s2;
	_ =	strace s9  }
0x27: {  	s1 =	sld [smem:$0x3FAF]  }
0x28: {  	s2 =	sld [smem:$0x3FB0]  }
0x29: {  	s4 =	sld [smem:$0x3FB2]  }
0x2a: {  	p0 =	seq.s32 s5, $0x0;
	s5 =	sld [smem:$0x3FB3]  }
0x2b: {  	s6 =	sld [smem:$0x3FB4]  }
0x2c: {  	s7 =	sld [smem:$0x3FB5]  }
0x2d: {  	s3 =	simm.s32 $0x108;
	s8 =	sld [smem:$0x3FB6]  }
0x2e: {  	s3 =	simm.s32 @!p0 $0x1082;
	s9 =	sld [smem:$0x3FB7]  }
0x2f: {  	lr =	sadd.s32 s0, s3;
	s0 =	sld [smem:$0x3FAE]  }
0x30: {  	s3 =	sld [smem:$0x3FB1]  }
0x31: {  	[smem:$0x3FBA] =	sst s10  }
0x32: {  	s10 =	sld [smem:$0x3FB8];
	_ =	sdelay $0x3  }
0x33: {  	p0 =	seq.s32 s10, $0x1;
	s10 =	sld [smem:$0x3FBA];
	_ =	sdelay $0x3  }
0x34: {  	[smem:$0x3FBA] =	sst s10  }
0x35: {  	s10 =	sld [smem:$0x3FB9];
	_ =	sdelay $0x3  }
0x36: {  	p1 =	seq.s32 s10, $0x1;
	s10 =	sld [smem:$0x3FBA];
	_ =	sdelay $0x3  }
0x37: {  	[smem:$0x3FBA] =	sst s10  }
0x38: {  	s10 =	sld [smem:$0x3FBB]  }
0x39: {  	_ = 	snop;
	(pc) =	sbr.ind lr, $3  }
0x3a: {  	_ = 	snop  }
0x3b: {  	_ = 	snop  }
0x3c: {  	p2 =	seq.s32 s10, $0x1;
	s10 =	sld [smem:$0x3FBA]  }
0x3d: {  	_ =	shalt  }
0x3e: {  	_ =	shalt  }
0x3f: {  	_ =	shalt  }
0x40: {  	_ =	shalt  }
0x41: {  	_ =	shalt  }
0x42: {  	_ =	shalt  }
0x43: {  	_ =	shalt  }
0x44: {  	_ =	shalt  }
0x45: {  	_ =	shalt  }
0x46: {  	_ =	shalt  }
0x47: {  	_ =	shalt  }
0x48: {  	_ =	shalt  }
0x49: {  	_ =	shalt  }
0x4a: {  	_ =	shalt  }
0x4b: {  	_ =	shalt  }
0x4c: {  	_ =	shalt  }
0x4d: {  	_ =	shalt  }
0x4e: {  	_ =	shalt  }
0x4f: {  	_ =	shalt  }
0x50: {  	_ =	shalt  }
0x51: {  	_ =	shalt  }
0x52: {  	_ =	shalt  }
0x53: {  	_ =	shalt  }
0x54: {  	_ =	shalt  }
0x55: {  	_ =	shalt  }
0x56: {  	_ =	shalt  }
0x57: {  	_ =	shalt  }
0x58: {  	_ =	shalt  }
0x59: {  	_ =	shalt  }
0x5a: {  	_ =	shalt  }
0x5b: {  	_ =	shalt  }
0x5c: {  	_ =	shalt  }
0x5d: {  	_ =	shalt  }
0x5e: {  	_ =	shalt  }
0x5f: {  	_ =	shalt  }
0x60: {  	_ =	shalt  }
0x61: {  	_ =	shalt  }
0x62: {  	_ =	shalt  }
0x63: {  	_ =	shalt  }
0x64: {  	_ =	shalt  }
0x65: {  	_ =	shalt  }
0x66: {  	_ =	shalt  }
0x67: {  	_ =	shalt  }
0x68: {  	_ =	shalt  }
0x69: {  	_ =	shalt  }
0x6a: {  	_ =	shalt  }
0x6b: {  	_ =	shalt  }
0x6c: {  	_ =	shalt  }
0x6d: {  	_ =	shalt  }
0x6e: {  	_ =	shalt  }
0x6f: {  	_ =	shalt  }
0x70: {  	_ =	shalt  }
0x71: {  	_ =	shalt  }
0x72: {  	_ =	shalt  }
0x73: {  	_ =	shalt  }
0x74: {  	_ =	shalt  }
0x75: {  	_ =	shalt  }
0x76: {  	_ =	shalt  }
0x77: {  	_ =	shalt  }
0x78: {  	_ =	shalt  }
0x79: {  	_ =	shalt  }
0x7a: {  	_ =	shalt  }
0x7b: {  	_ =	shalt  }
0x7c: {  	_ =	shalt  }
0x7d: {  	_ =	shalt  }
0x7e: {  	_ =	shalt  }
0x7f: {  	_ =	shalt  }
0x80: {  	_ =	shalt  }
0x81: {  	_ =	shalt  }
0x82: {  	_ =	shalt  }
0x83: {  	_ =	shalt  }
0x84: {  	_ =	shalt  }
0x85: {  	_ =	shalt  }
0x86: {  	_ =	shalt  }
0x87: {  	_ =	shalt  }
.Lfunc_end0:
.L_simem_size_0:
called_computation_lowered:
.L_overlay_start_0:
0x88: {  	s2 =	sld [smem:$0x3FD9]  }
0x89: {  	s3 =	sld [smem:$0x3FFE];
	_ =	sdelay $0x1  }
0x8a: {  	s1 =	srdreg.scid  }
0x8b: {  	s0 =	sand.u32 $0x1, s1  }
0x8c: {  	s18 =	sshll.u32 s0, $0xA;
	s2 =	sadd.s32 s3, s2  }
0x8d: {  	s2 =	sadd.s32 s2, s18  }
0x8e: {  	[smem:$0x3FC6] =	sst s2  }
0x8f: {  	_ = 	snop  }
0x90: {  	s2 =	sld [smem:$0x3FC9]  }
0x91: {  	s19 =	sld [smem:$0x3FC8]  }
0x92: {  	s4 =	sld [smem:$0x3FD0];
	(tm) =	ssettm $0x1  }
0x93: {  	s5 =	sld [smem:$0x3FFB];
	_ =	sdelay $0x3  }
0x94: {  	_ =	strace s5  }
0x95: {  	s5 =	sld [smem:$0x3FFC];
	_ =	sdelay $0x3  }
0x96: {  	_ =	strace s5  }
0x97: {  	s5 =	sld [smem:$0x3FFD];
	_ =	sdelay $0x3  }
0x98: {  	_ =	strace s5  }
0x99: {  	_ =	strace $0x8FFFFFFF  }
0x9a: {  	s20 =	sld [smem:$0x3FDB];
	_ =	sdelay $0x1  }
0x9b: {  	s6 =	simm.s32 $_scs_section_size  }
0x9c: {  	s7 =	simm.s32 $_size__tile_overlayer_lowered;
	s8 =	simm.s32 $_tile_overlayer_lowered  }
0x9d: {  	s23 =	simm.s32 $0x1BFF;
	s22 =	sshll.u32 s8, $0x1;
	s5 =	sadd.s32 s6, s20  }
0x9e: {  	s9 =	simm.s32 $0x0;
	s21 =	sshll.u32 s7, $0x1;
	s7 =	sadd.s32 s22, s5  }
0x9f: {  	[timem:s9], [sflag:s23] =	dma.local [hbm:s7], s21  }
0xa0: {  	_ =	swait.ge [sflag:s23], s21  }
0xa1: {  	s6 =	ssub.s32 $0x0, s21;
	[sflag:s23] =	ssyncset.done $0x0  }
0xa2: {  	[sflag:s23] =	ssyncadd.s32 s6;
	_ =	sdelay $0x1  }
0xa3: {  	s24 =	simm.s32 $0x1B8B  }
0xa4: {  	_ =	swait.ge [sflag:s24], $0x1  }
0xa5: {  	[sflag:s24] =	ssyncset.done $0x0  }
0xa6: {  	s25 =	simm.s32 $0x1B8E;
	[sflag:s24] =	ssyncadd.s32 $0xFFFFFFFF  }
0xa7: {  	s26 =	simm.s32 $execute0_lowered;
	[smem:$0x3FD2] =	sst s25  }
0xa8: {  	s6 =	sshll.u32 s26, $0x1;
	_ =	strace $0x80000046;
	[dreg:$0x1] =	wrdreg $0xFFFFFFFF  }
0xa9: {  	s28 =	simm.s32 $_size_execute0_lowered;
	s5 =	sadd.s32 s5, s6;
	[dreg:$0x0] =	wrdreg $0x0  }
0xaa: {  	s6 =	sshll.u32 s28, $0x1;
	[dreg:$0x2] =	wrdreg s5  }
0xab: {  	[dreg:$0x3] =	wrdreg s6  }
0xac: {  	[dreg:$0x4] =	wrdreg $0xC0  }
0xad: {  	_ =	task [dreg:s9], $0x5FFFF  }
0xae: {  	[dreg:$0x1] =	wrdreg $0xFFFFFFFF  }
0xaf: {  	[dreg:$0x0] =	wrdreg $0x60  }
0xb0: {  	[dreg:$0x2] =	wrdreg s2  }
0xb1: {  	[dreg:$0x3] =	wrdreg s19  }
0xb2: {  	[dreg:$0x4] =	wrdreg s4  }
0xb3: {  	[dreg:$0x5] =	wrdreg $0x9  }
0xb4: {  	_ =	task.clear_ibuf [dreg:s9], $0x6FFFF;
	_ =	strace $0x90000046  }
0xb5: {  	s29 =	simm.s32 $0x9;
	_ =	strace $0x80000048  }
0xb6: {  	_ =	swait.ge [sflag:s29], $0x1  }
0xb7: {  	[sflag:s29] =	ssyncadd.s32 $0xFFFFFFFF  }
0xb8: {  	_ =	strace $0x90000048  }
0xb9: {  	_ =	sfence  }
0xba: {  	s30 =	sld [smem:$0x0];
	_ =	sdelay $0x2  }
0xbb: {  	s31 =	sshll.u32 s1, $0xD;
	s1 =	sshrl.u32 s1, $0x2  }
0xbc: {  	s3 =	sand.u32 $0x4000, s31;
	s1 =	sadd.s32 s1, s30  }
0xbd: {  	s0 =	sor.u32 s3, s0;
	s1 =	sshll.u32 s1, $0x11  }
0xbe: {  	s0 =	sor.u32 s1, s0  }
0xbf: {  	s0 =	sadd.s32 $0x8F2B, s0  }
0xc0: {  	[sflag:s0] =	ssyncadd.remote.s32 $0x1  }
0xc1: {  	_ =	sfence.sel $0xFFFF  }
0xc2: {  	[dreg:$0x0] =	wrdreg $0xFFFFFFFF;
	(pc) =	sbr.abs _section_cstart, $3  }
0xc3: {  	[dreg:$0x1] =	wrdreg $0xFFFFFFFF  }
0xc4: {  	_ =	task.clear_ibuf [dreg:s9], $0x2FFFF;
	_ =	strace $0x9FFFFFFF  }
0xc5: {  	(tm) =	ssettm $0x7FFFFFFF  }
tec
execute0_lowered:
.L_overlay_start_1:
0x0: {  	(tag) =	ssettag $0x1  }
0x1: {  	s1 =	rddreg [dreg:$0x0]  }
0x2: {  	s0 =	rddreg [dreg:$0x1]  }
0x3: {  	s3 =	rddreg [dreg:$0x2];
	s2 =	srdreg.scid  }
0x4: {  	s9 =	stileid.u32;
	s4 =	simm.s32 $0x0;
	s28 =	simm.s32 $0x3E80  }
0x5: {  	s29 =	simm.s32 $0xBB80;
	s30 =	simm.s32 $0x2;
	s5 =	smul.u32 $0x271, s9  }
0x6: {  	s31 =	simm.s32 $0x4;
	s2 =	sand.u32 $0x1, s2;
	s9 =	smul.u32 $0x2710, s9  }
0x7: {  	[smem:$0x7FF] =	sst s4;
	s7 =	smul.u32 $0x3A980, s2;
	s6 =	ssub.s32 $0x2, s2  }
0x8: {  	_ =	strace $0x80000047;
	s8 =	sshrl.u32 s6, $0x1;
	s9 =	sadd.s32 s0, s9  }
0x9: {  	s12 =	sadd.s32 $0xFA, s5;
	s15 =	sadd.s32 $0x177, s5;
	s10 =	sadd.s32 s5, s7  }
0xa: {  	s8 =	ssub.s32 s6, s8;
	s6 =	smul.u32 $0x18, s2;
	[dreg:$0x4] =	wrdreg s9  }
0xb: {  	s9 =	sadd.s32 $0x7D, s5;
	s21 =	sadd.s32 s7, s12;
	s22 =	sshll.u32 s12, $0x4  }
0xc: {  	s23 =	sshll.u32 s15, $0x4;
	s24 =	sadd.s32 s7, s15;
	s19 =	sshll.u32 s10, $0x4  }
0xd: {  	s20 =	sadd.s32 s7, s9;
	s13 =	sshll.u32 s9, $0x4;
	s2 =	sadd.s32 s1, s19  }
0xe: {  	s10 =	sor.u32 $0x1, s6;
	s11 =	sor.u32 $0x2, s6;
	s13 =	sadd.s32 s0, s13  }
0xf: {  	s19 =	sadd.s32 $0x1F4, s5;
	[dreg:$0x5] =	wrdreg s2;
	s2 =	sshll.u32 s20, $0x4  }
0x10: {  	[dreg:$0x6] =	wrdreg s13;
	s13 =	sadd.s32 s0, s22;
	s25 =	sshll.u32 s19, $0x4  }
0x11: {  	s7 =	sadd.s32 s7, s19;
	s2 =	sadd.s32 s1, s2;
	[dreg:$0x8] =	wrdreg s13  }
0x12: {  	s26 =	sshll.u32 s7, $0x4;
	s7 =	simm.s32 $0x0;
	[dreg:$0x7] =	wrdreg s2  }
0x13: {  	s2 =	sshll.u32 s21, $0x4;
	s21 =	sadd.s32 s0, s25;
	s22 =	sadd.s32 s1, s26  }
0x14: {  	s25 =	simm.s32 $0x5;
	s26 =	simm.s32 $0x1;
	s2 =	sadd.s32 s1, s2  }
0x15: {  	[dreg:$0x9] =	wrdreg s2;
	s2 =	sadd.s32 s0, s23;
	s23 =	smax.u32 s8, $0x1  }
0x16: {  	s0 =	simm.s32 $0xFA00;
	[dreg:$0xa] =	wrdreg s2;
	s2 =	sshll.u32 s24, $0x4  }
0x17: {  	s24 =	simm.s32 $0x7D00;
	s20 =	sadd.s32 s1, s2;
	s2 =	simm.s32 $0x3  }
.LBB2_1:
0x18: {  	s8 =	rddreg [dreg:$0x4]  }
0x19: {  	[tilespmem:s24], [sflag:$0x5] =	stream.linear.gather [hbm4b:s8+s4], $0x3E80, $0x38;
	[tilespmem:$0x13880] =	vst v63  }
0x1a: {  	_ =	swait.ge [sflag:s25], $0x3E80  }
0x1b: {  	[sflag:s25] =	ssyncset.done $0x0  }
0x1c: {  	s8 =	simm.s32 $0x0;
	s18 =	rddreg [dreg:$0x5];
	[sflag:s25] =	ssyncadd.s32 $0xFFFFC180  }
0x1d: {  	[tilespmem:s4], [sflag:$0x1] =	stream.linear.gather [hbm4b:s18+s4], $0x3E80, $0x38;
	[tilespmem:$0x13880] =	vst v63  }
.LBB2_2:
0x1e: {  	s14 =	sshll.u32 s8, $0x1  }
0x1f: {  	s13 =	sadd.s32 s14, s10  }
0x20: {  	s13 =	smul.u32 $0x2710, s13;
	_ =	sdelay $0x1  }
0x21: {  	s13 =	sadd.s32 s5, s13  }
0x22: {  	_ =	swait.ge [sflag:s26], $0x3E80;
	s13 =	sshll.u32 s13, $0x4  }
0x23: {  	[sflag:s26] =	ssyncset.done $0x0;
	s13 =	sand.u32 $0x1FFFFFF0, s13  }
0x24: {  	p0 =	seq.s32 s8, $0x0;
	[sflag:s26] =	ssyncadd.s32 $0xFFFFC180;
	s16 =	sadd.s32 s1, s13  }
0x25: {  	[tilespmem:s28], [sflag:$0x2] =	stream.linear.gather [hbm4b:s16+s4], $0x3E80, $0x38;
	[tilespmem:$0x13880] =	vst v63  }
0x26: {  	s16 =	simm.s32 @!p0 $0x3  }
0x27: {  	_ =	swait.ge @!p0 [sflag:s16], $0x3E80  }
0x28: {  	[sflag:s16] =	ssyncset.done @!p0 $0x0  }
0x29: {  	[sflag:s16] =	ssyncadd.s32 @!p0 $0xFFFFC180;
	s16 =	simm.s32 $0x0  }
0x2a: {  	v0 =	vld [tilespmem:s16+$0x70]  }
0x2b: {  	v1 =	vld [tilespmem:s16+$0x7D70]  }
0x2c: {  	v2 =	vld [tilespmem:s16+$0x0]  }
0x2d: {  	v3 =	vld [tilespmem:s16+$0x7D00]  }
0x2e: {  	v4 =	vld [tilespmem:s16+$0x10]  }
0x2f: {  	v5 =	vld [tilespmem:s16+$0x7D10]  }
0x30: {  	v6 =	vld [tilespmem:s16+$0x20]  }
0x31: {  	v7 =	vld [tilespmem:s16+$0x30]  }
0x32: {  	v0 =	vadd.f32 v1, v0;
	v1 =	vld [tilespmem:s16+$0x7D20]  }
0x33: {  	v8 =	vld [tilespmem:s16+$0x7D30]  }
0x34: {  	v9 =	vld [tilespmem:s16+$0x7D40];
	v2 =	vadd.f32 v3, v2  }
0x35: {  	[tilespmem:s16+$0xBBF0] =	vst v0;
	v0 =	vadd.f32 v5, v4;
	v5 =	vld [tilespmem:s16+$0x40]  }
0x36: {  	v3 =	vld [tilespmem:s16+$0x7D50];
	[tilespmem:s16+$0xBB80] =	vst v2  }
0x37: {  	v2 =	vld [tilespmem:s16+$0x50];
	[tilespmem:s16+$0xBB90] =	vst v0;
	v0 =	vadd.f32 v1, v6  }
0x38: {  	v4 =	vld [tilespmem:s16+$0x7D60];
	v6 =	vadd.f32 v8, v7  }
0x39: {  	s17 =	simm.s32 $0x80;
	[tilespmem:s16+$0xBBA0] =	vst v0;
	v0 =	vld [tilespmem:s16+$0x60]  }
0x3a: {  	s18 =	simm.s32 $0x400;
	v5 =	vadd.f32 v9, v5;
	v1 =	vld [tilespmem:s17+$0x70];
	[tilespmem:s16+$0xBBB0] =	vst v6  }
.LBB2_3:
0x3b: {  	p1 =	sne.s32 s18, $0xF800;
	v6 =	vld [tilespmem:s17+$0x7D70]  }
0x3c: {  	v7 =	vld [tilespmem:s17+$0x0];
	[tilespmem:s16+$0xBBC0] =	vst v5;
	v2 =	vadd.f32 v3, v2  }
0x3d: {  	v3 =	vld [tilespmem:s17+$0x7D00]  }
0x3e: {  	v5 =	vld [tilespmem:s17+$0x10];
	[tilespmem:s16+$0xBBD0] =	vst v2;
	v0 =	vadd.f32 v4, v0  }
0x3f: {  	v2 =	vld [tilespmem:s17+$0x7D10]  }
0x40: {  	v4 =	vld [tilespmem:s17+$0x20];
	v1 =	vadd.f32 v6, v1;
	[tilespmem:s16+$0xBBE0] =	vst v0;
	s16 =	smov.u32 s17  }
0x41: {  	v0 =	vld [tilespmem:s16+$0x7D20]  }
0x42: {  	v3 =	vadd.f32 v3, v7;
	v6 =	vld [tilespmem:s16+$0x30];
	[tilespmem:s16+$0xBBF0] =	vst v1  }
0x43: {  	v1 =	vld [tilespmem:s16+$0x7D30]  }
0x44: {  	[tilespmem:s16+$0xBB80] =	vst v3;
	v2 =	vadd.f32 v2, v5;
	v5 =	vld [tilespmem:s16+$0x40]  }
0x45: {  	v7 =	vld [tilespmem:s16+$0x7D40]  }
.Ltmp0:
0x46: {  	[tilespmem:s16+$0xBB90] =	vst v2;
	v0 =	vadd.f32 v0, v4;
	v2 =	vld [tilespmem:s16+$0x50];
	(pc) =	sbr.rel @p1 .LBB2_3-.Ltmp0, $4  }
0x47: {  	v3 =	vld [tilespmem:s16+$0x7D50]  }
0x48: {  	[tilespmem:s16+$0xBBA0] =	vst v0;
	v6 =	vadd.f32 v1, v6;
	v0 =	vld [tilespmem:s16+$0x60]  }
0x49: {  	s17 =	sshra.s32 s18, $0x2;
	v4 =	vld [tilespmem:s16+$0x7D60]  }
0x4a: {  	s18 =	sadd.s32 $0x200, s18;
	v1 =	vld [tilespmem:s17+$0x70];
	[tilespmem:s16+$0xBBB0] =	vst v6;
	v5 =	vadd.f32 v7, v5  }
0x4b: {  	v6 =	vld [tilespmem:s17+$0x7D70]  }
0x4c: {  	v7 =	vld [tilespmem:s17+$0x0];
	[tilespmem:s16+$0xBBC0] =	vst v5;
	v2 =	vadd.f32 v3, v2  }
0x4d: {  	v51 =	vld [tilespmem:s17+$0x7D00]  }
0x4e: {  	v5 =	vld [tilespmem:s17+$0x10];
	[tilespmem:s16+$0xBBD0] =	vst v2;
	v0 =	vadd.f32 v4, v0  }
0x4f: {  	v2 =	vld [tilespmem:s17+$0x7D10]  }
0x50: {  	v52 =	vld [tilespmem:s17+$0x20];
	[tilespmem:s16+$0xBBE0] =	vst v0  }
0x51: {  	v54 =	vld [tilespmem:s17+$0x7D20]  }
0x52: {  	v55 =	vld [tilespmem:s17+$0x30]  }
0x53: {  	v56 =	vld [tilespmem:s17+$0x7D30]  }
0x54: {  	v57 =	vld [tilespmem:s17+$0x40]  }
0x55: {  	v58 =	vld [tilespmem:s17+$0x7D40]  }
0x56: {  	v59 =	vld [tilespmem:s17+$0x50]  }
0x57: {  	v53 =	vadd.f32 v6, v1;
	v60 =	vld [tilespmem:s17+$0x7D50]  }
0x58: {  	v61 =	vld [tilespmem:s17+$0x60];
	v3 =	vadd.f32 v51, v7  }
0x59: {  	v62 =	vld [tilespmem:s17+$0x7D60];
	[tilespmem:s17+$0xBBF0] =	vst v53;
	v2 =	vadd.f32 v2, v5  }
0x5a: {  	[tilespmem:s17+$0xBB80] =	vst v3;
	v1 =	vadd.f32 v54, v52  }
0x5b: {  	s18 =	sadd.s32 s6, s14;
	[tilespmem:s17+$0xBB90] =	vst v2;
	v0 =	vadd.f32 v56, v55  }
0x5c: {  	p1 =	sne.s32 s8, $0xB;
	s16 =	smul.u32 $0x2710, s18;
	v3 =	vadd.f32 v58, v57;
	[tilespmem:s17+$0xBBA0] =	vst v1  }
.Ltmp1:
0x5d: {  	v63 =	vadd.f32 v60, v59;
	[tilespmem:s17+$0xBBB0] =	vst v0;
	(pc) =	sbr.rel @p1 .LBB2_6-.Ltmp1, $4  }
0x5e: {  	s16 =	sadd.s32 s5, s16;
	[tilespmem:s17+$0xBBC0] =	vst v3;
	v1 =	vadd.f32 v62, v61  }
0x5f: {  	s16 =	sshll.u32 s16, $0x4;
	[tilespmem:s17+$0xBBD0] =	vst v63  }
0x60: {  	s16 =	sadd.s32 s3, s16;
	[tilespmem:s17+$0xBBE0] =	vst v1  }
0x61: {  	[hbm4b:s16+s4] =	stream.linear.scatter [tilespmem:s29], [sflag:$0x3], $0x3E80, $0x38;
	[tilespmem:$0x13880] =	vst v63  }
.Ltmp2:
0x62: {  	(pc) =	sbr.rel .LBB2_7-.Ltmp2, $4  }
0x63: {  	_ = 	snop  }
0x64: {  	_ =	swait.ge [sflag:s30], $0x3E80  }
0x65: {  	[sflag:s30] =	ssyncset.done $0x0  }
0x66: {  	[sflag:s30] =	ssyncadd.s32 $0xFFFFC180  }
.LBB2_6:
0x67: {  	s14 =	sadd.s32 s14, s11  }
0x68: {  	s14 =	smul.u32 $0x2710, s14;
	_ =	sdelay $0x1  }
0x69: {  	s14 =	sadd.s32 s5, s14  }
0x6a: {  	s14 =	sshll.u32 s14, $0x4  }
0x6b: {  	s14 =	sand.u32 $0x1FFFFFF0, s14  }
.Ltmp3:
0x6c: {  	s14 =	sadd.s32 s1, s14;
	(pc) =	sbr.rel @p0 .LBB2_8-.Ltmp3, $4  }
0x6d: {  	[tilespmem:s4], [sflag:$0x1] =	stream.linear.gather [hbm4b:s14+s4], $0x3E80, $0x38;
	[tilespmem:$0x13880] =	vst v63  }
0x6e: {  	_ =	swait.ge [sflag:s30], $0x3E80  }
0x6f: {  	[sflag:s30] =	ssyncset.done $0x0  }
0x70: {  	[sflag:s30] =	ssyncadd.s32 $0xFFFFC180  }
.LBB2_7:
0x71: {  	_ =	swait.ge [sflag:s31], $0x3E80  }
0x72: {  	[sflag:s31] =	ssyncset.done $0x0  }
0x73: {  	[sflag:s31] =	ssyncadd.s32 $0xFFFFC180  }
.LBB2_8:
0x74: {  	s14 =	simm.s32 $0x0  }
0x75: {  	v0 =	vld [tilespmem:s14+$0x3EF0]  }
0x76: {  	v1 =	vld [tilespmem:s14+$0x7D70]  }
0x77: {  	v2 =	vld [tilespmem:s14+$0x3E80]  }
0x78: {  	v3 =	vld [tilespmem:s14+$0x7D00]  }
0x79: {  	v4 =	vld [tilespmem:s14+$0x3E90]  }
0x7a: {  	v5 =	vld [tilespmem:s14+$0x7D10]  }
0x7b: {  	v6 =	vld [tilespmem:s14+$0x3EA0]  }
0x7c: {  	v7 =	vld [tilespmem:s14+$0x3EB0]  }
0x7d: {  	v0 =	vadd.f32 v1, v0;
	v1 =	vld [tilespmem:s14+$0x7D20]  }
0x7e: {  	v8 =	vld [tilespmem:s14+$0x7D30]  }
0x7f: {  	v9 =	vld [tilespmem:s14+$0x7D40];
	v2 =	vadd.f32 v3, v2  }
0x80: {  	[tilespmem:s14+$0xFA70] =	vst v0;
	v0 =	vadd.f32 v5, v4;
	v5 =	vld [tilespmem:s14+$0x3EC0]  }
0x81: {  	v3 =	vld [tilespmem:s14+$0x7D50];
	[tilespmem:s14+$0xFA00] =	vst v2  }
0x82: {  	v2 =	vld [tilespmem:s14+$0x3ED0];
	[tilespmem:s14+$0xFA10] =	vst v0;
	v0 =	vadd.f32 v1, v6  }
0x83: {  	v4 =	vld [tilespmem:s14+$0x7D60];
	v6 =	vadd.f32 v8, v7  }
0x84: {  	s16 =	simm.s32 $0x80;
	[tilespmem:s14+$0xFA20] =	vst v0;
	v0 =	vld [tilespmem:s14+$0x3EE0]  }
0x85: {  	s17 =	simm.s32 $0x400;
	v5 =	vadd.f32 v9, v5;
	v1 =	vld [tilespmem:s16+$0x3EF0];
	[tilespmem:s14+$0xFA30] =	vst v6  }
.LBB2_9:
0x86: {  	p0 =	sne.s32 s17, $0xF800;
	v6 =	vld [tilespmem:s16+$0x7D70]  }
0x87: {  	v7 =	vld [tilespmem:s16+$0x3E80];
	[tilespmem:s14+$0xFA40] =	vst v5;
	v2 =	vadd.f32 v3, v2  }
0x88: {  	v3 =	vld [tilespmem:s16+$0x7D00]  }
0x89: {  	v5 =	vld [tilespmem:s16+$0x3E90];
	[tilespmem:s14+$0xFA50] =	vst v2;
	v0 =	vadd.f32 v4, v0  }
0x8a: {  	v2 =	vld [tilespmem:s16+$0x7D10]  }
0x8b: {  	v4 =	vld [tilespmem:s16+$0x3EA0];
	v1 =	vadd.f32 v6, v1;
	[tilespmem:s14+$0xFA60] =	vst v0;
	s14 =	smov.u32 s16  }
0x8c: {  	v0 =	vld [tilespmem:s14+$0x7D20]  }
0x8d: {  	v3 =	vadd.f32 v3, v7;
	v6 =	vld [tilespmem:s14+$0x3EB0];
	[tilespmem:s14+$0xFA70] =	vst v1  }
0x8e: {  	v1 =	vld [tilespmem:s14+$0x7D30]  }
0x8f: {  	[tilespmem:s14+$0xFA00] =	vst v3;
	v2 =	vadd.f32 v2, v5;
	v5 =	vld [tilespmem:s14+$0x3EC0]  }
0x90: {  	v7 =	vld [tilespmem:s14+$0x7D40]  }
.Ltmp4:
0x91: {  	[tilespmem:s14+$0xFA10] =	vst v2;
	v0 =	vadd.f32 v0, v4;
	v2 =	vld [tilespmem:s14+$0x3ED0];
	(pc) =	sbr.rel @p0 .LBB2_9-.Ltmp4, $4  }
0x92: {  	v3 =	vld [tilespmem:s14+$0x7D50]  }
0x93: {  	[tilespmem:s14+$0xFA20] =	vst v0;
	v6 =	vadd.f32 v1, v6;
	v0 =	vld [tilespmem:s14+$0x3EE0]  }
0x94: {  	s16 =	sshra.s32 s17, $0x2;
	v4 =	vld [tilespmem:s14+$0x7D60]  }
0x95: {  	s17 =	sadd.s32 $0x200, s17;
	v1 =	vld [tilespmem:s16+$0x3EF0];
	[tilespmem:s14+$0xFA30] =	vst v6;
	v5 =	vadd.f32 v7, v5  }
0x96: {  	v6 =	vld [tilespmem:s16+$0x7D70]  }
0x97: {  	v7 =	vld [tilespmem:s16+$0x3E80];
	[tilespmem:s14+$0xFA40] =	vst v5;
	v2 =	vadd.f32 v3, v2  }
0x98: {  	v51 =	vld [tilespmem:s16+$0x7D00]  }
0x99: {  	v5 =	vld [tilespmem:s16+$0x3E90];
	[tilespmem:s14+$0xFA50] =	vst v2;
	v0 =	vadd.f32 v4, v0  }
0x9a: {  	v2 =	vld [tilespmem:s16+$0x7D10]  }
0x9b: {  	v52 =	vld [tilespmem:s16+$0x3EA0];
	[tilespmem:s14+$0xFA60] =	vst v0  }
0x9c: {  	v54 =	vld [tilespmem:s16+$0x7D20]  }
0x9d: {  	v55 =	vld [tilespmem:s16+$0x3EB0]  }
0x9e: {  	v56 =	vld [tilespmem:s16+$0x7D30]  }
0x9f: {  	v57 =	vld [tilespmem:s16+$0x3EC0]  }
0xa0: {  	v58 =	vld [tilespmem:s16+$0x7D40]  }
0xa1: {  	v59 =	vld [tilespmem:s16+$0x3ED0]  }
0xa2: {  	v53 =	vadd.f32 v6, v1;
	v60 =	vld [tilespmem:s16+$0x7D50]  }
0xa3: {  	v61 =	vld [tilespmem:s16+$0x3EE0];
	v3 =	vadd.f32 v51, v7  }
0xa4: {  	v62 =	vld [tilespmem:s16+$0x7D60];
	[tilespmem:s16+$0xFA70] =	vst v53;
	v2 =	vadd.f32 v2, v5  }
0xa5: {  	[tilespmem:s16+$0xFA00] =	vst v3;
	v1 =	vadd.f32 v54, v52  }
0xa6: {  	s8 =	sadd.s32 $0x1, s8;
	[tilespmem:s16+$0xFA10] =	vst v2;
	v0 =	vadd.f32 v56, v55  }
0xa7: {  	p0 =	sne.s32 s8, $0xC;
	v3 =	vadd.f32 v58, v57;
	[tilespmem:s16+$0xFA20] =	vst v1  }
.Ltmp5:
0xa8: {  	v63 =	vadd.f32 v60, v59;
	[tilespmem:s16+$0xFA30] =	vst v0;
	(pc) =	sbr.rel @p0 .LBB2_2-.Ltmp5, $4  }
0xa9: {  	[tilespmem:s16+$0xFA40] =	vst v3;
	v1 =	vadd.f32 v62, v61  }
0xaa: {  	[tilespmem:s16+$0xFA50] =	vst v63  }
0xab: {  	s13 =	sadd.s32 s3, s13;
	[tilespmem:s16+$0xFA60] =	vst v1  }
0xac: {  	[hbm4b:s13+s4] =	stream.linear.scatter [tilespmem:s0], [sflag:$0x4], $0x3E80, $0x38;
	[tilespmem:$0x13880] =	vst v63  }
0xad: {  	_ =	swait.ge [sflag:s2], $0x3E80  }
0xae: {  	[sflag:s2] =	ssyncset.done $0x0  }
0xaf: {  	[sflag:s2] =	ssyncadd.s32 $0xFFFFC180  }
0xb0: {  	_ =	swait.ge [sflag:s31], $0x3E80  }
0xb1: {  	[sflag:s31] =	ssyncset.done $0x0  }
0xb2: {  	s8 =	simm.s32 $0x0;
	s13 =	rddreg [dreg:$0x6];
	[sflag:s31] =	ssyncadd.s32 $0xFFFFC180  }
0xb3: {  	[tilespmem:s24], [sflag:$0x5] =	stream.linear.gather [hbm4b:s13+s8], $0x3E80, $0x38;
	[tilespmem:$0x13880] =	vst v63  }
0xb4: {  	_ =	swait.ge [sflag:s25], $0x3E80  }
0xb5: {  	[sflag:s25] =	ssyncset.done $0x0  }
0xb6: {  	s18 =	rddreg [dreg:$0x7];
	[sflag:s25] =	ssyncadd.s32 $0xFFFFC180  }
0xb7: {  	[tilespmem:s8], [sflag:$0x1] =	stream.linear.gather [hbm4b:s18+s8], $0x3E80, $0x38;
	[tilespmem:$0x13880] =	vst v63  }
.LBB2_12:
0xb8: {  	s14 =	sshll.u32 s8, $0x1  }
0xb9: {  	s13 =	sadd.s32 s14, s10  }
0xba: {  	s13 =	smul.u32 $0x2710, s13;
	_ =	sdelay $0x1  }
0xbb: {  	s13 =	sadd.s32 s9, s13  }
0xbc: {  	_ =	swait.ge [sflag:s26], $0x3E80;
	s13 =	sshll.u32 s13, $0x4  }
0xbd: {  	[sflag:s26] =	ssyncset.done $0x0;
	s13 =	sand.u32 $0x1FFFFFF0, s13  }
0xbe: {  	p0 =	seq.s32 s8, $0x0;
	[sflag:s26] =	ssyncadd.s32 $0xFFFFC180;
	s16 =	sadd.s32 s1, s13  }
0xbf: {  	[tilespmem:s28], [sflag:$0x2] =	stream.linear.gather [hbm4b:s16+s4], $0x3E80, $0x38;
	[tilespmem:$0x13880] =	vst v63  }
0xc0: {  	s16 =	simm.s32 @!p0 $0x3  }
0xc1: {  	_ =	swait.ge @!p0 [sflag:s16], $0x3E80  }
0xc2: {  	[sflag:s16] =	ssyncset.done @!p0 $0x0  }
0xc3: {  	[sflag:s16] =	ssyncadd.s32 @!p0 $0xFFFFC180;
	s16 =	simm.s32 $0x0  }
0xc4: {  	v0 =	vld [tilespmem:s16+$0x70]  }
0xc5: {  	v1 =	vld [tilespmem:s16+$0x7D70]  }
0xc6: {  	v2 =	vld [tilespmem:s16+$0x0]  }
0xc7: {  	v3 =	vld [tilespmem:s16+$0x7D00]  }
0xc8: {  	v4 =	vld [tilespmem:s16+$0x10]  }
0xc9: {  	v5 =	vld [tilespmem:s16+$0x7D10]  }
0xca: {  	v6 =	vld [tilespmem:s16+$0x20]  }
0xcb: {  	v7 =	vld [tilespmem:s16+$0x30]  }
0xcc: {  	v0 =	vadd.f32 v1, v0;
	v1 =	vld [tilespmem:s16+$0x7D20]  }
0xcd: {  	v8 =	vld [tilespmem:s16+$0x7D30]  }
0xce: {  	v9 =	vld [tilespmem:s16+$0x7D40];
	v2 =	vadd.f32 v3, v2  }
0xcf: {  	[tilespmem:s16+$0xBBF0] =	vst v0;
	v0 =	vadd.f32 v5, v4;
	v5 =	vld [tilespmem:s16+$0x40]  }
0xd0: {  	v3 =	vld [tilespmem:s16+$0x7D50];
	[tilespmem:s16+$0xBB80] =	vst v2  }
0xd1: {  	v2 =	vld [tilespmem:s16+$0x50];
	[tilespmem:s16+$0xBB90] =	vst v0;
	v0 =	vadd.f32 v1, v6  }
0xd2: {  	v4 =	vld [tilespmem:s16+$0x7D60];
	v6 =	vadd.f32 v8, v7  }
0xd3: {  	s17 =	simm.s32 $0x80;
	[tilespmem:s16+$0xBBA0] =	vst v0;
	v0 =	vld [tilespmem:s16+$0x60]  }
0xd4: {  	s18 =	simm.s32 $0x400;
	v5 =	vadd.f32 v9, v5;
	v1 =	vld [tilespmem:s17+$0x70];
	[tilespmem:s16+$0xBBB0] =	vst v6  }
.LBB2_13:
0xd5: {  	p1 =	sne.s32 s18, $0xF800;
	v6 =	vld [tilespmem:s17+$0x7D70]  }
0xd6: {  	v7 =	vld [tilespmem:s17+$0x0];
	[tilespmem:s16+$0xBBC0] =	vst v5;
	v2 =	vadd.f32 v3, v2  }
0xd7: {  	v3 =	vld [tilespmem:s17+$0x7D00]  }
0xd8: {  	v5 =	vld [tilespmem:s17+$0x10];
	[tilespmem:s16+$0xBBD0] =	vst v2;
	v0 =	vadd.f32 v4, v0  }
0xd9: {  	v2 =	vld [tilespmem:s17+$0x7D10]  }
0xda: {  	v4 =	vld [tilespmem:s17+$0x20];
	v1 =	vadd.f32 v6, v1;
	[tilespmem:s16+$0xBBE0] =	vst v0;
	s16 =	smov.u32 s17  }
0xdb: {  	v0 =	vld [tilespmem:s16+$0x7D20]  }
0xdc: {  	v3 =	vadd.f32 v3, v7;
	v6 =	vld [tilespmem:s16+$0x30];
	[tilespmem:s16+$0xBBF0] =	vst v1  }
0xdd: {  	v1 =	vld [tilespmem:s16+$0x7D30]  }
0xde: {  	[tilespmem:s16+$0xBB80] =	vst v3;
	v2 =	vadd.f32 v2, v5;
	v5 =	vld [tilespmem:s16+$0x40]  }
0xdf: {  	v7 =	vld [tilespmem:s16+$0x7D40]  }
.Ltmp6:
0xe0: {  	[tilespmem:s16+$0xBB90] =	vst v2;
	v0 =	vadd.f32 v0, v4;
	v2 =	vld [tilespmem:s16+$0x50];
	(pc) =	sbr.rel @p1 .LBB2_13-.Ltmp6, $4  }
0xe1: {  	v3 =	vld [tilespmem:s16+$0x7D50]  }
0xe2: {  	[tilespmem:s16+$0xBBA0] =	vst v0;
	v6 =	vadd.f32 v1, v6;
	v0 =	vld [tilespmem:s16+$0x60]  }
0xe3: {  	s17 =	sshra.s32 s18, $0x2;
	v4 =	vld [tilespmem:s16+$0x7D60]  }
0xe4: {  	s18 =	sadd.s32 $0x200, s18;
	v1 =	vld [tilespmem:s17+$0x70];
	[tilespmem:s16+$0xBBB0] =	vst v6;
	v5 =	vadd.f32 v7, v5  }
0xe5: {  	v6 =	vld [tilespmem:s17+$0x7D70]  }
0xe6: {  	v7 =	vld [tilespmem:s17+$0x0];
	[tilespmem:s16+$0xBBC0] =	vst v5;
	v2 =	vadd.f32 v3, v2  }
0xe7: {  	v51 =	vld [tilespmem:s17+$0x7D00]  }
0xe8: {  	v5 =	vld [tilespmem:s17+$0x10];
	[tilespmem:s16+$0xBBD0] =	vst v2;
	v0 =	vadd.f32 v4, v0  }
0xe9: {  	v2 =	vld [tilespmem:s17+$0x7D10]  }
0xea: {  	v52 =	vld [tilespmem:s17+$0x20];
	[tilespmem:s16+$0xBBE0] =	vst v0  }
0xeb: {  	v54 =	vld [tilespmem:s17+$0x7D20]  }
0xec: {  	v55 =	vld [tilespmem:s17+$0x30]  }
0xed: {  	v56 =	vld [tilespmem:s17+$0x7D30]  }
0xee: {  	v57 =	vld [tilespmem:s17+$0x40]  }
0xef: {  	v58 =	vld [tilespmem:s17+$0x7D40]  }
0xf0: {  	v59 =	vld [tilespmem:s17+$0x50]  }
0xf1: {  	v53 =	vadd.f32 v6, v1;
	v60 =	vld [tilespmem:s17+$0x7D50]  }
0xf2: {  	v61 =	vld [tilespmem:s17+$0x60];
	v3 =	vadd.f32 v51, v7  }
0xf3: {  	v62 =	vld [tilespmem:s17+$0x7D60];
	[tilespmem:s17+$0xBBF0] =	vst v53;
	v2 =	vadd.f32 v2, v5  }
0xf4: {  	s18 =	sadd.s32 s6, s14;
	[tilespmem:s17+$0xBB80] =	vst v3;
	v1 =	vadd.f32 v54, v52  }
0xf5: {  	s16 =	smul.u32 $0x2710, s18;
	[tilespmem:s17+$0xBB90] =	vst v2;
	v0 =	vadd.f32 v56, v55  }
0xf6: {  	p1 =	sne.s32 s8, $0xB;
	v3 =	vadd.f32 v58, v57;
	[tilespmem:s17+$0xBBA0] =	vst v1  }
.Ltmp7:
0xf7: {  	s16 =	sadd.s32 s9, s16;
	v63 =	vadd.f32 v60, v59;
	[tilespmem:s17+$0xBBB0] =	vst v0;
	(pc) =	sbr.rel @p1 .LBB2_16-.Ltmp7, $4  }
0xf8: {  	s16 =	sshll.u32 s16, $0x4;
	[tilespmem:s17+$0xBBC0] =	vst v3;
	v1 =	vadd.f32 v62, v61  }
0xf9: {  	s16 =	sand.u32 $0x1FFFFFF0, s16;
	[tilespmem:s17+$0xBBD0] =	vst v63  }
0xfa: {  	s16 =	sadd.s32 s3, s16;
	[tilespmem:s17+$0xBBE0] =	vst v1  }
0xfb: {  	[hbm4b:s16+s4] =	stream.linear.scatter [tilespmem:s29], [sflag:$0x3], $0x3E80, $0x38;
	[tilespmem:$0x13880] =	vst v63  }
.Ltmp8:
0xfc: {  	(pc) =	sbr.rel .LBB2_17-.Ltmp8, $4  }
0xfd: {  	_ = 	snop  }
0xfe: {  	_ =	swait.ge [sflag:s30], $0x3E80  }
0xff: {  	[sflag:s30] =	ssyncset.done $0x0  }
0x100: {  	[sflag:s30] =	ssyncadd.s32 $0xFFFFC180  }
.LBB2_16:
0x101: {  	s14 =	sadd.s32 s14, s11  }
0x102: {  	s14 =	smul.u32 $0x2710, s14;
	_ =	sdelay $0x1  }
0x103: {  	s14 =	sadd.s32 s9, s14  }
0x104: {  	s14 =	sshll.u32 s14, $0x4  }
0x105: {  	s14 =	sand.u32 $0x1FFFFFF0, s14  }
.Ltmp9:
0x106: {  	s14 =	sadd.s32 s1, s14;
	(pc) =	sbr.rel @p0 .LBB2_18-.Ltmp9, $4  }
0x107: {  	[tilespmem:s4], [sflag:$0x1] =	stream.linear.gather [hbm4b:s14+s4], $0x3E80, $0x38;
	[tilespmem:$0x13880] =	vst v63  }
0x108: {  	_ =	swait.ge [sflag:s30], $0x3E80  }
0x109: {  	[sflag:s30] =	ssyncset.done $0x0  }
0x10a: {  	[sflag:s30] =	ssyncadd.s32 $0xFFFFC180  }
.LBB2_17:
0x10b: {  	_ =	swait.ge [sflag:s31], $0x3E80  }
0x10c: {  	[sflag:s31] =	ssyncset.done $0x0  }
0x10d: {  	[sflag:s31] =	ssyncadd.s32 $0xFFFFC180  }
.LBB2_18:
0x10e: {  	s14 =	simm.s32 $0x0  }
0x10f: {  	v0 =	vld [tilespmem:s14+$0x3EF0]  }
0x110: {  	v1 =	vld [tilespmem:s14+$0x7D70]  }
0x111: {  	v2 =	vld [tilespmem:s14+$0x3E80]  }
0x112: {  	v3 =	vld [tilespmem:s14+$0x7D00]  }
0x113: {  	v4 =	vld [tilespmem:s14+$0x3E90]  }
0x114: {  	v5 =	vld [tilespmem:s14+$0x7D10]  }
0x115: {  	v6 =	vld [tilespmem:s14+$0x3EA0]  }
0x116: {  	v7 =	vld [tilespmem:s14+$0x3EB0]  }
0x117: {  	v0 =	vadd.f32 v1, v0;
	v1 =	vld [tilespmem:s14+$0x7D20]  }
0x118: {  	v8 =	vld [tilespmem:s14+$0x7D30]  }
0x119: {  	v9 =	vld [tilespmem:s14+$0x7D40];
	v2 =	vadd.f32 v3, v2  }
0x11a: {  	[tilespmem:s14+$0xFA70] =	vst v0;
	v0 =	vadd.f32 v5, v4;
	v5 =	vld [tilespmem:s14+$0x3EC0]  }
0x11b: {  	v3 =	vld [tilespmem:s14+$0x7D50];
	[tilespmem:s14+$0xFA00] =	vst v2  }
0x11c: {  	v2 =	vld [tilespmem:s14+$0x3ED0];
	[tilespmem:s14+$0xFA10] =	vst v0;
	v0 =	vadd.f32 v1, v6  }
0x11d: {  	v4 =	vld [tilespmem:s14+$0x7D60];
	v6 =	vadd.f32 v8, v7  }
0x11e: {  	s16 =	simm.s32 $0x80;
	[tilespmem:s14+$0xFA20] =	vst v0;
	v0 =	vld [tilespmem:s14+$0x3EE0]  }
0x11f: {  	s17 =	simm.s32 $0x400;
	v5 =	vadd.f32 v9, v5;
	v1 =	vld [tilespmem:s16+$0x3EF0];
	[tilespmem:s14+$0xFA30] =	vst v6  }
.LBB2_19:
0x120: {  	p0 =	sne.s32 s17, $0xF800;
	v6 =	vld [tilespmem:s16+$0x7D70]  }
0x121: {  	v7 =	vld [tilespmem:s16+$0x3E80];
	[tilespmem:s14+$0xFA40] =	vst v5;
	v2 =	vadd.f32 v3, v2  }
0x122: {  	v3 =	vld [tilespmem:s16+$0x7D00]  }
0x123: {  	v5 =	vld [tilespmem:s16+$0x3E90];
	[tilespmem:s14+$0xFA50] =	vst v2;
	v0 =	vadd.f32 v4, v0  }
0x124: {  	v2 =	vld [tilespmem:s16+$0x7D10]  }
0x125: {  	v4 =	vld [tilespmem:s16+$0x3EA0];
	v1 =	vadd.f32 v6, v1;
	[tilespmem:s14+$0xFA60] =	vst v0;
	s14 =	smov.u32 s16  }
0x126: {  	v0 =	vld [tilespmem:s14+$0x7D20]  }
0x127: {  	v3 =	vadd.f32 v3, v7;
	v6 =	vld [tilespmem:s14+$0x3EB0];
	[tilespmem:s14+$0xFA70] =	vst v1  }
0x128: {  	v1 =	vld [tilespmem:s14+$0x7D30]  }
0x129: {  	[tilespmem:s14+$0xFA00] =	vst v3;
	v2 =	vadd.f32 v2, v5;
	v5 =	vld [tilespmem:s14+$0x3EC0]  }
0x12a: {  	v7 =	vld [tilespmem:s14+$0x7D40]  }
.Ltmp10:
0x12b: {  	[tilespmem:s14+$0xFA10] =	vst v2;
	v0 =	vadd.f32 v0, v4;
	v2 =	vld [tilespmem:s14+$0x3ED0];
	(pc) =	sbr.rel @p0 .LBB2_19-.Ltmp10, $4  }
0x12c: {  	v3 =	vld [tilespmem:s14+$0x7D50]  }
0x12d: {  	[tilespmem:s14+$0xFA20] =	vst v0;
	v6 =	vadd.f32 v1, v6;
	v0 =	vld [tilespmem:s14+$0x3EE0]  }
0x12e: {  	s16 =	sshra.s32 s17, $0x2;
	v4 =	vld [tilespmem:s14+$0x7D60]  }
0x12f: {  	s17 =	sadd.s32 $0x200, s17;
	v1 =	vld [tilespmem:s16+$0x3EF0];
	[tilespmem:s14+$0xFA30] =	vst v6;
	v5 =	vadd.f32 v7, v5  }
0x130: {  	v6 =	vld [tilespmem:s16+$0x7D70]  }
0x131: {  	v7 =	vld [tilespmem:s16+$0x3E80];
	[tilespmem:s14+$0xFA40] =	vst v5;
	v2 =	vadd.f32 v3, v2  }
0x132: {  	v51 =	vld [tilespmem:s16+$0x7D00]  }
0x133: {  	v5 =	vld [tilespmem:s16+$0x3E90];
	[tilespmem:s14+$0xFA50] =	vst v2;
	v0 =	vadd.f32 v4, v0  }
0x134: {  	v2 =	vld [tilespmem:s16+$0x7D10]  }
0x135: {  	v52 =	vld [tilespmem:s16+$0x3EA0];
	[tilespmem:s14+$0xFA60] =	vst v0  }
0x136: {  	v54 =	vld [tilespmem:s16+$0x7D20]  }
0x137: {  	v55 =	vld [tilespmem:s16+$0x3EB0]  }
0x138: {  	v56 =	vld [tilespmem:s16+$0x7D30]  }
0x139: {  	v57 =	vld [tilespmem:s16+$0x3EC0]  }
0x13a: {  	v58 =	vld [tilespmem:s16+$0x7D40]  }
0x13b: {  	v59 =	vld [tilespmem:s16+$0x3ED0]  }
0x13c: {  	v53 =	vadd.f32 v6, v1;
	v60 =	vld [tilespmem:s16+$0x7D50]  }
0x13d: {  	v61 =	vld [tilespmem:s16+$0x3EE0];
	v3 =	vadd.f32 v51, v7  }
0x13e: {  	v62 =	vld [tilespmem:s16+$0x7D60];
	[tilespmem:s16+$0xFA70] =	vst v53;
	v2 =	vadd.f32 v2, v5  }
0x13f: {  	[tilespmem:s16+$0xFA00] =	vst v3;
	v1 =	vadd.f32 v54, v52  }
0x140: {  	s8 =	sadd.s32 $0x1, s8;
	[tilespmem:s16+$0xFA10] =	vst v2;
	v0 =	vadd.f32 v56, v55  }
0x141: {  	p0 =	sne.s32 s8, $0xC;
	v3 =	vadd.f32 v58, v57;
	[tilespmem:s16+$0xFA20] =	vst v1  }
.Ltmp11:
0x142: {  	v63 =	vadd.f32 v60, v59;
	[tilespmem:s16+$0xFA30] =	vst v0;
	(pc) =	sbr.rel @p0 .LBB2_12-.Ltmp11, $4  }
0x143: {  	[tilespmem:s16+$0xFA40] =	vst v3;
	v1 =	vadd.f32 v62, v61  }
0x144: {  	[tilespmem:s16+$0xFA50] =	vst v63  }
0x145: {  	s13 =	sadd.s32 s3, s13;
	[tilespmem:s16+$0xFA60] =	vst v1  }
0x146: {  	[hbm4b:s13+s4] =	stream.linear.scatter [tilespmem:s0], [sflag:$0x4], $0x3E80, $0x38;
	[tilespmem:$0x13880] =	vst v63  }
0x147: {  	_ =	swait.ge [sflag:s2], $0x3E80  }
0x148: {  	[sflag:s2] =	ssyncset.done $0x0  }
0x149: {  	[sflag:s2] =	ssyncadd.s32 $0xFFFFC180  }
0x14a: {  	_ =	swait.ge [sflag:s31], $0x3E80  }
0x14b: {  	[sflag:s31] =	ssyncset.done $0x0  }
0x14c: {  	s8 =	simm.s32 $0x0;
	s13 =	rddreg [dreg:$0x8];
	[sflag:s31] =	ssyncadd.s32 $0xFFFFC180  }
0x14d: {  	[tilespmem:s24], [sflag:$0x5] =	stream.linear.gather [hbm4b:s13+s8], $0x3E80, $0x38;
	[tilespmem:$0x13880] =	vst v63  }
0x14e: {  	_ =	swait.ge [sflag:s25], $0x3E80  }
0x14f: {  	[sflag:s25] =	ssyncset.done $0x0  }
0x150: {  	s18 =	rddreg [dreg:$0x9];
	[sflag:s25] =	ssyncadd.s32 $0xFFFFC180  }
0x151: {  	[tilespmem:s8], [sflag:$0x1] =	stream.linear.gather [hbm4b:s18+s8], $0x3E80, $0x38;
	[tilespmem:$0x13880] =	vst v63  }
.LBB2_22:
0x152: {  	s14 =	sshll.u32 s8, $0x1  }
0x153: {  	s13 =	sadd.s32 s14, s10  }
0x154: {  	s13 =	smul.u32 $0x2710, s13;
	_ =	sdelay $0x1  }
0x155: {  	s13 =	sadd.s32 s12, s13  }
0x156: {  	_ =	swait.ge [sflag:s26], $0x3E80;
	s13 =	sshll.u32 s13, $0x4  }
0x157: {  	[sflag:s26] =	ssyncset.done $0x0;
	s13 =	sand.u32 $0x1FFFFFF0, s13  }
0x158: {  	p0 =	seq.s32 s8, $0x0;
	[sflag:s26] =	ssyncadd.s32 $0xFFFFC180;
	s16 =	sadd.s32 s1, s13  }
0x159: {  	[tilespmem:s28], [sflag:$0x2] =	stream.linear.gather [hbm4b:s16+s4], $0x3E80, $0x38;
	[tilespmem:$0x13880] =	vst v63  }
0x15a: {  	s16 =	simm.s32 @!p0 $0x3  }
0x15b: {  	_ =	swait.ge @!p0 [sflag:s16], $0x3E80  }
0x15c: {  	[sflag:s16] =	ssyncset.done @!p0 $0x0  }
0x15d: {  	[sflag:s16] =	ssyncadd.s32 @!p0 $0xFFFFC180;
	s16 =	simm.s32 $0x0  }
0x15e: {  	v0 =	vld [tilespmem:s16+$0x70]  }
0x15f: {  	v1 =	vld [tilespmem:s16+$0x7D70]  }
0x160: {  	v2 =	vld [tilespmem:s16+$0x0]  }
0x161: {  	v3 =	vld [tilespmem:s16+$0x7D00]  }
0x162: {  	v4 =	vld [tilespmem:s16+$0x10]  }
0x163: {  	v5 =	vld [tilespmem:s16+$0x7D10]  }
0x164: {  	v6 =	vld [tilespmem:s16+$0x20]  }
0x165: {  	v7 =	vld [tilespmem:s16+$0x30]  }
0x166: {  	v0 =	vadd.f32 v1, v0;
	v1 =	vld [tilespmem:s16+$0x7D20]  }
0x167: {  	v8 =	vld [tilespmem:s16+$0x7D30]  }
0x168: {  	v9 =	vld [tilespmem:s16+$0x7D40];
	v2 =	vadd.f32 v3, v2  }
0x169: {  	[tilespmem:s16+$0xBBF0] =	vst v0;
	v0 =	vadd.f32 v5, v4;
	v5 =	vld [tilespmem:s16+$0x40]  }
0x16a: {  	v3 =	vld [tilespmem:s16+$0x7D50];
	[tilespmem:s16+$0xBB80] =	vst v2  }
0x16b: {  	v2 =	vld [tilespmem:s16+$0x50];
	[tilespmem:s16+$0xBB90] =	vst v0;
	v0 =	vadd.f32 v1, v6  }
0x16c: {  	v4 =	vld [tilespmem:s16+$0x7D60];
	v6 =	vadd.f32 v8, v7  }
0x16d: {  	s17 =	simm.s32 $0x80;
	[tilespmem:s16+$0xBBA0] =	vst v0;
	v0 =	vld [tilespmem:s16+$0x60]  }
0x16e: {  	s18 =	simm.s32 $0x400;
	v5 =	vadd.f32 v9, v5;
	v1 =	vld [tilespmem:s17+$0x70];
	[tilespmem:s16+$0xBBB0] =	vst v6  }
.LBB2_23:
0x16f: {  	p1 =	sne.s32 s18, $0xF800;
	v6 =	vld [tilespmem:s17+$0x7D70]  }
0x170: {  	v7 =	vld [tilespmem:s17+$0x0];
	[tilespmem:s16+$0xBBC0] =	vst v5;
	v2 =	vadd.f32 v3, v2  }
0x171: {  	v3 =	vld [tilespmem:s17+$0x7D00]  }
0x172: {  	v5 =	vld [tilespmem:s17+$0x10];
	[tilespmem:s16+$0xBBD0] =	vst v2;
	v0 =	vadd.f32 v4, v0  }
0x173: {  	v2 =	vld [tilespmem:s17+$0x7D10]  }
0x174: {  	v4 =	vld [tilespmem:s17+$0x20];
	v1 =	vadd.f32 v6, v1;
	[tilespmem:s16+$0xBBE0] =	vst v0;
	s16 =	smov.u32 s17  }
0x175: {  	v0 =	vld [tilespmem:s16+$0x7D20]  }
0x176: {  	v3 =	vadd.f32 v3, v7;
	v6 =	vld [tilespmem:s16+$0x30];
	[tilespmem:s16+$0xBBF0] =	vst v1  }
0x177: {  	v1 =	vld [tilespmem:s16+$0x7D30]  }
0x178: {  	[tilespmem:s16+$0xBB80] =	vst v3;
	v2 =	vadd.f32 v2, v5;
	v5 =	vld [tilespmem:s16+$0x40]  }
0x179: {  	v7 =	vld [tilespmem:s16+$0x7D40]  }
.Ltmp12:
0x17a: {  	[tilespmem:s16+$0xBB90] =	vst v2;
	v0 =	vadd.f32 v0, v4;
	v2 =	vld [tilespmem:s16+$0x50];
	(pc) =	sbr.rel @p1 .LBB2_23-.Ltmp12, $4  }
0x17b: {  	v3 =	vld [tilespmem:s16+$0x7D50]  }
0x17c: {  	[tilespmem:s16+$0xBBA0] =	vst v0;
	v6 =	vadd.f32 v1, v6;
	v0 =	vld [tilespmem:s16+$0x60]  }
0x17d: {  	s17 =	sshra.s32 s18, $0x2;
	v4 =	vld [tilespmem:s16+$0x7D60]  }
0x17e: {  	s18 =	sadd.s32 $0x200, s18;
	v1 =	vld [tilespmem:s17+$0x70];
	[tilespmem:s16+$0xBBB0] =	vst v6;
	v5 =	vadd.f32 v7, v5  }
0x17f: {  	v6 =	vld [tilespmem:s17+$0x7D70]  }
0x180: {  	v7 =	vld [tilespmem:s17+$0x0];
	[tilespmem:s16+$0xBBC0] =	vst v5;
	v2 =	vadd.f32 v3, v2  }
0x181: {  	v51 =	vld [tilespmem:s17+$0x7D00]  }
0x182: {  	v5 =	vld [tilespmem:s17+$0x10];
	[tilespmem:s16+$0xBBD0] =	vst v2;
	v0 =	vadd.f32 v4, v0  }
0x183: {  	v2 =	vld [tilespmem:s17+$0x7D10]  }
0x184: {  	v52 =	vld [tilespmem:s17+$0x20];
	[tilespmem:s16+$0xBBE0] =	vst v0  }
0x185: {  	v54 =	vld [tilespmem:s17+$0x7D20]  }
0x186: {  	v55 =	vld [tilespmem:s17+$0x30]  }
0x187: {  	v56 =	vld [tilespmem:s17+$0x7D30]  }
0x188: {  	v57 =	vld [tilespmem:s17+$0x40]  }
0x189: {  	v58 =	vld [tilespmem:s17+$0x7D40]  }
0x18a: {  	v59 =	vld [tilespmem:s17+$0x50]  }
0x18b: {  	v53 =	vadd.f32 v6, v1;
	v60 =	vld [tilespmem:s17+$0x7D50]  }
0x18c: {  	v61 =	vld [tilespmem:s17+$0x60];
	v3 =	vadd.f32 v51, v7  }
0x18d: {  	v62 =	vld [tilespmem:s17+$0x7D60];
	[tilespmem:s17+$0xBBF0] =	vst v53;
	v2 =	vadd.f32 v2, v5  }
0x18e: {  	s18 =	sadd.s32 s6, s14;
	[tilespmem:s17+$0xBB80] =	vst v3;
	v1 =	vadd.f32 v54, v52  }
0x18f: {  	s16 =	smul.u32 $0x2710, s18;
	[tilespmem:s17+$0xBB90] =	vst v2;
	v0 =	vadd.f32 v56, v55  }
0x190: {  	p1 =	sne.s32 s8, $0xB;
	v3 =	vadd.f32 v58, v57;
	[tilespmem:s17+$0xBBA0] =	vst v1  }
.Ltmp13:
0x191: {  	s16 =	sadd.s32 s12, s16;
	v63 =	vadd.f32 v60, v59;
	[tilespmem:s17+$0xBBB0] =	vst v0;
	(pc) =	sbr.rel @p1 .LBB2_26-.Ltmp13, $4  }
0x192: {  	s16 =	sshll.u32 s16, $0x4;
	[tilespmem:s17+$0xBBC0] =	vst v3;
	v1 =	vadd.f32 v62, v61  }
0x193: {  	s16 =	sand.u32 $0x1FFFFFF0, s16;
	[tilespmem:s17+$0xBBD0] =	vst v63  }
0x194: {  	s16 =	sadd.s32 s3, s16;
	[tilespmem:s17+$0xBBE0] =	vst v1  }
0x195: {  	[hbm4b:s16+s4] =	stream.linear.scatter [tilespmem:s29], [sflag:$0x3], $0x3E80, $0x38;
	[tilespmem:$0x13880] =	vst v63  }
.Ltmp14:
0x196: {  	(pc) =	sbr.rel .LBB2_27-.Ltmp14, $4  }
0x197: {  	_ = 	snop  }
0x198: {  	_ =	swait.ge [sflag:s30], $0x3E80  }
0x199: {  	[sflag:s30] =	ssyncset.done $0x0  }
0x19a: {  	[sflag:s30] =	ssyncadd.s32 $0xFFFFC180  }
.LBB2_26:
0x19b: {  	s14 =	sadd.s32 s14, s11  }
0x19c: {  	s14 =	smul.u32 $0x2710, s14;
	_ =	sdelay $0x1  }
0x19d: {  	s14 =	sadd.s32 s12, s14  }
0x19e: {  	s14 =	sshll.u32 s14, $0x4  }
0x19f: {  	s14 =	sand.u32 $0x1FFFFFF0, s14  }
.Ltmp15:
0x1a0: {  	s14 =	sadd.s32 s1, s14;
	(pc) =	sbr.rel @p0 .LBB2_28-.Ltmp15, $4  }
0x1a1: {  	[tilespmem:s4], [sflag:$0x1] =	stream.linear.gather [hbm4b:s14+s4], $0x3E80, $0x38;
	[tilespmem:$0x13880] =	vst v63  }
0x1a2: {  	_ =	swait.ge [sflag:s30], $0x3E80  }
0x1a3: {  	[sflag:s30] =	ssyncset.done $0x0  }
0x1a4: {  	[sflag:s30] =	ssyncadd.s32 $0xFFFFC180  }
.LBB2_27:
0x1a5: {  	_ =	swait.ge [sflag:s31], $0x3E80  }
0x1a6: {  	[sflag:s31] =	ssyncset.done $0x0  }
0x1a7: {  	[sflag:s31] =	ssyncadd.s32 $0xFFFFC180  }
.LBB2_28:
0x1a8: {  	s14 =	simm.s32 $0x0  }
0x1a9: {  	v0 =	vld [tilespmem:s14+$0x3EF0]  }
0x1aa: {  	v1 =	vld [tilespmem:s14+$0x7D70]  }
0x1ab: {  	v2 =	vld [tilespmem:s14+$0x3E80]  }
0x1ac: {  	v3 =	vld [tilespmem:s14+$0x7D00]  }
0x1ad: {  	v4 =	vld [tilespmem:s14+$0x3E90]  }
0x1ae: {  	v5 =	vld [tilespmem:s14+$0x7D10]  }
0x1af: {  	v6 =	vld [tilespmem:s14+$0x3EA0]  }
0x1b0: {  	v7 =	vld [tilespmem:s14+$0x3EB0]  }
0x1b1: {  	v0 =	vadd.f32 v1, v0;
	v1 =	vld [tilespmem:s14+$0x7D20]  }
0x1b2: {  	v8 =	vld [tilespmem:s14+$0x7D30]  }
0x1b3: {  	v9 =	vld [tilespmem:s14+$0x7D40];
	v2 =	vadd.f32 v3, v2  }
0x1b4: {  	[tilespmem:s14+$0xFA70] =	vst v0;
	v0 =	vadd.f32 v5, v4;
	v5 =	vld [tilespmem:s14+$0x3EC0]  }
0x1b5: {  	v3 =	vld [tilespmem:s14+$0x7D50];
	[tilespmem:s14+$0xFA00] =	vst v2  }
0x1b6: {  	v2 =	vld [tilespmem:s14+$0x3ED0];
	[tilespmem:s14+$0xFA10] =	vst v0;
	v0 =	vadd.f32 v1, v6  }
0x1b7: {  	v4 =	vld [tilespmem:s14+$0x7D60];
	v6 =	vadd.f32 v8, v7  }
0x1b8: {  	s16 =	simm.s32 $0x80;
	[tilespmem:s14+$0xFA20] =	vst v0;
	v0 =	vld [tilespmem:s14+$0x3EE0]  }
0x1b9: {  	s17 =	simm.s32 $0x400;
	v5 =	vadd.f32 v9, v5;
	v1 =	vld [tilespmem:s16+$0x3EF0];
	[tilespmem:s14+$0xFA30] =	vst v6  }
.LBB2_29:
0x1ba: {  	p0 =	sne.s32 s17, $0xF800;
	v6 =	vld [tilespmem:s16+$0x7D70]  }
0x1bb: {  	v7 =	vld [tilespmem:s16+$0x3E80];
	[tilespmem:s14+$0xFA40] =	vst v5;
	v2 =	vadd.f32 v3, v2  }
0x1bc: {  	v3 =	vld [tilespmem:s16+$0x7D00]  }
0x1bd: {  	v5 =	vld [tilespmem:s16+$0x3E90];
	[tilespmem:s14+$0xFA50] =	vst v2;
	v0 =	vadd.f32 v4, v0  }
0x1be: {  	v2 =	vld [tilespmem:s16+$0x7D10]  }
0x1bf: {  	v4 =	vld [tilespmem:s16+$0x3EA0];
	v1 =	vadd.f32 v6, v1;
	[tilespmem:s14+$0xFA60] =	vst v0;
	s14 =	smov.u32 s16  }
0x1c0: {  	v0 =	vld [tilespmem:s14+$0x7D20]  }
0x1c1: {  	v3 =	vadd.f32 v3, v7;
	v6 =	vld [tilespmem:s14+$0x3EB0];
	[tilespmem:s14+$0xFA70] =	vst v1  }
0x1c2: {  	v1 =	vld [tilespmem:s14+$0x7D30]  }
0x1c3: {  	[tilespmem:s14+$0xFA00] =	vst v3;
	v2 =	vadd.f32 v2, v5;
	v5 =	vld [tilespmem:s14+$0x3EC0]  }
0x1c4: {  	v7 =	vld [tilespmem:s14+$0x7D40]  }
.Ltmp16:
0x1c5: {  	[tilespmem:s14+$0xFA10] =	vst v2;
	v0 =	vadd.f32 v0, v4;
	v2 =	vld [tilespmem:s14+$0x3ED0];
	(pc) =	sbr.rel @p0 .LBB2_29-.Ltmp16, $4  }
0x1c6: {  	v3 =	vld [tilespmem:s14+$0x7D50]  }
0x1c7: {  	[tilespmem:s14+$0xFA20] =	vst v0;
	v6 =	vadd.f32 v1, v6;
	v0 =	vld [tilespmem:s14+$0x3EE0]  }
0x1c8: {  	s16 =	sshra.s32 s17, $0x2;
	v4 =	vld [tilespmem:s14+$0x7D60]  }
0x1c9: {  	s17 =	sadd.s32 $0x200, s17;
	v1 =	vld [tilespmem:s16+$0x3EF0];
	[tilespmem:s14+$0xFA30] =	vst v6;
	v5 =	vadd.f32 v7, v5  }
0x1ca: {  	v6 =	vld [tilespmem:s16+$0x7D70]  }
0x1cb: {  	v7 =	vld [tilespmem:s16+$0x3E80];
	[tilespmem:s14+$0xFA40] =	vst v5;
	v2 =	vadd.f32 v3, v2  }
0x1cc: {  	v51 =	vld [tilespmem:s16+$0x7D00]  }
0x1cd: {  	v5 =	vld [tilespmem:s16+$0x3E90];
	[tilespmem:s14+$0xFA50] =	vst v2;
	v0 =	vadd.f32 v4, v0  }
0x1ce: {  	v2 =	vld [tilespmem:s16+$0x7D10]  }
0x1cf: {  	v52 =	vld [tilespmem:s16+$0x3EA0];
	[tilespmem:s14+$0xFA60] =	vst v0  }
0x1d0: {  	v54 =	vld [tilespmem:s16+$0x7D20]  }
0x1d1: {  	v55 =	vld [tilespmem:s16+$0x3EB0]  }
0x1d2: {  	v56 =	vld [tilespmem:s16+$0x7D30]  }
0x1d3: {  	v57 =	vld [tilespmem:s16+$0x3EC0]  }
0x1d4: {  	v58 =	vld [tilespmem:s16+$0x7D40]  }
0x1d5: {  	v59 =	vld [tilespmem:s16+$0x3ED0]  }
0x1d6: {  	v53 =	vadd.f32 v6, v1;
	v60 =	vld [tilespmem:s16+$0x7D50]  }
0x1d7: {  	v61 =	vld [tilespmem:s16+$0x3EE0];
	v3 =	vadd.f32 v51, v7  }
0x1d8: {  	v62 =	vld [tilespmem:s16+$0x7D60];
	[tilespmem:s16+$0xFA70] =	vst v53;
	v2 =	vadd.f32 v2, v5  }
0x1d9: {  	[tilespmem:s16+$0xFA00] =	vst v3;
	v1 =	vadd.f32 v54, v52  }
0x1da: {  	s8 =	sadd.s32 $0x1, s8;
	[tilespmem:s16+$0xFA10] =	vst v2;
	v0 =	vadd.f32 v56, v55  }
0x1db: {  	p0 =	sne.s32 s8, $0xC;
	v3 =	vadd.f32 v58, v57;
	[tilespmem:s16+$0xFA20] =	vst v1  }
.Ltmp17:
0x1dc: {  	v63 =	vadd.f32 v60, v59;
	[tilespmem:s16+$0xFA30] =	vst v0;
	(pc) =	sbr.rel @p0 .LBB2_22-.Ltmp17, $4  }
0x1dd: {  	[tilespmem:s16+$0xFA40] =	vst v3;
	v1 =	vadd.f32 v62, v61  }
0x1de: {  	[tilespmem:s16+$0xFA50] =	vst v63  }
0x1df: {  	s13 =	sadd.s32 s3, s13;
	[tilespmem:s16+$0xFA60] =	vst v1  }
0x1e0: {  	[hbm4b:s13+s4] =	stream.linear.scatter [tilespmem:s0], [sflag:$0x4], $0x3E80, $0x38;
	[tilespmem:$0x13880] =	vst v63  }
0x1e1: {  	_ =	swait.ge [sflag:s2], $0x3E80  }
0x1e2: {  	[sflag:s2] =	ssyncset.done $0x0  }
0x1e3: {  	[sflag:s2] =	ssyncadd.s32 $0xFFFFC180  }
0x1e4: {  	_ =	swait.ge [sflag:s31], $0x3E80  }
0x1e5: {  	[sflag:s31] =	ssyncset.done $0x0  }
0x1e6: {  	s8 =	simm.s32 $0x0;
	s13 =	rddreg [dreg:$0xa];
	[sflag:s31] =	ssyncadd.s32 $0xFFFFC180  }
0x1e7: {  	[tilespmem:s24], [sflag:$0x5] =	stream.linear.gather [hbm4b:s13+s8], $0x3E80, $0x38;
	[tilespmem:$0x13880] =	vst v63  }
0x1e8: {  	_ =	swait.ge [sflag:s25], $0x3E80  }
0x1e9: {  	[sflag:s25] =	ssyncset.done $0x0  }
0x1ea: {  	[sflag:s25] =	ssyncadd.s32 $0xFFFFC180  }
0x1eb: {  	[tilespmem:s8], [sflag:$0x1] =	stream.linear.gather [hbm4b:s20+s8], $0x3E80, $0x38;
	[tilespmem:$0x13880] =	vst v63  }
.LBB2_32:
0x1ec: {  	s14 =	sshll.u32 s8, $0x1  }
0x1ed: {  	s13 =	sadd.s32 s14, s10  }
0x1ee: {  	s13 =	smul.u32 $0x2710, s13;
	_ =	sdelay $0x1  }
0x1ef: {  	s13 =	sadd.s32 s15, s13  }
0x1f0: {  	_ =	swait.ge [sflag:s26], $0x3E80;
	s13 =	sshll.u32 s13, $0x4  }
0x1f1: {  	[sflag:s26] =	ssyncset.done $0x0;
	s13 =	sand.u32 $0x1FFFFFF0, s13  }
0x1f2: {  	p0 =	seq.s32 s8, $0x0;
	[sflag:s26] =	ssyncadd.s32 $0xFFFFC180;
	s16 =	sadd.s32 s1, s13  }
0x1f3: {  	[tilespmem:s28], [sflag:$0x2] =	stream.linear.gather [hbm4b:s16+s4], $0x3E80, $0x38;
	[tilespmem:$0x13880] =	vst v63  }
0x1f4: {  	s16 =	simm.s32 @!p0 $0x3  }
0x1f5: {  	_ =	swait.ge @!p0 [sflag:s16], $0x3E80  }
0x1f6: {  	[sflag:s16] =	ssyncset.done @!p0 $0x0  }
0x1f7: {  	[sflag:s16] =	ssyncadd.s32 @!p0 $0xFFFFC180;
	s16 =	simm.s32 $0x0  }
0x1f8: {  	v0 =	vld [tilespmem:s16+$0x70]  }
0x1f9: {  	v1 =	vld [tilespmem:s16+$0x7D70]  }
0x1fa: {  	v2 =	vld [tilespmem:s16+$0x0]  }
0x1fb: {  	v3 =	vld [tilespmem:s16+$0x7D00]  }
0x1fc: {  	v4 =	vld [tilespmem:s16+$0x10]  }
0x1fd: {  	v5 =	vld [tilespmem:s16+$0x7D10]  }
0x1fe: {  	v6 =	vld [tilespmem:s16+$0x20]  }
0x1ff: {  	v7 =	vld [tilespmem:s16+$0x30]  }
0x200: {  	v0 =	vadd.f32 v1, v0;
	v1 =	vld [tilespmem:s16+$0x7D20]  }
0x201: {  	v8 =	vld [tilespmem:s16+$0x7D30]  }
0x202: {  	v9 =	vld [tilespmem:s16+$0x7D40];
	v2 =	vadd.f32 v3, v2  }
0x203: {  	[tilespmem:s16+$0xBBF0] =	vst v0;
	v0 =	vadd.f32 v5, v4;
	v5 =	vld [tilespmem:s16+$0x40]  }
0x204: {  	v3 =	vld [tilespmem:s16+$0x7D50];
	[tilespmem:s16+$0xBB80] =	vst v2  }
0x205: {  	v2 =	vld [tilespmem:s16+$0x50];
	[tilespmem:s16+$0xBB90] =	vst v0;
	v0 =	vadd.f32 v1, v6  }
0x206: {  	v4 =	vld [tilespmem:s16+$0x7D60];
	v6 =	vadd.f32 v8, v7  }
0x207: {  	s17 =	simm.s32 $0x80;
	[tilespmem:s16+$0xBBA0] =	vst v0;
	v0 =	vld [tilespmem:s16+$0x60]  }
0x208: {  	s18 =	simm.s32 $0x400;
	v5 =	vadd.f32 v9, v5;
	v1 =	vld [tilespmem:s17+$0x70];
	[tilespmem:s16+$0xBBB0] =	vst v6  }
.LBB2_33:
0x209: {  	p1 =	sne.s32 s18, $0xF800;
	v6 =	vld [tilespmem:s17+$0x7D70]  }
0x20a: {  	v7 =	vld [tilespmem:s17+$0x0];
	[tilespmem:s16+$0xBBC0] =	vst v5;
	v2 =	vadd.f32 v3, v2  }
0x20b: {  	v3 =	vld [tilespmem:s17+$0x7D00]  }
0x20c: {  	v5 =	vld [tilespmem:s17+$0x10];
	[tilespmem:s16+$0xBBD0] =	vst v2;
	v0 =	vadd.f32 v4, v0  }
0x20d: {  	v2 =	vld [tilespmem:s17+$0x7D10]  }
0x20e: {  	v4 =	vld [tilespmem:s17+$0x20];
	v1 =	vadd.f32 v6, v1;
	[tilespmem:s16+$0xBBE0] =	vst v0;
	s16 =	smov.u32 s17  }
0x20f: {  	v0 =	vld [tilespmem:s16+$0x7D20]  }
0x210: {  	v3 =	vadd.f32 v3, v7;
	v6 =	vld [tilespmem:s16+$0x30];
	[tilespmem:s16+$0xBBF0] =	vst v1  }
0x211: {  	v1 =	vld [tilespmem:s16+$0x7D30]  }
0x212: {  	[tilespmem:s16+$0xBB80] =	vst v3;
	v2 =	vadd.f32 v2, v5;
	v5 =	vld [tilespmem:s16+$0x40]  }
0x213: {  	v7 =	vld [tilespmem:s16+$0x7D40]  }
.Ltmp18:
0x214: {  	[tilespmem:s16+$0xBB90] =	vst v2;
	v0 =	vadd.f32 v0, v4;
	v2 =	vld [tilespmem:s16+$0x50];
	(pc) =	sbr.rel @p1 .LBB2_33-.Ltmp18, $4  }
0x215: {  	v3 =	vld [tilespmem:s16+$0x7D50]  }
0x216: {  	[tilespmem:s16+$0xBBA0] =	vst v0;
	v6 =	vadd.f32 v1, v6;
	v0 =	vld [tilespmem:s16+$0x60]  }
0x217: {  	s17 =	sshra.s32 s18, $0x2;
	v4 =	vld [tilespmem:s16+$0x7D60]  }
0x218: {  	s18 =	sadd.s32 $0x200, s18;
	v1 =	vld [tilespmem:s17+$0x70];
	[tilespmem:s16+$0xBBB0] =	vst v6;
	v5 =	vadd.f32 v7, v5  }
0x219: {  	v6 =	vld [tilespmem:s17+$0x7D70]  }
0x21a: {  	v7 =	vld [tilespmem:s17+$0x0];
	[tilespmem:s16+$0xBBC0] =	vst v5;
	v2 =	vadd.f32 v3, v2  }
0x21b: {  	v51 =	vld [tilespmem:s17+$0x7D00]  }
0x21c: {  	v5 =	vld [tilespmem:s17+$0x10];
	[tilespmem:s16+$0xBBD0] =	vst v2;
	v0 =	vadd.f32 v4, v0  }
0x21d: {  	v2 =	vld [tilespmem:s17+$0x7D10]  }
0x21e: {  	v52 =	vld [tilespmem:s17+$0x20];
	[tilespmem:s16+$0xBBE0] =	vst v0  }
0x21f: {  	v54 =	vld [tilespmem:s17+$0x7D20]  }
0x220: {  	v55 =	vld [tilespmem:s17+$0x30]  }
0x221: {  	v56 =	vld [tilespmem:s17+$0x7D30]  }
0x222: {  	v57 =	vld [tilespmem:s17+$0x40]  }
0x223: {  	v58 =	vld [tilespmem:s17+$0x7D40]  }
0x224: {  	v59 =	vld [tilespmem:s17+$0x50]  }
0x225: {  	v53 =	vadd.f32 v6, v1;
	v60 =	vld [tilespmem:s17+$0x7D50]  }
0x226: {  	v61 =	vld [tilespmem:s17+$0x60];
	v3 =	vadd.f32 v51, v7  }
0x227: {  	v62 =	vld [tilespmem:s17+$0x7D60];
	[tilespmem:s17+$0xBBF0] =	vst v53;
	v2 =	vadd.f32 v2, v5  }
0x228: {  	s18 =	sadd.s32 s6, s14;
	[tilespmem:s17+$0xBB80] =	vst v3;
	v1 =	vadd.f32 v54, v52  }
0x229: {  	s16 =	smul.u32 $0x2710, s18;
	[tilespmem:s17+$0xBB90] =	vst v2;
	v0 =	vadd.f32 v56, v55  }
0x22a: {  	p1 =	sne.s32 s8, $0xB;
	v3 =	vadd.f32 v58, v57;
	[tilespmem:s17+$0xBBA0] =	vst v1  }
.Ltmp19:
0x22b: {  	s16 =	sadd.s32 s15, s16;
	v63 =	vadd.f32 v60, v59;
	[tilespmem:s17+$0xBBB0] =	vst v0;
	(pc) =	sbr.rel @p1 .LBB2_36-.Ltmp19, $4  }
0x22c: {  	s16 =	sshll.u32 s16, $0x4;
	[tilespmem:s17+$0xBBC0] =	vst v3;
	v1 =	vadd.f32 v62, v61  }
0x22d: {  	s16 =	sand.u32 $0x1FFFFFF0, s16;
	[tilespmem:s17+$0xBBD0] =	vst v63  }
0x22e: {  	s16 =	sadd.s32 s3, s16;
	[tilespmem:s17+$0xBBE0] =	vst v1  }
0x22f: {  	[hbm4b:s16+s4] =	stream.linear.scatter [tilespmem:s29], [sflag:$0x3], $0x3E80, $0x38;
	[tilespmem:$0x13880] =	vst v63  }
.Ltmp20:
0x230: {  	(pc) =	sbr.rel .LBB2_37-.Ltmp20, $4  }
0x231: {  	_ = 	snop  }
0x232: {  	_ =	swait.ge [sflag:s30], $0x3E80  }
0x233: {  	[sflag:s30] =	ssyncset.done $0x0  }
0x234: {  	[sflag:s30] =	ssyncadd.s32 $0xFFFFC180  }
.LBB2_36:
0x235: {  	s14 =	sadd.s32 s14, s11  }
0x236: {  	s14 =	smul.u32 $0x2710, s14;
	_ =	sdelay $0x1  }
0x237: {  	s14 =	sadd.s32 s15, s14  }
0x238: {  	s14 =	sshll.u32 s14, $0x4  }
0x239: {  	s14 =	sand.u32 $0x1FFFFFF0, s14  }
.Ltmp21:
0x23a: {  	s14 =	sadd.s32 s1, s14;
	(pc) =	sbr.rel @p0 .LBB2_38-.Ltmp21, $4  }
0x23b: {  	[tilespmem:s4], [sflag:$0x1] =	stream.linear.gather [hbm4b:s14+s4], $0x3E80, $0x38;
	[tilespmem:$0x13880] =	vst v63  }
0x23c: {  	_ =	swait.ge [sflag:s30], $0x3E80  }
0x23d: {  	[sflag:s30] =	ssyncset.done $0x0  }
0x23e: {  	[sflag:s30] =	ssyncadd.s32 $0xFFFFC180  }
.LBB2_37:
0x23f: {  	_ =	swait.ge [sflag:s31], $0x3E80  }
0x240: {  	[sflag:s31] =	ssyncset.done $0x0  }
0x241: {  	[sflag:s31] =	ssyncadd.s32 $0xFFFFC180  }
.LBB2_38:
0x242: {  	s14 =	simm.s32 $0x0  }
0x243: {  	v0 =	vld [tilespmem:s14+$0x3EF0]  }
0x244: {  	v1 =	vld [tilespmem:s14+$0x7D70]  }
0x245: {  	v2 =	vld [tilespmem:s14+$0x3E80]  }
0x246: {  	v3 =	vld [tilespmem:s14+$0x7D00]  }
0x247: {  	v4 =	vld [tilespmem:s14+$0x3E90]  }
0x248: {  	v5 =	vld [tilespmem:s14+$0x7D10]  }
0x249: {  	v6 =	vld [tilespmem:s14+$0x3EA0]  }
0x24a: {  	v7 =	vld [tilespmem:s14+$0x3EB0]  }
0x24b: {  	v0 =	vadd.f32 v1, v0;
	v1 =	vld [tilespmem:s14+$0x7D20]  }
0x24c: {  	v8 =	vld [tilespmem:s14+$0x7D30]  }
0x24d: {  	v9 =	vld [tilespmem:s14+$0x7D40];
	v2 =	vadd.f32 v3, v2  }
0x24e: {  	[tilespmem:s14+$0xFA70] =	vst v0;
	v0 =	vadd.f32 v5, v4;
	v5 =	vld [tilespmem:s14+$0x3EC0]  }
0x24f: {  	v3 =	vld [tilespmem:s14+$0x7D50];
	[tilespmem:s14+$0xFA00] =	vst v2  }
0x250: {  	v2 =	vld [tilespmem:s14+$0x3ED0];
	[tilespmem:s14+$0xFA10] =	vst v0;
	v0 =	vadd.f32 v1, v6  }
0x251: {  	v4 =	vld [tilespmem:s14+$0x7D60];
	v6 =	vadd.f32 v8, v7  }
0x252: {  	s16 =	simm.s32 $0x80;
	[tilespmem:s14+$0xFA20] =	vst v0;
	v0 =	vld [tilespmem:s14+$0x3EE0]  }
0x253: {  	s17 =	simm.s32 $0x400;
	v5 =	vadd.f32 v9, v5;
	v1 =	vld [tilespmem:s16+$0x3EF0];
	[tilespmem:s14+$0xFA30] =	vst v6  }
.LBB2_39:
0x254: {  	p0 =	sne.s32 s17, $0xF800;
	v6 =	vld [tilespmem:s16+$0x7D70]  }
0x255: {  	v7 =	vld [tilespmem:s16+$0x3E80];
	[tilespmem:s14+$0xFA40] =	vst v5;
	v2 =	vadd.f32 v3, v2  }
0x256: {  	v3 =	vld [tilespmem:s16+$0x7D00]  }
0x257: {  	v5 =	vld [tilespmem:s16+$0x3E90];
	[tilespmem:s14+$0xFA50] =	vst v2;
	v0 =	vadd.f32 v4, v0  }
0x258: {  	v2 =	vld [tilespmem:s16+$0x7D10]  }
0x259: {  	v4 =	vld [tilespmem:s16+$0x3EA0];
	v1 =	vadd.f32 v6, v1;
	[tilespmem:s14+$0xFA60] =	vst v0;
	s14 =	smov.u32 s16  }
0x25a: {  	v0 =	vld [tilespmem:s14+$0x7D20]  }
0x25b: {  	v3 =	vadd.f32 v3, v7;
	v6 =	vld [tilespmem:s14+$0x3EB0];
	[tilespmem:s14+$0xFA70] =	vst v1  }
0x25c: {  	v1 =	vld [tilespmem:s14+$0x7D30]  }
0x25d: {  	[tilespmem:s14+$0xFA00] =	vst v3;
	v2 =	vadd.f32 v2, v5;
	v5 =	vld [tilespmem:s14+$0x3EC0]  }
0x25e: {  	v7 =	vld [tilespmem:s14+$0x7D40]  }
.Ltmp22:
0x25f: {  	[tilespmem:s14+$0xFA10] =	vst v2;
	v0 =	vadd.f32 v0, v4;
	v2 =	vld [tilespmem:s14+$0x3ED0];
	(pc) =	sbr.rel @p0 .LBB2_39-.Ltmp22, $4  }
0x260: {  	v3 =	vld [tilespmem:s14+$0x7D50]  }
0x261: {  	[tilespmem:s14+$0xFA20] =	vst v0;
	v6 =	vadd.f32 v1, v6;
	v0 =	vld [tilespmem:s14+$0x3EE0]  }
0x262: {  	s16 =	sshra.s32 s17, $0x2;
	v4 =	vld [tilespmem:s14+$0x7D60]  }
0x263: {  	s17 =	sadd.s32 $0x200, s17;
	v1 =	vld [tilespmem:s16+$0x3EF0];
	[tilespmem:s14+$0xFA30] =	vst v6;
	v5 =	vadd.f32 v7, v5  }
0x264: {  	v6 =	vld [tilespmem:s16+$0x7D70]  }
0x265: {  	v7 =	vld [tilespmem:s16+$0x3E80];
	[tilespmem:s14+$0xFA40] =	vst v5;
	v2 =	vadd.f32 v3, v2  }
0x266: {  	v51 =	vld [tilespmem:s16+$0x7D00]  }
0x267: {  	v5 =	vld [tilespmem:s16+$0x3E90];
	[tilespmem:s14+$0xFA50] =	vst v2;
	v0 =	vadd.f32 v4, v0  }
0x268: {  	v2 =	vld [tilespmem:s16+$0x7D10]  }
0x269: {  	v52 =	vld [tilespmem:s16+$0x3EA0];
	[tilespmem:s14+$0xFA60] =	vst v0  }
0x26a: {  	v54 =	vld [tilespmem:s16+$0x7D20]  }
0x26b: {  	v55 =	vld [tilespmem:s16+$0x3EB0]  }
0x26c: {  	v56 =	vld [tilespmem:s16+$0x7D30]  }
0x26d: {  	v57 =	vld [tilespmem:s16+$0x3EC0]  }
0x26e: {  	v58 =	vld [tilespmem:s16+$0x7D40]  }
0x26f: {  	v59 =	vld [tilespmem:s16+$0x3ED0]  }
0x270: {  	v53 =	vadd.f32 v6, v1;
	v60 =	vld [tilespmem:s16+$0x7D50]  }
0x271: {  	v61 =	vld [tilespmem:s16+$0x3EE0];
	v3 =	vadd.f32 v51, v7  }
0x272: {  	v62 =	vld [tilespmem:s16+$0x7D60];
	[tilespmem:s16+$0xFA70] =	vst v53;
	v2 =	vadd.f32 v2, v5  }
0x273: {  	[tilespmem:s16+$0xFA00] =	vst v3;
	v1 =	vadd.f32 v54, v52  }
0x274: {  	s8 =	sadd.s32 $0x1, s8;
	[tilespmem:s16+$0xFA10] =	vst v2;
	v0 =	vadd.f32 v56, v55  }
0x275: {  	p0 =	sne.s32 s8, $0xC;
	v3 =	vadd.f32 v58, v57;
	[tilespmem:s16+$0xFA20] =	vst v1  }
.Ltmp23:
0x276: {  	v63 =	vadd.f32 v60, v59;
	[tilespmem:s16+$0xFA30] =	vst v0;
	(pc) =	sbr.rel @p0 .LBB2_32-.Ltmp23, $4  }
0x277: {  	[tilespmem:s16+$0xFA40] =	vst v3;
	v1 =	vadd.f32 v62, v61  }
0x278: {  	[tilespmem:s16+$0xFA50] =	vst v63  }
0x279: {  	s13 =	sadd.s32 s3, s13;
	[tilespmem:s16+$0xFA60] =	vst v1  }
0x27a: {  	[hbm4b:s13+s4] =	stream.linear.scatter [tilespmem:s0], [sflag:$0x4], $0x3E80, $0x38;
	[tilespmem:$0x13880] =	vst v63  }
0x27b: {  	_ =	swait.ge [sflag:s2], $0x3E80  }
0x27c: {  	[sflag:s2] =	ssyncset.done $0x0  }
0x27d: {  	[sflag:s2] =	ssyncadd.s32 $0xFFFFC180  }
0x27e: {  	_ =	swait.ge [sflag:s31], $0x3E80  }
0x27f: {  	[sflag:s31] =	ssyncset.done $0x0  }
0x280: {  	s8 =	simm.s32 $0x0;
	[sflag:s31] =	ssyncadd.s32 $0xFFFFC180  }
0x281: {  	[tilespmem:s24], [sflag:$0x5] =	stream.linear.gather [hbm4b:s21+s8], $0x3E80, $0x38;
	[tilespmem:$0x13880] =	vst v63  }
0x282: {  	_ =	swait.ge [sflag:s25], $0x3E80  }
0x283: {  	[sflag:s25] =	ssyncset.done $0x0  }
0x284: {  	[sflag:s25] =	ssyncadd.s32 $0xFFFFC180  }
0x285: {  	[tilespmem:s8], [sflag:$0x1] =	stream.linear.gather [hbm4b:s22+s8], $0x3E80, $0x38;
	[tilespmem:$0x13880] =	vst v63  }
.LBB2_42:
0x286: {  	s14 =	sshll.u32 s8, $0x1  }
0x287: {  	s13 =	sadd.s32 s14, s10  }
0x288: {  	s13 =	smul.u32 $0x2710, s13;
	_ =	sdelay $0x1  }
0x289: {  	s13 =	sadd.s32 s19, s13  }
0x28a: {  	_ =	swait.ge [sflag:s26], $0x3E80;
	s13 =	sshll.u32 s13, $0x4  }
0x28b: {  	[sflag:s26] =	ssyncset.done $0x0;
	s13 =	sand.u32 $0x1FFFFFF0, s13  }
0x28c: {  	p0 =	seq.s32 s8, $0x0;
	[sflag:s26] =	ssyncadd.s32 $0xFFFFC180;
	s16 =	sadd.s32 s1, s13  }
0x28d: {  	[tilespmem:s28], [sflag:$0x2] =	stream.linear.gather [hbm4b:s16+s4], $0x3E80, $0x38;
	[tilespmem:$0x13880] =	vst v63  }
0x28e: {  	s16 =	simm.s32 @!p0 $0x3  }
0x28f: {  	_ =	swait.ge @!p0 [sflag:s16], $0x3E80  }
0x290: {  	[sflag:s16] =	ssyncset.done @!p0 $0x0  }
0x291: {  	[sflag:s16] =	ssyncadd.s32 @!p0 $0xFFFFC180;
	s16 =	simm.s32 $0x0  }
0x292: {  	v0 =	vld [tilespmem:s16+$0x70]  }
0x293: {  	v1 =	vld [tilespmem:s16+$0x7D70]  }
0x294: {  	v2 =	vld [tilespmem:s16+$0x0]  }
0x295: {  	v3 =	vld [tilespmem:s16+$0x7D00]  }
0x296: {  	v4 =	vld [tilespmem:s16+$0x10]  }
0x297: {  	v5 =	vld [tilespmem:s16+$0x7D10]  }
0x298: {  	v6 =	vld [tilespmem:s16+$0x20]  }
0x299: {  	v7 =	vld [tilespmem:s16+$0x30]  }
0x29a: {  	v0 =	vadd.f32 v1, v0;
	v1 =	vld [tilespmem:s16+$0x7D20]  }
0x29b: {  	v8 =	vld [tilespmem:s16+$0x7D30]  }
0x29c: {  	v9 =	vld [tilespmem:s16+$0x7D40];
	v2 =	vadd.f32 v3, v2  }
0x29d: {  	[tilespmem:s16+$0xBBF0] =	vst v0;
	v0 =	vadd.f32 v5, v4;
	v5 =	vld [tilespmem:s16+$0x40]  }
0x29e: {  	v3 =	vld [tilespmem:s16+$0x7D50];
	[tilespmem:s16+$0xBB80] =	vst v2  }
0x29f: {  	v2 =	vld [tilespmem:s16+$0x50];
	[tilespmem:s16+$0xBB90] =	vst v0;
	v0 =	vadd.f32 v1, v6  }
0x2a0: {  	v4 =	vld [tilespmem:s16+$0x7D60];
	v6 =	vadd.f32 v8, v7  }
0x2a1: {  	s17 =	simm.s32 $0x80;
	[tilespmem:s16+$0xBBA0] =	vst v0;
	v0 =	vld [tilespmem:s16+$0x60]  }
0x2a2: {  	s18 =	simm.s32 $0x400;
	v5 =	vadd.f32 v9, v5;
	v1 =	vld [tilespmem:s17+$0x70];
	[tilespmem:s16+$0xBBB0] =	vst v6  }
.LBB2_43:
0x2a3: {  	p1 =	sne.s32 s18, $0xF800;
	v6 =	vld [tilespmem:s17+$0x7D70]  }
0x2a4: {  	v7 =	vld [tilespmem:s17+$0x0];
	[tilespmem:s16+$0xBBC0] =	vst v5;
	v2 =	vadd.f32 v3, v2  }
0x2a5: {  	v3 =	vld [tilespmem:s17+$0x7D00]  }
0x2a6: {  	v5 =	vld [tilespmem:s17+$0x10];
	[tilespmem:s16+$0xBBD0] =	vst v2;
	v0 =	vadd.f32 v4, v0  }
0x2a7: {  	v2 =	vld [tilespmem:s17+$0x7D10]  }
0x2a8: {  	v4 =	vld [tilespmem:s17+$0x20];
	v1 =	vadd.f32 v6, v1;
	[tilespmem:s16+$0xBBE0] =	vst v0;
	s16 =	smov.u32 s17  }
0x2a9: {  	v0 =	vld [tilespmem:s16+$0x7D20]  }
0x2aa: {  	v3 =	vadd.f32 v3, v7;
	v6 =	vld [tilespmem:s16+$0x30];
	[tilespmem:s16+$0xBBF0] =	vst v1  }
0x2ab: {  	v1 =	vld [tilespmem:s16+$0x7D30]  }
0x2ac: {  	[tilespmem:s16+$0xBB80] =	vst v3;
	v2 =	vadd.f32 v2, v5;
	v5 =	vld [tilespmem:s16+$0x40]  }
0x2ad: {  	v7 =	vld [tilespmem:s16+$0x7D40]  }
.Ltmp24:
0x2ae: {  	[tilespmem:s16+$0xBB90] =	vst v2;
	v0 =	vadd.f32 v0, v4;
	v2 =	vld [tilespmem:s16+$0x50];
	(pc) =	sbr.rel @p1 .LBB2_43-.Ltmp24, $4  }
0x2af: {  	v3 =	vld [tilespmem:s16+$0x7D50]  }
0x2b0: {  	[tilespmem:s16+$0xBBA0] =	vst v0;
	v6 =	vadd.f32 v1, v6;
	v0 =	vld [tilespmem:s16+$0x60]  }
0x2b1: {  	s17 =	sshra.s32 s18, $0x2;
	v4 =	vld [tilespmem:s16+$0x7D60]  }
0x2b2: {  	s18 =	sadd.s32 $0x200, s18;
	v1 =	vld [tilespmem:s17+$0x70];
	[tilespmem:s16+$0xBBB0] =	vst v6;
	v5 =	vadd.f32 v7, v5  }
0x2b3: {  	v6 =	vld [tilespmem:s17+$0x7D70]  }
0x2b4: {  	v7 =	vld [tilespmem:s17+$0x0];
	[tilespmem:s16+$0xBBC0] =	vst v5;
	v2 =	vadd.f32 v3, v2  }
0x2b5: {  	v51 =	vld [tilespmem:s17+$0x7D00]  }
0x2b6: {  	v5 =	vld [tilespmem:s17+$0x10];
	[tilespmem:s16+$0xBBD0] =	vst v2;
	v0 =	vadd.f32 v4, v0  }
0x2b7: {  	v2 =	vld [tilespmem:s17+$0x7D10]  }
0x2b8: {  	v52 =	vld [tilespmem:s17+$0x20];
	[tilespmem:s16+$0xBBE0] =	vst v0  }
0x2b9: {  	v54 =	vld [tilespmem:s17+$0x7D20]  }
0x2ba: {  	v55 =	vld [tilespmem:s17+$0x30]  }
0x2bb: {  	v56 =	vld [tilespmem:s17+$0x7D30]  }
0x2bc: {  	v57 =	vld [tilespmem:s17+$0x40]  }
0x2bd: {  	v58 =	vld [tilespmem:s17+$0x7D40]  }
0x2be: {  	v59 =	vld [tilespmem:s17+$0x50]  }
0x2bf: {  	v53 =	vadd.f32 v6, v1;
	v60 =	vld [tilespmem:s17+$0x7D50]  }
0x2c0: {  	v61 =	vld [tilespmem:s17+$0x60];
	v3 =	vadd.f32 v51, v7  }
0x2c1: {  	v62 =	vld [tilespmem:s17+$0x7D60];
	[tilespmem:s17+$0xBBF0] =	vst v53;
	v2 =	vadd.f32 v2, v5  }
0x2c2: {  	s18 =	sadd.s32 s6, s14;
	[tilespmem:s17+$0xBB80] =	vst v3;
	v1 =	vadd.f32 v54, v52  }
0x2c3: {  	s16 =	smul.u32 $0x2710, s18;
	[tilespmem:s17+$0xBB90] =	vst v2;
	v0 =	vadd.f32 v56, v55  }
0x2c4: {  	p1 =	sne.s32 s8, $0xB;
	v3 =	vadd.f32 v58, v57;
	[tilespmem:s17+$0xBBA0] =	vst v1  }
.Ltmp25:
0x2c5: {  	s16 =	sadd.s32 s19, s16;
	v63 =	vadd.f32 v60, v59;
	[tilespmem:s17+$0xBBB0] =	vst v0;
	(pc) =	sbr.rel @p1 .LBB2_46-.Ltmp25, $4  }
0x2c6: {  	s16 =	sshll.u32 s16, $0x4;
	[tilespmem:s17+$0xBBC0] =	vst v3;
	v1 =	vadd.f32 v62, v61  }
0x2c7: {  	s16 =	sand.u32 $0x1FFFFFF0, s16;
	[tilespmem:s17+$0xBBD0] =	vst v63  }
0x2c8: {  	s16 =	sadd.s32 s3, s16;
	[tilespmem:s17+$0xBBE0] =	vst v1  }
0x2c9: {  	[hbm4b:s16+s4] =	stream.linear.scatter [tilespmem:s29], [sflag:$0x3], $0x3E80, $0x38;
	[tilespmem:$0x13880] =	vst v63  }
.Ltmp26:
0x2ca: {  	(pc) =	sbr.rel .LBB2_47-.Ltmp26, $4  }
0x2cb: {  	_ = 	snop  }
0x2cc: {  	_ =	swait.ge [sflag:s30], $0x3E80  }
0x2cd: {  	[sflag:s30] =	ssyncset.done $0x0  }
0x2ce: {  	[sflag:s30] =	ssyncadd.s32 $0xFFFFC180  }
.LBB2_46:
0x2cf: {  	s14 =	sadd.s32 s14, s11  }
0x2d0: {  	s14 =	smul.u32 $0x2710, s14;
	_ =	sdelay $0x1  }
0x2d1: {  	s14 =	sadd.s32 s19, s14  }
0x2d2: {  	s14 =	sshll.u32 s14, $0x4  }
0x2d3: {  	s14 =	sand.u32 $0x1FFFFFF0, s14  }
.Ltmp27:
0x2d4: {  	s14 =	sadd.s32 s1, s14;
	(pc) =	sbr.rel @p0 .LBB2_48-.Ltmp27, $4  }
0x2d5: {  	[tilespmem:s4], [sflag:$0x1] =	stream.linear.gather [hbm4b:s14+s4], $0x3E80, $0x38;
	[tilespmem:$0x13880] =	vst v63  }
0x2d6: {  	_ =	swait.ge [sflag:s30], $0x3E80  }
0x2d7: {  	[sflag:s30] =	ssyncset.done $0x0  }
0x2d8: {  	[sflag:s30] =	ssyncadd.s32 $0xFFFFC180  }
.LBB2_47:
0x2d9: {  	_ =	swait.ge [sflag:s31], $0x3E80  }
0x2da: {  	[sflag:s31] =	ssyncset.done $0x0  }
0x2db: {  	[sflag:s31] =	ssyncadd.s32 $0xFFFFC180  }
.LBB2_48:
0x2dc: {  	s14 =	simm.s32 $0x0  }
0x2dd: {  	v0 =	vld [tilespmem:s14+$0x3EF0]  }
0x2de: {  	v1 =	vld [tilespmem:s14+$0x7D70]  }
0x2df: {  	v2 =	vld [tilespmem:s14+$0x3E80]  }
0x2e0: {  	v3 =	vld [tilespmem:s14+$0x7D00]  }
0x2e1: {  	v4 =	vld [tilespmem:s14+$0x3E90]  }
0x2e2: {  	v5 =	vld [tilespmem:s14+$0x7D10]  }
0x2e3: {  	v6 =	vld [tilespmem:s14+$0x3EA0]  }
0x2e4: {  	v7 =	vld [tilespmem:s14+$0x3EB0]  }
0x2e5: {  	v0 =	vadd.f32 v1, v0;
	v1 =	vld [tilespmem:s14+$0x7D20]  }
0x2e6: {  	v8 =	vld [tilespmem:s14+$0x7D30]  }
0x2e7: {  	v9 =	vld [tilespmem:s14+$0x7D40];
	v2 =	vadd.f32 v3, v2  }
0x2e8: {  	[tilespmem:s14+$0xFA70] =	vst v0;
	v0 =	vadd.f32 v5, v4;
	v5 =	vld [tilespmem:s14+$0x3EC0]  }
0x2e9: {  	v3 =	vld [tilespmem:s14+$0x7D50];
	[tilespmem:s14+$0xFA00] =	vst v2  }
0x2ea: {  	v2 =	vld [tilespmem:s14+$0x3ED0];
	[tilespmem:s14+$0xFA10] =	vst v0;
	v0 =	vadd.f32 v1, v6  }
0x2eb: {  	v4 =	vld [tilespmem:s14+$0x7D60];
	v6 =	vadd.f32 v8, v7  }
0x2ec: {  	s16 =	simm.s32 $0x80;
	[tilespmem:s14+$0xFA20] =	vst v0;
	v0 =	vld [tilespmem:s14+$0x3EE0]  }
0x2ed: {  	s17 =	simm.s32 $0x400;
	v5 =	vadd.f32 v9, v5;
	v1 =	vld [tilespmem:s16+$0x3EF0];
	[tilespmem:s14+$0xFA30] =	vst v6  }
.LBB2_49:
0x2ee: {  	p0 =	sne.s32 s17, $0xF800;
	v6 =	vld [tilespmem:s16+$0x7D70]  }
0x2ef: {  	v7 =	vld [tilespmem:s16+$0x3E80];
	[tilespmem:s14+$0xFA40] =	vst v5;
	v2 =	vadd.f32 v3, v2  }
0x2f0: {  	v3 =	vld [tilespmem:s16+$0x7D00]  }
0x2f1: {  	v5 =	vld [tilespmem:s16+$0x3E90];
	[tilespmem:s14+$0xFA50] =	vst v2;
	v0 =	vadd.f32 v4, v0  }
0x2f2: {  	v2 =	vld [tilespmem:s16+$0x7D10]  }
0x2f3: {  	v4 =	vld [tilespmem:s16+$0x3EA0];
	v1 =	vadd.f32 v6, v1;
	[tilespmem:s14+$0xFA60] =	vst v0;
	s14 =	smov.u32 s16  }
0x2f4: {  	v0 =	vld [tilespmem:s14+$0x7D20]  }
0x2f5: {  	v3 =	vadd.f32 v3, v7;
	v6 =	vld [tilespmem:s14+$0x3EB0];
	[tilespmem:s14+$0xFA70] =	vst v1  }
0x2f6: {  	v1 =	vld [tilespmem:s14+$0x7D30]  }
0x2f7: {  	[tilespmem:s14+$0xFA00] =	vst v3;
	v2 =	vadd.f32 v2, v5;
	v5 =	vld [tilespmem:s14+$0x3EC0]  }
0x2f8: {  	v7 =	vld [tilespmem:s14+$0x7D40]  }
.Ltmp28:
0x2f9: {  	[tilespmem:s14+$0xFA10] =	vst v2;
	v0 =	vadd.f32 v0, v4;
	v2 =	vld [tilespmem:s14+$0x3ED0];
	(pc) =	sbr.rel @p0 .LBB2_49-.Ltmp28, $4  }
0x2fa: {  	v3 =	vld [tilespmem:s14+$0x7D50]  }
0x2fb: {  	[tilespmem:s14+$0xFA20] =	vst v0;
	v6 =	vadd.f32 v1, v6;
	v0 =	vld [tilespmem:s14+$0x3EE0]  }
0x2fc: {  	s16 =	sshra.s32 s17, $0x2;
	v4 =	vld [tilespmem:s14+$0x7D60]  }
0x2fd: {  	s17 =	sadd.s32 $0x200, s17;
	v1 =	vld [tilespmem:s16+$0x3EF0];
	[tilespmem:s14+$0xFA30] =	vst v6;
	v5 =	vadd.f32 v7, v5  }
0x2fe: {  	v6 =	vld [tilespmem:s16+$0x7D70]  }
0x2ff: {  	v7 =	vld [tilespmem:s16+$0x3E80];
	[tilespmem:s14+$0xFA40] =	vst v5;
	v2 =	vadd.f32 v3, v2  }
0x300: {  	v51 =	vld [tilespmem:s16+$0x7D00]  }
0x301: {  	v5 =	vld [tilespmem:s16+$0x3E90];
	[tilespmem:s14+$0xFA50] =	vst v2;
	v0 =	vadd.f32 v4, v0  }
0x302: {  	v2 =	vld [tilespmem:s16+$0x7D10]  }
0x303: {  	v52 =	vld [tilespmem:s16+$0x3EA0];
	[tilespmem:s14+$0xFA60] =	vst v0  }
0x304: {  	v54 =	vld [tilespmem:s16+$0x7D20]  }
0x305: {  	v55 =	vld [tilespmem:s16+$0x3EB0]  }
0x306: {  	v56 =	vld [tilespmem:s16+$0x7D30]  }
0x307: {  	v57 =	vld [tilespmem:s16+$0x3EC0]  }
0x308: {  	v58 =	vld [tilespmem:s16+$0x7D40]  }
0x309: {  	v59 =	vld [tilespmem:s16+$0x3ED0]  }
0x30a: {  	v53 =	vadd.f32 v6, v1;
	v60 =	vld [tilespmem:s16+$0x7D50]  }
0x30b: {  	v61 =	vld [tilespmem:s16+$0x3EE0];
	v3 =	vadd.f32 v51, v7  }
0x30c: {  	v62 =	vld [tilespmem:s16+$0x7D60];
	[tilespmem:s16+$0xFA70] =	vst v53;
	v2 =	vadd.f32 v2, v5  }
0x30d: {  	[tilespmem:s16+$0xFA00] =	vst v3;
	v1 =	vadd.f32 v54, v52  }
0x30e: {  	s8 =	sadd.s32 $0x1, s8;
	[tilespmem:s16+$0xFA10] =	vst v2;
	v0 =	vadd.f32 v56, v55  }
0x30f: {  	p0 =	sne.s32 s8, $0xC;
	v3 =	vadd.f32 v58, v57;
	[tilespmem:s16+$0xFA20] =	vst v1  }
.Ltmp29:
0x310: {  	v63 =	vadd.f32 v60, v59;
	[tilespmem:s16+$0xFA30] =	vst v0;
	(pc) =	sbr.rel @p0 .LBB2_42-.Ltmp29, $4  }
0x311: {  	[tilespmem:s16+$0xFA40] =	vst v3;
	v1 =	vadd.f32 v62, v61  }
0x312: {  	[tilespmem:s16+$0xFA50] =	vst v63  }
0x313: {  	s13 =	sadd.s32 s3, s13;
	[tilespmem:s16+$0xFA60] =	vst v1  }
0x314: {  	[hbm4b:s13+s4] =	stream.linear.scatter [tilespmem:s0], [sflag:$0x4], $0x3E80, $0x38;
	[tilespmem:$0x13880] =	vst v63  }
0x315: {  	s7 =	sadd.s32 $0x1, s7  }
0x316: {  	_ =	swait.ge [sflag:s2], $0x3E80;
	p0 =	sne.s32 s7, s23  }
.Ltmp30:
0x317: {  	[sflag:s2] =	ssyncset.done $0x0;
	(pc) =	sbr.rel @p0 .LBB2_1-.Ltmp30, $4  }
0x318: {  	[sflag:s2] =	ssyncadd.s32 $0xFFFFC180  }
0x319: {  	_ =	swait.ge [sflag:s31], $0x3E80  }
0x31a: {  	[sflag:s31] =	ssyncset.done $0x0  }
0x31b: {  	[sflag:s31] =	ssyncadd.s32 $0xFFFFC180  }
0x31c: {  	_ =	sfence.sel $0x180000  }
0x31d: {  	[bflag:$0x0] =	sbarrier.arrive $0xFFFF  }
0x31e: {  	_ =	strace $0x90000047  }
0x31f: {  	s0 =	stileid.u32;
	[bflag:$0x2] =	sbarrier.arrive $0xFFFF  }
0x320: {  	p0 =	sne.s32 s0, $0x0;
	s0 =	rddreg [dreg:$0x3]  }
0x321: {  	s0 =	sadd.s32 @!p0 $0x100000, s0  }
0x322: {  	[sflag:s0] =	ssyncadd.tile.s32 @!p0 $0x1;
	_ =	shalt  }
.Lfunc_end2:
_tile_overlayer_lowered:
.L_overlay_start_2:
0x323: {  	(tag) =	ssettag $0x2  }
0x324: {  	s0 =	rddreg [dreg:$0x0];
	s2 =	stileid.u32  }
0x325: {  	s1 =	rddreg [dreg:$0x1];
	p0 =	sne.s32 s2, $0x0  }
0x326: {  	s3 =	rddreg [dreg:$0x2];
	[bflag:$0x3] =	sbarrier.arrive $0xFFFF;
	s2 =	simm.s32 @!p0 $0x1C05  }
0x327: {  	[timem:s3], [sflag:s2] =	dma.local @!p0 [hbm:s0], s1  }
0x328: {  	s0 =	simm.s32 @!p0 $0x5  }
0x329: {  	_ =	swait.ge @!p0 [sflag:s0], s1  }
0x32a: {  	s1 =	ssub.s32 @!p0 $0x0, s1;
	[sflag:s0] =	ssyncset.done @!p0 $0x0  }
0x32b: {  	[sflag:s0] =	ssyncadd.s32 @!p0 s1  }
0x32c: {  	[bflag:$0x3] =	sbarrier.arrive $0xFFFF  }
0x32d: {  	_ =	shalt  }

</sc_bundles>
